<compile_context>
chip_gen: v7x
topology: tpu7x:2x2x1
jax: 0.10.2.dev20260603
libtpu: 0.0.44.dev20260713+nightly
codegen_flags: <defaults>
</compile_context>

<pallas_src>
import jax
import jax.numpy as jnp
import numpy as np
from jax import lax
from jax.experimental import pallas as pl
from jax.experimental.pallas import tpu as pltpu
from jax.experimental.pallas import tpu_sc as plsc

N_NODES = 10000
NPAD = 10240
N_EDGES = 320000
D = 32
PK = 128 // D
NPK = NPAD // PK

NC = 2
NS = 16
NW = NC * NS
E_PAD = 327680
EDGES_PER_TILE = E_PAD // NW
CHUNK = 128
NCHUNK = EDGES_PER_TILE // CHUNK
ROWS_PER_TILE = NPAD // NS
PROWS_PER_TILE = ROWS_PER_TILE // PK
DEG_W = 8
NBUF = 6
LOOKAHEAD = 3
_NPAD_E = E_PAD - N_EDGES
_PAD_BLOCK = np.stack([
    np.arange(_NPAD_E, dtype=np.int32) % N_NODES,
    N_NODES + (np.arange(_NPAD_E, dtype=np.int32) % (NPAD - N_NODES)),
])

_mesh = plsc.VectorSubcoreMesh(core_axis_name="c", subcore_axis_name="s",
                               num_cores=NC, num_subcores=NS)
_sc_params = pltpu.CompilerParams(use_tc_tiling_on_sc=False,
                                  needs_layout_passes=False)


def _wid(c, s):
    return s * NC + c


def _sc_degree(e3, ones_h, zeros_h, deg_p,
               idx_v, ones_v, slab_v, pack_v, acc_sh, sem):
    c = lax.axis_index("c")
    s = lax.axis_index("s")
    w = _wid(c, s)
    pltpu.sync_copy(zeros_h.at[pl.ds(s * ROWS_PER_TILE, ROWS_PER_TILE)],
                    acc_sh.at[pl.ds(s * ROWS_PER_TILE, ROWS_PER_TILE)])
    pltpu.sync_copy(ones_h, ones_v)
    pltpu.sync_copy(e3.at[1, w], idx_v)
    plsc.subcore_barrier()

    def body(j, carry):
        @pl.when(j >= NBUF)
        def _():
            pltpu.make_async_copy(ones_v, acc_sh.at[idx_v.at[0]],
                                  sem.at[j % NBUF]).wait()
        pltpu.async_copy(ones_v, acc_sh.at[idx_v.at[j]], sem.at[j % NBUF],
                         add=True)
        return carry

    lax.fori_loop(0, NCHUNK, body, 0)
    for b in range(NBUF):
        pltpu.make_async_copy(ones_v, acc_sh.at[idx_v.at[0]],
                              sem.at[b]).wait()
    plsc.subcore_barrier()

    pltpu.sync_copy(acc_sh.at[pl.ds(s * ROWS_PER_TILE, ROWS_PER_TILE)],
                    slab_v)

    def pack_row(i, carry):
        for half in range(8):
            node = PK * i + half // 2
            idx = jnp.full((16,), node, jnp.int32)
            col = jnp.zeros((16,), jnp.int32)
            v = plsc.load_gather(slab_v, [idx, col])
            pack_v[i, pl.ds(16 * half, 16)] = v
        return carry

    lax.fori_loop(0, PROWS_PER_TILE, pack_row, 0)
    pltpu.sync_copy(pack_v,
                    deg_p.at[c, pl.ds(s * PROWS_PER_TILE, PROWS_PER_TILE)])


def _degree(e3, ones_h, zeros_h):
    f = pl.kernel(
        _sc_degree,
        out_type=jax.ShapeDtypeStruct((NC, NPK, 128), jnp.float32),
        mesh=_mesh,
        compiler_params=_sc_params,
        scratch_types=[
            pltpu.VMEM((NCHUNK, CHUNK), jnp.int32),
            pltpu.VMEM((CHUNK, DEG_W), jnp.float32),
            pltpu.VMEM((ROWS_PER_TILE, DEG_W), jnp.float32),
            pltpu.VMEM((PROWS_PER_TILE, 128), jnp.float32),
            pltpu.VMEM_SHARED((NPAD, DEG_W), jnp.float32),
            pltpu.SemaphoreType.DMA((NBUF,)),
        ],
    )
    return f(e3, ones_h, zeros_h)


def _sc_aggregate(e3, xws, zeros_h, part,
                  sidx_v, didx_v, rows_v, acc_sh, gsem, ssem):
    c = lax.axis_index("c")
    s = lax.axis_index("s")
    w = _wid(c, s)
    pltpu.sync_copy(zeros_h.at[pl.ds(s * ROWS_PER_TILE, ROWS_PER_TILE)],
                    acc_sh.at[pl.ds(s * ROWS_PER_TILE, ROWS_PER_TILE)])
    pltpu.sync_copy(e3.at[0, w], sidx_v)
    pltpu.sync_copy(e3.at[1, w], didx_v)
    plsc.subcore_barrier()

    def gather(j, b):
        pltpu.async_copy(xws.at[sidx_v.at[j]], rows_v.at[b], gsem.at[b])

    def scatter(j, b):
        pltpu.async_copy(rows_v.at[b], acc_sh.at[didx_v.at[j]], ssem.at[b],
                         add=True)

    for j in range(LOOKAHEAD):
        gather(j, j % NBUF)

    def body(j, carry):
        bg = (j + LOOKAHEAD) % NBUF

        @pl.when(j + LOOKAHEAD < NCHUNK)
        def _():
            @pl.when(j + LOOKAHEAD >= NBUF)
            def _():
                pltpu.make_async_copy(rows_v.at[bg],
                                      acc_sh.at[didx_v.at[0]],
                                      ssem.at[bg]).wait()
            gather(j + LOOKAHEAD, bg)

        b = j % NBUF
        pltpu.make_async_copy(xws.at[sidx_v.at[j]], rows_v.at[b],
                              gsem.at[b]).wait()
        scatter(j, b)
        return carry

    lax.fori_loop(0, NCHUNK, body, 0)
    for b in range(NBUF):
        pltpu.make_async_copy(rows_v.at[b], acc_sh.at[didx_v.at[0]],
                              ssem.at[b]).wait()
    plsc.subcore_barrier()
    pltpu.sync_copy(acc_sh.at[pl.ds(s * ROWS_PER_TILE, ROWS_PER_TILE)],
                    part.at[c, pl.ds(s * ROWS_PER_TILE, ROWS_PER_TILE)])


def _aggregate(e3, xws, zeros_h):
    f = pl.kernel(
        _sc_aggregate,
        out_type=jax.ShapeDtypeStruct((NC, NPAD, D), jnp.float32),
        mesh=_mesh,
        compiler_params=_sc_params,
        scratch_types=[
            pltpu.VMEM((NCHUNK, CHUNK), jnp.int32),
            pltpu.VMEM((NCHUNK, CHUNK), jnp.int32),
            pltpu.VMEM((NBUF, CHUNK, D), jnp.float32),
            pltpu.VMEM_SHARED((NPAD, D), jnp.float32),
            pltpu.SemaphoreType.DMA((NBUF,)),
            pltpu.SemaphoreType.DMA((NBUF,)),
        ],
    )
    return f(e3, xws, zeros_h)


BRP = 320


def _tc_stage1(deg_ref, xp_ref, w_ref, dinv_ref, xws_ref):
    dinv = lax.rsqrt(deg_ref[0] + deg_ref[1] + 1.0)
    dinv_ref[...] = dinv
    xw = jnp.dot(xp_ref[...], w_ref[...],
                 preferred_element_type=jnp.float32,
                 precision=lax.Precision.HIGHEST)
    xws_ref[...] = xw * dinv


def _stage1(deg_p, xp, Wbd1):
    grid = (NPK // BRP,)
    return pl.pallas_call(
        _tc_stage1,
        grid=grid,
        in_specs=[
            pl.BlockSpec((NC, BRP, 128), lambda i: (0, i, 0)),
            pl.BlockSpec((BRP, PK * 128), lambda i: (i, 0)),
            pl.BlockSpec((PK * 128, 128), lambda i: (0, 0)),
        ],
        out_specs=[
            pl.BlockSpec((BRP, 128), lambda i: (i, 0)),
            pl.BlockSpec((BRP, 128), lambda i: (i, 0)),
        ],
        out_shape=[
            jax.ShapeDtypeStruct((NPK, 128), jnp.float32),
            jax.ShapeDtypeStruct((NPK, 128), jnp.float32),
        ],
    )(deg_p, xp, Wbd1)


def _tc_stage_mid(part_ref, xws_ref, dinv_ref, b_ref, w_ref, out_ref):
    dinv = dinv_ref[...]
    tot = part_ref[0] + part_ref[1] + xws_ref[...]
    h = dinv * tot + b_ref[...]
    h = jnp.where(h > 0, h, jnp.exp(h) - 1.0)
    hw = jnp.dot(h, w_ref[...],
                 preferred_element_type=jnp.float32,
                 precision=lax.Precision.HIGHEST)
    out_ref[...] = hw * dinv


def _stage_mid(part_p, xws_p, dinv_p, b_p, Wbd):
    grid = (NPK // BRP,)
    return pl.pallas_call(
        _tc_stage_mid,
        grid=grid,
        in_specs=[
            pl.BlockSpec((NC, BRP, 128), lambda i: (0, i, 0)),
            pl.BlockSpec((BRP, 128), lambda i: (i, 0)),
            pl.BlockSpec((BRP, 128), lambda i: (i, 0)),
            pl.BlockSpec((1, 128), lambda i: (0, 0)),
            pl.BlockSpec((128, 128), lambda i: (0, 0)),
        ],
        out_specs=pl.BlockSpec((BRP, 128), lambda i: (i, 0)),
        out_shape=jax.ShapeDtypeStruct((NPK, 128), jnp.float32),
    )(part_p, xws_p, dinv_p, b_p, Wbd)


def _tc_stage_out(part_ref, xws_ref, dinv_ref, b_ref, out_ref):
    tot = part_ref[0] + part_ref[1] + xws_ref[...]
    out_ref[...] = dinv_ref[...] * tot + b_ref[...]


def _stage_out(part_p, xws_p, dinv_p, b_p):
    grid = (NPK // BRP,)
    return pl.pallas_call(
        _tc_stage_out,
        grid=grid,
        in_specs=[
            pl.BlockSpec((NC, BRP, 128), lambda i: (0, i, 0)),
            pl.BlockSpec((BRP, 128), lambda i: (i, 0)),
            pl.BlockSpec((BRP, 128), lambda i: (i, 0)),
            pl.BlockSpec((1, 128), lambda i: (0, 0)),
        ],
        out_specs=pl.BlockSpec((BRP, 128), lambda i: (i, 0)),
        out_shape=jax.ShapeDtypeStruct((NPK, 128), jnp.float32),
    )(part_p, xws_p, dinv_p, b_p)


def kernel(x, edge_index, W1, b1, W2, b2, W3, b3):
    e3 = jnp.concatenate(
        [edge_index.astype(jnp.int32), jnp.asarray(_PAD_BLOCK)], axis=1
    ).reshape(2, NW, NCHUNK, CHUNK)

    zerosD = jnp.zeros((NPAD, D), jnp.float32)
    zeros_deg = jnp.zeros((NPAD, DEG_W), jnp.float32)
    ones_h = jnp.ones((CHUNK, DEG_W), jnp.float32)

    eye4 = jnp.eye(PK, dtype=jnp.float32)
    Wbd1 = jnp.kron(eye4, W1)
    Wbd2 = jnp.kron(eye4, W2)
    W3p = jnp.pad(W3, ((0, 0), (0, D - W3.shape[1])))
    Wbd3 = jnp.kron(eye4, W3p)
    b1_p = jnp.tile(b1, PK).reshape(1, 128)
    b2_p = jnp.tile(b2, PK).reshape(1, 128)
    b3_p = jnp.tile(jnp.pad(b3, (0, D - b3.shape[0])), PK).reshape(1, 128)

    xp = jnp.zeros((NPAD, x.shape[1]), jnp.float32).at[:N_NODES].set(x)
    xp = xp.reshape(NPK, PK * x.shape[1])

    deg_p = _degree(e3, ones_h, zeros_deg)
    dinv_p, xws1_p = _stage1(deg_p, xp, Wbd1)

    part1 = _aggregate(e3, xws1_p.reshape(NPAD, D), zerosD)
    xws2_p = _stage_mid(part1.reshape(NC, NPK, 128), xws1_p, dinv_p, b1_p,
                        Wbd2)

    part2 = _aggregate(e3, xws2_p.reshape(NPAD, D), zerosD)
    xws3_p = _stage_mid(part2.reshape(NC, NPK, 128), xws2_p, dinv_p, b2_p,
                        Wbd3)

    part3 = _aggregate(e3, xws3_p.reshape(NPAD, D), zerosD)
    out_p = _stage_out(part3.reshape(NC, NPK, 128), xws3_p, dinv_p, b3_p)

    return out_p.reshape(NPAD, D)[:N_NODES, :b3.shape[0]]

# --- scband reference (transcript-rebuilt; emitter-appended) ---
"""Pipeline reference for scband-basic-graph-model-64484638982496 (READ-ONLY COPY).

The authoritative reference and input builder live on the scoring server;
editing this copy changes nothing except your own understanding.
"""

import jax, jax.numpy as jnp
import numpy as np

N_NODES = 10000
N_EDGES = 320000
D_IN = 128
D_HID = 32
D_OUT = 16


def setup_inputs(seed: int = 0) -> dict:
    key = jax.random.key(seed)
    ks = jax.random.split(key, 8)
    x = jax.random.normal(ks[0], (N_NODES, D_IN), dtype=jnp.float32)
    edge_index = jax.random.randint(ks[1], (2, N_EDGES), 0, N_NODES, dtype=jnp.int64)
    # GCNConv layer parameters (glorot-style init)
    W1 = jax.random.normal(ks[2], (D_IN, D_HID), dtype=jnp.float32) * (1.0 / np.sqrt(D_IN))
    b1 = jnp.zeros((D_HID,), dtype=jnp.float32)
    W2 = jax.random.normal(ks[3], (D_HID, D_HID), dtype=jnp.float32) * (1.0 / np.sqrt(D_HID))
    b2 = jnp.zeros((D_HID,), dtype=jnp.float32)
    W3 = jax.random.normal(ks[4], (D_HID, D_OUT), dtype=jnp.float32) * (1.0 / np.sqrt(D_HID))
    b3 = jnp.zeros((D_OUT,), dtype=jnp.float32)
    return {"x": x, "edge_index": edge_index, "W1": W1, "b1": b1, "W2": W2, "b2": b2, "W3": W3, "b3": b3}


def _gcn_conv(x, src, dst, norm, W, b):
    # GCNConv: out = D^{-1/2} (A + I) D^{-1/2} X W + b
    xw = x @ W
    msg = xw[src] * norm[:, None]
    out = jnp.zeros((x.shape[0], W.shape[1]), dtype=x.dtype).at[dst].add(msg)
    return out + b


def _build_norm(edge_index, n_nodes):
    self_loops = jnp.arange(n_nodes, dtype=edge_index.dtype)
    src = jnp.concatenate([edge_index[0], self_loops])
    dst = jnp.concatenate([edge_index[1], self_loops])
    deg = jnp.zeros((n_nodes,), dtype=jnp.float32).at[dst].add(1.0)
    dinv = jnp.where(deg > 0, jax.lax.rsqrt(deg), 0.0)
    norm = dinv[src] * dinv[dst]
    return src, dst, norm


def reference(x, edge_index, W1, b1, W2, b2, W3, b3):
    src, dst, norm = _build_norm(edge_index, x.shape[0])
    h = _gcn_conv(x, src, dst, norm, W1, b1)
    # dropout is identity at inference
    h = jax.nn.elu(h)
    h = _gcn_conv(h, src, dst, norm, W2, b2)
    h = jax.nn.elu(h)
    out = _gcn_conv(h, src, dst, norm, W3, b3)
    return out

if __name__ == "__main__":
    import jax
    _d = setup_inputs()
    print(jax.jit(kernel)(*tuple(_d.values())))

</pallas_src>

<mosaic_0001>
#map = affine_map<(d0, d1) -> (0, 0, 0, 0)>
#map1 = affine_map<(d0, d1) -> (0, 0)>
#map2 = affine_map<(d0, d1) -> (0, 0, 0)>
module attributes {stable_mosaic.version = 14 : i64} {
  func.func @_sc_aggregate(%arg0: i32, %arg1: i32, %arg2: memref<2x32x80x128xi32, #tpu.memory_space<hbm>>, %arg3: memref<10240x32xf32, #tpu.memory_space<hbm>>, %arg4: memref<10240x32xf32, #tpu.memory_space<hbm>>, %arg5: memref<2x10240x32xf32, #tpu.memory_space<hbm>>, %arg6: memref<80x128xi32, #tpu.memory_space<vmem>>, %arg7: memref<80x128xi32, #tpu.memory_space<vmem>>, %arg8: memref<6x128x32xf32, #tpu.memory_space<vmem>>, %arg9: memref<10240x32xf32, #tpu.memory_space<vmem_shared>>, %arg10: memref<6x!tpu.dma_semaphore, #tpu.memory_space<semaphore_mem>>, %arg11: memref<6x!tpu.dma_semaphore, #tpu.memory_space<semaphore_mem>>) attributes {dimension_semantics = [#tpu.dimension_semantics<core_parallel>, #tpu.dimension_semantics<subcore_parallel>], iteration_bounds = array<i64: 2, 16>, scalar_prefetch = 0 : i64, scratch_operands = 6 : i64, tpu.core_type = #tpu.core_type<sc_vector_subcore>, window_params = [{transform_indices = #map}, {transform_indices = #map1}, {transform_indices = #map1}, {transform_indices = #map2}]} {
    %mul3A = arith.constant 2 : i32
    %mul3A_0 = arith.muli %arg1, %mul3A : i32
    %add3A = arith.addi %mul3A_0, %arg0 : i32
    %mul3A_1 = arith.constant 640 : i32
    %mul3A_2 = arith.muli %arg1, %mul3A_1 : i32
    %mul3A_3 = arith.constant 640 : i32
    %mul3A_4 = arith.muli %arg1, %mul3A_3 : i32
    "tpu.region"() ({
      %run_scoped3A_149 = tpu.sem_alloc : memref<!tpu.dma_semaphore, #tpu.memory_space<semaphore_mem>>
      %dma_start3A_150 = arith.constant 0 : i32
      %dma_start3A_151 = tpu.memref_slice %arg9[%mul3A_4, %dma_start3A_150] : memref<10240x32xf32, #tpu.memory_space<vmem_shared>> -> memref<640x32xf32, #tpu.memory_space<vmem_shared>>
      %dma_start3A_152 = arith.constant 0 : i32
      %dma_start3A_153 = tpu.memref_slice %arg4[%mul3A_2, %dma_start3A_152] : memref<10240x32xf32, #tpu.memory_space<hbm>> -> memref<640x32xf32, #tpu.memory_space<hbm>>
      tpu.enqueue_dma source(%dma_start3A_153 : memref<640x32xf32, #tpu.memory_space<hbm>>) target(%dma_start3A_151 : memref<640x32xf32, #tpu.memory_space<vmem_shared>>) target_semaphore(%run_scoped3A_149 : memref<!tpu.dma_semaphore, #tpu.memory_space<semaphore_mem>>)
      %dma_wait3A_154 = arith.constant 0 : i32
      %dma_wait3A_155 = tpu.memref_slice %arg9[%mul3A_4, %dma_wait3A_154] : memref<10240x32xf32, #tpu.memory_space<vmem_shared>> -> memref<640x32xf32, #tpu.memory_space<vmem_shared>>
      %dma_wait3A_156 = arith.constant 0 : i32
      %dma_wait3A_157 = tpu.memref_slice %arg4[%mul3A_2, %dma_wait3A_156] : memref<10240x32xf32, #tpu.memory_space<hbm>> -> memref<640x32xf32, #tpu.memory_space<hbm>>
      tpu.wait_dma2 semaphore(%run_scoped3A_149 : memref<!tpu.dma_semaphore, #tpu.memory_space<semaphore_mem>>) src(%dma_wait3A_157 : memref<640x32xf32, #tpu.memory_space<hbm>>) dst(%dma_wait3A_155 : memref<640x32xf32, #tpu.memory_space<vmem_shared>>)
      tpu.yield
    }) : () -> ()
    %run_scoped3A = arith.constant 0 : i32
    "tpu.region"() ({
      %run_scoped3A_149 = tpu.sem_alloc : memref<!tpu.dma_semaphore, #tpu.memory_space<semaphore_mem>>
      %dma_start3A_150 = arith.constant 0 : i32
      %dma_start3A_151 = arith.constant 0 : i32
      %dma_start3A_152 = tpu.memref_slice %arg2[%run_scoped3A, %add3A, %dma_start3A_150, %dma_start3A_151] : memref<2x32x80x128xi32, #tpu.memory_space<hbm>> -> memref<1x1x80x128xi32, #tpu.memory_space<hbm>>
      %dma_start3A_153 = tpu.memref_squeeze %dma_start3A_152 : memref<1x1x80x128xi32, #tpu.memory_space<hbm>> -> memref<80x128xi32, #tpu.memory_space<hbm>>
      %dma_start3A_154 = arith.constant 0 : i32
      %dma_start3A_155 = arith.constant 0 : i32
      %dma_start3A_156 = tpu.memref_slice %arg2[%run_scoped3A, %add3A, %dma_start3A_154, %dma_start3A_155] : memref<2x32x80x128xi32, #tpu.memory_space<hbm>> -> memref<1x1x80x128xi32, #tpu.memory_space<hbm>>
      %dma_start3A_157 = tpu.memref_squeeze %dma_start3A_156 : memref<1x1x80x128xi32, #tpu.memory_space<hbm>> -> memref<80x128xi32, #tpu.memory_space<hbm>>
      tpu.enqueue_dma source(%dma_start3A_157 : memref<80x128xi32, #tpu.memory_space<hbm>>) target(%arg6 : memref<80x128xi32, #tpu.memory_space<vmem>>) target_semaphore(%run_scoped3A_149 : memref<!tpu.dma_semaphore, #tpu.memory_space<semaphore_mem>>)
      %dma_wait3A_158 = arith.constant 0 : i32
      %dma_wait3A_159 = arith.constant 0 : i32
      %dma_wait3A_160 = tpu.memref_slice %arg2[%run_scoped3A, %add3A, %dma_wait3A_158, %dma_wait3A_159] : memref<2x32x80x128xi32, #tpu.memory_space<hbm>> -> memref<1x1x80x128xi32, #tpu.memory_space<hbm>>
      %dma_wait3A_161 = tpu.memref_squeeze %dma_wait3A_160 : memref<1x1x80x128xi32, #tpu.memory_space<hbm>> -> memref<80x128xi32, #tpu.memory_space<hbm>>
      %dma_wait3A_162 = arith.constant 0 : i32
      %dma_wait3A_163 = arith.constant 0 : i32
      %dma_wait3A_164 = tpu.memref_slice %arg2[%run_scoped3A, %add3A, %dma_wait3A_162, %dma_wait3A_163] : memref<2x32x80x128xi32, #tpu.memory_space<hbm>> -> memref<1x1x80x128xi32, #tpu.memory_space<hbm>>
      %dma_wait3A_165 = tpu.memref_squeeze %dma_wait3A_164 : memref<1x1x80x128xi32, #tpu.memory_space<hbm>> -> memref<80x128xi32, #tpu.memory_space<hbm>>
      tpu.wait_dma2 semaphore(%run_scoped3A_149 : memref<!tpu.dma_semaphore, #tpu.memory_space<semaphore_mem>>) src(%dma_wait3A_165 : memref<80x128xi32, #tpu.memory_space<hbm>>) dst(%arg6 : memref<80x128xi32, #tpu.memory_space<vmem>>)
      tpu.yield
    }) : () -> ()
    %run_scoped3A_5 = arith.constant 1 : i32
    "tpu.region"() ({
      %run_scoped3A_149 = tpu.sem_alloc : memref<!tpu.dma_semaphore, #tpu.memory_space<semaphore_mem>>
      %dma_start3A_150 = arith.constant 0 : i32
      %dma_start3A_151 = arith.constant 0 : i32
      %dma_start3A_152 = tpu.memref_slice %arg2[%run_scoped3A_5, %add3A, %dma_start3A_150, %dma_start3A_151] : memref<2x32x80x128xi32, #tpu.memory_space<hbm>> -> memref<1x1x80x128xi32, #tpu.memory_space<hbm>>
      %dma_start3A_153 = tpu.memref_squeeze %dma_start3A_152 : memref<1x1x80x128xi32, #tpu.memory_space<hbm>> -> memref<80x128xi32, #tpu.memory_space<hbm>>
      %dma_start3A_154 = arith.constant 0 : i32
      %dma_start3A_155 = arith.constant 0 : i32
      %dma_start3A_156 = tpu.memref_slice %arg2[%run_scoped3A_5, %add3A, %dma_start3A_154, %dma_start3A_155] : memref<2x32x80x128xi32, #tpu.memory_space<hbm>> -> memref<1x1x80x128xi32, #tpu.memory_space<hbm>>
      %dma_start3A_157 = tpu.memref_squeeze %dma_start3A_156 : memref<1x1x80x128xi32, #tpu.memory_space<hbm>> -> memref<80x128xi32, #tpu.memory_space<hbm>>
      tpu.enqueue_dma source(%dma_start3A_157 : memref<80x128xi32, #tpu.memory_space<hbm>>) target(%arg7 : memref<80x128xi32, #tpu.memory_space<vmem>>) target_semaphore(%run_scoped3A_149 : memref<!tpu.dma_semaphore, #tpu.memory_space<semaphore_mem>>)
      %dma_wait3A_158 = arith.constant 0 : i32
      %dma_wait3A_159 = arith.constant 0 : i32
      %dma_wait3A_160 = tpu.memref_slice %arg2[%run_scoped3A_5, %add3A, %dma_wait3A_158, %dma_wait3A_159] : memref<2x32x80x128xi32, #tpu.memory_space<hbm>> -> memref<1x1x80x128xi32, #tpu.memory_space<hbm>>
      %dma_wait3A_161 = tpu.memref_squeeze %dma_wait3A_160 : memref<1x1x80x128xi32, #tpu.memory_space<hbm>> -> memref<80x128xi32, #tpu.memory_space<hbm>>
      %dma_wait3A_162 = arith.constant 0 : i32
      %dma_wait3A_163 = arith.constant 0 : i32
      %dma_wait3A_164 = tpu.memref_slice %arg2[%run_scoped3A_5, %add3A, %dma_wait3A_162, %dma_wait3A_163] : memref<2x32x80x128xi32, #tpu.memory_space<hbm>> -> memref<1x1x80x128xi32, #tpu.memory_space<hbm>>
      %dma_wait3A_165 = tpu.memref_squeeze %dma_wait3A_164 : memref<1x1x80x128xi32, #tpu.memory_space<hbm>> -> memref<80x128xi32, #tpu.memory_space<hbm>>
      tpu.wait_dma2 semaphore(%run_scoped3A_149 : memref<!tpu.dma_semaphore, #tpu.memory_space<semaphore_mem>>) src(%dma_wait3A_165 : memref<80x128xi32, #tpu.memory_space<hbm>>) dst(%arg7 : memref<80x128xi32, #tpu.memory_space<vmem>>)
      tpu.yield
    }) : () -> ()
    %barrier3A = arith.constant 0 : index
    tpu.barrier barrier_id(%barrier3A)
    %dma_start3A = arith.constant 0 : i32
    %dma_start3A_6 = arith.constant 0 : i32
    %dma_start3A_7 = arith.constant 0 : i32
    %dma_start3A_8 = arith.constant 0 : i32
    %dma_start3A_9 = arith.constant 0 : i32
    %dma_start3A_10 = tpu.memref_slice %arg8[%dma_start3A_6, %dma_start3A_8, %dma_start3A_9] : memref<6x128x32xf32, #tpu.memory_space<vmem>> -> memref<1x128x32xf32, #tpu.memory_space<vmem>>
    %dma_start3A_11 = tpu.memref_squeeze %dma_start3A_10 : memref<1x128x32xf32, #tpu.memory_space<vmem>> -> memref<128x32xf32, #tpu.memory_space<vmem>>
    %dma_start3A_12 = arith.constant 0 : i32
    %dma_start3A_13 = tpu.memref_slice %arg6[%dma_start3A, %dma_start3A_12] : memref<80x128xi32, #tpu.memory_space<vmem>> -> memref<1x128xi32, #tpu.memory_space<vmem>>
    %dma_start3A_14 = tpu.memref_squeeze %dma_start3A_13 : memref<1x128xi32, #tpu.memory_space<vmem>> -> memref<128xi32, #tpu.memory_space<vmem>>
    %dma_start3A_15 = arith.constant 0 : i32
    %dma_start3A_16 = arith.constant 0 : i32
    %dma_start3A_17 = tpu.memref_slice %arg3[%dma_start3A_15, %dma_start3A_16] : memref<10240x32xf32, #tpu.memory_space<hbm>> -> memref<10240x32xf32, #tpu.memory_space<hbm>>
    %dma_start3A_18 = tpu.memref_slice %arg10[%dma_start3A_7] : memref<6x!tpu.dma_semaphore, #tpu.memory_space<semaphore_mem>> -> memref<1x!tpu.dma_semaphore, #tpu.memory_space<semaphore_mem>>
    %dma_start3A_19 = tpu.memref_squeeze %dma_start3A_18 : memref<1x!tpu.dma_semaphore, #tpu.memory_space<semaphore_mem>> -> memref<!tpu.dma_semaphore, #tpu.memory_space<semaphore_mem>>
    tpu.enqueue_indirect_dma source(%dma_start3A_17 : memref<10240x32xf32, #tpu.memory_space<hbm>>) target(%dma_start3A_11 : memref<128x32xf32, #tpu.memory_space<vmem>>) offsets(%dma_start3A_14 : memref<128xi32, #tpu.memory_space<vmem>>) semaphore(%dma_start3A_19 : memref<!tpu.dma_semaphore, #tpu.memory_space<semaphore_mem>>)
    %dma_start3A_20 = arith.constant 1 : i32
    %dma_start3A_21 = arith.constant 1 : i32
    %dma_start3A_22 = arith.constant 1 : i32
    %dma_start3A_23 = arith.constant 0 : i32
    %dma_start3A_24 = arith.constant 0 : i32
    %dma_start3A_25 = tpu.memref_slice %arg8[%dma_start3A_21, %dma_start3A_23, %dma_start3A_24] : memref<6x128x32xf32, #tpu.memory_space<vmem>> -> memref<1x128x32xf32, #tpu.memory_space<vmem>>
    %dma_start3A_26 = tpu.memref_squeeze %dma_start3A_25 : memref<1x128x32xf32, #tpu.memory_space<vmem>> -> memref<128x32xf32, #tpu.memory_space<vmem>>
    %dma_start3A_27 = arith.constant 0 : i32
    %dma_start3A_28 = tpu.memref_slice %arg6[%dma_start3A_20, %dma_start3A_27] : memref<80x128xi32, #tpu.memory_space<vmem>> -> memref<1x128xi32, #tpu.memory_space<vmem>>
    %dma_start3A_29 = tpu.memref_squeeze %dma_start3A_28 : memref<1x128xi32, #tpu.memory_space<vmem>> -> memref<128xi32, #tpu.memory_space<vmem>>
    %dma_start3A_30 = arith.constant 0 : i32
    %dma_start3A_31 = arith.constant 0 : i32
    %dma_start3A_32 = tpu.memref_slice %arg3[%dma_start3A_30, %dma_start3A_31] : memref<10240x32xf32, #tpu.memory_space<hbm>> -> memref<10240x32xf32, #tpu.memory_space<hbm>>
    %dma_start3A_33 = tpu.memref_slice %arg10[%dma_start3A_22] : memref<6x!tpu.dma_semaphore, #tpu.memory_space<semaphore_mem>> -> memref<1x!tpu.dma_semaphore, #tpu.memory_space<semaphore_mem>>
    %dma_start3A_34 = tpu.memref_squeeze %dma_start3A_33 : memref<1x!tpu.dma_semaphore, #tpu.memory_space<semaphore_mem>> -> memref<!tpu.dma_semaphore, #tpu.memory_space<semaphore_mem>>
    tpu.enqueue_indirect_dma source(%dma_start3A_32 : memref<10240x32xf32, #tpu.memory_space<hbm>>) target(%dma_start3A_26 : memref<128x32xf32, #tpu.memory_space<vmem>>) offsets(%dma_start3A_29 : memref<128xi32, #tpu.memory_space<vmem>>) semaphore(%dma_start3A_34 : memref<!tpu.dma_semaphore, #tpu.memory_space<semaphore_mem>>)
    %dma_start3A_35 = arith.constant 2 : i32
    %dma_start3A_36 = arith.constant 2 : i32
    %dma_start3A_37 = arith.constant 2 : i32
    %dma_start3A_38 = arith.constant 0 : i32
    %dma_start3A_39 = arith.constant 0 : i32
    %dma_start3A_40 = tpu.memref_slice %arg8[%dma_start3A_36, %dma_start3A_38, %dma_start3A_39] : memref<6x128x32xf32, #tpu.memory_space<vmem>> -> memref<1x128x32xf32, #tpu.memory_space<vmem>>
    %dma_start3A_41 = tpu.memref_squeeze %dma_start3A_40 : memref<1x128x32xf32, #tpu.memory_space<vmem>> -> memref<128x32xf32, #tpu.memory_space<vmem>>
    %dma_start3A_42 = arith.constant 0 : i32
    %dma_start3A_43 = tpu.memref_slice %arg6[%dma_start3A_35, %dma_start3A_42] : memref<80x128xi32, #tpu.memory_space<vmem>> -> memref<1x128xi32, #tpu.memory_space<vmem>>
    %dma_start3A_44 = tpu.memref_squeeze %dma_start3A_43 : memref<1x128xi32, #tpu.memory_space<vmem>> -> memref<128xi32, #tpu.memory_space<vmem>>
    %dma_start3A_45 = arith.constant 0 : i32
    %dma_start3A_46 = arith.constant 0 : i32
    %dma_start3A_47 = tpu.memref_slice %arg3[%dma_start3A_45, %dma_start3A_46] : memref<10240x32xf32, #tpu.memory_space<hbm>> -> memref<10240x32xf32, #tpu.memory_space<hbm>>
    %dma_start3A_48 = tpu.memref_slice %arg10[%dma_start3A_37] : memref<6x!tpu.dma_semaphore, #tpu.memory_space<semaphore_mem>> -> memref<1x!tpu.dma_semaphore, #tpu.memory_space<semaphore_mem>>
    %dma_start3A_49 = tpu.memref_squeeze %dma_start3A_48 : memref<1x!tpu.dma_semaphore, #tpu.memory_space<semaphore_mem>> -> memref<!tpu.dma_semaphore, #tpu.memory_space<semaphore_mem>>
    tpu.enqueue_indirect_dma source(%dma_start3A_47 : memref<10240x32xf32, #tpu.memory_space<hbm>>) target(%dma_start3A_41 : memref<128x32xf32, #tpu.memory_space<vmem>>) offsets(%dma_start3A_44 : memref<128xi32, #tpu.memory_space<vmem>>) semaphore(%dma_start3A_49 : memref<!tpu.dma_semaphore, #tpu.memory_space<semaphore_mem>>)
    %scan3A = arith.constant 0 : i32
    %scan3A_50 = arith.constant 0 : i32
    %scan3A_51 = arith.constant 80 : i32
    %scan3A_52 = arith.addi %scan3A_50, %scan3A_51 : i32
    %scan3A_53 = arith.constant 1 : i32
    scf.for %scan3A_149 = %scan3A_50 to %scan3A_52 step %scan3A_53  : i32 {
      %add3A_150 = arith.constant 3 : i32
      %add3A_151 = arith.addi %scan3A_149, %add3A_150 : i32
      %jit3A = arith.constant 6 : i32
      %eq3A = arith.constant 0 : i32
      %eq3A_152 = arith.cmpi eq, %jit3A, %eq3A : i32
      %jit3A_153 = arith.constant 1 : i32
      %select_n3A = arith.select %eq3A_152, %jit3A_153, %jit3A : i32
      %rem3A = arith.remsi %add3A_151, %select_n3A : i32
      %ne3A = arith.constant 0 : i32
      %ne3A_154 = arith.cmpi ne, %rem3A, %ne3A : i32
      %lt3A = arith.constant 0 : i32
      %lt3A_155 = arith.cmpi slt, %rem3A, %lt3A : i32
      %lt3A_156 = arith.constant 0 : i32
      %lt3A_157 = arith.cmpi slt, %select_n3A, %lt3A_156 : i32
      %ne3A_158 = arith.xori %lt3A_155, %lt3A_157 : i1
      %and3A = arith.andi %ne3A_158, %ne3A_154 : i1
      %add3A_159 = arith.addi %rem3A, %select_n3A : i32
      %select_n3A_160 = arith.select %and3A, %add3A_159, %rem3A : i32
      %add3A_161 = arith.constant 3 : i32
      %add3A_162 = arith.addi %scan3A_149, %add3A_161 : i32
      %lt3A_163 = arith.constant 80 : i32
      %lt3A_164 = arith.cmpi slt, %add3A_162, %lt3A_163 : i32
      %convert_element_type3A = arith.extui %lt3A_164 : i1 to i32
      %cond3A = arith.constant 0 : i32
      %cond3A_165 = arith.cmpi ne, %convert_element_type3A, %cond3A : i32
      scf.if %cond3A_165 {
        %add3A_206 = arith.constant 3 : i32
        %add3A_207 = arith.addi %scan3A_149, %add3A_206 : i32
        %ge3A = arith.constant 6 : i32
        %ge3A_208 = arith.cmpi sge, %add3A_207, %ge3A : i32
        %convert_element_type3A_209 = arith.extui %ge3A_208 : i1 to i32
        %cond3A_210 = arith.constant 0 : i32
        %cond3A_211 = arith.cmpi ne, %convert_element_type3A_209, %cond3A_210 : i32
        scf.if %cond3A_211 {
          %dma_wait3A_226 = arith.constant 0 : i32
          %dma_wait3A_227 = arith.constant 0 : i32
          %dma_wait3A_228 = arith.constant 0 : i32
          %dma_wait3A_229 = tpu.memref_slice %arg8[%select_n3A_160, %dma_wait3A_227, %dma_wait3A_228] : memref<6x128x32xf32, #tpu.memory_space<vmem>> -> memref<1x128x32xf32, #tpu.memory_space<vmem>>
          %dma_wait3A_230 = tpu.memref_squeeze %dma_wait3A_229 : memref<1x128x32xf32, #tpu.memory_space<vmem>> -> memref<128x32xf32, #tpu.memory_space<vmem>>
          %dma_wait3A_231 = arith.constant 0 : i32
          %dma_wait3A_232 = tpu.memref_slice %arg7[%dma_wait3A_226, %dma_wait3A_231] : memref<80x128xi32, #tpu.memory_space<vmem>> -> memref<1x128xi32, #tpu.memory_space<vmem>>
          %dma_wait3A_233 = tpu.memref_squeeze %dma_wait3A_232 : memref<1x128xi32, #tpu.memory_space<vmem>> -> memref<128xi32, #tpu.memory_space<vmem>>
          %dma_wait3A_234 = arith.constant 0 : i32
          %dma_wait3A_235 = arith.constant 0 : i32
          %dma_wait3A_236 = tpu.memref_slice %arg9[%dma_wait3A_234, %dma_wait3A_235] : memref<10240x32xf32, #tpu.memory_space<vmem_shared>> -> memref<10240x32xf32, #tpu.memory_space<vmem_shared>>
          %dma_wait3A_237 = tpu.memref_slice %arg11[%select_n3A_160] : memref<6x!tpu.dma_semaphore, #tpu.memory_space<semaphore_mem>> -> memref<1x!tpu.dma_semaphore, #tpu.memory_space<semaphore_mem>>
          %dma_wait3A_238 = tpu.memref_squeeze %dma_wait3A_237 : memref<1x!tpu.dma_semaphore, #tpu.memory_space<semaphore_mem>> -> memref<!tpu.dma_semaphore, #tpu.memory_space<semaphore_mem>>
          tpu.wait_indirect_dma semaphore(%dma_wait3A_238 : memref<!tpu.dma_semaphore, #tpu.memory_space<semaphore_mem>>) src(%dma_wait3A_230 : memref<128x32xf32, #tpu.memory_space<vmem>>) dst(%dma_wait3A_236 : memref<10240x32xf32, #tpu.memory_space<vmem_shared>>)
        } else {
        }
        %add3A_212 = arith.constant 3 : i32
        %add3A_213 = arith.addi %scan3A_149, %add3A_212 : i32
        %dma_start3A_214 = arith.constant 0 : i32
        %dma_start3A_215 = arith.constant 0 : i32
        %dma_start3A_216 = tpu.memref_slice %arg8[%select_n3A_160, %dma_start3A_214, %dma_start3A_215] : memref<6x128x32xf32, #tpu.memory_space<vmem>> -> memref<1x128x32xf32, #tpu.memory_space<vmem>>
        %dma_start3A_217 = tpu.memref_squeeze %dma_start3A_216 : memref<1x128x32xf32, #tpu.memory_space<vmem>> -> memref<128x32xf32, #tpu.memory_space<vmem>>
        %dma_start3A_218 = arith.constant 0 : i32
        %dma_start3A_219 = tpu.memref_slice %arg6[%add3A_213, %dma_start3A_218] : memref<80x128xi32, #tpu.memory_space<vmem>> -> memref<1x128xi32, #tpu.memory_space<vmem>>
        %dma_start3A_220 = tpu.memref_squeeze %dma_start3A_219 : memref<1x128xi32, #tpu.memory_space<vmem>> -> memref<128xi32, #tpu.memory_space<vmem>>
        %dma_start3A_221 = arith.constant 0 : i32
        %dma_start3A_222 = arith.constant 0 : i32
        %dma_start3A_223 = tpu.memref_slice %arg3[%dma_start3A_221, %dma_start3A_222] : memref<10240x32xf32, #tpu.memory_space<hbm>> -> memref<10240x32xf32, #tpu.memory_space<hbm>>
        %dma_start3A_224 = tpu.memref_slice %arg10[%select_n3A_160] : memref<6x!tpu.dma_semaphore, #tpu.memory_space<semaphore_mem>> -> memref<1x!tpu.dma_semaphore, #tpu.memory_space<semaphore_mem>>
        %dma_start3A_225 = tpu.memref_squeeze %dma_start3A_224 : memref<1x!tpu.dma_semaphore, #tpu.memory_space<semaphore_mem>> -> memref<!tpu.dma_semaphore, #tpu.memory_space<semaphore_mem>>
        tpu.enqueue_indirect_dma source(%dma_start3A_223 : memref<10240x32xf32, #tpu.memory_space<hbm>>) target(%dma_start3A_217 : memref<128x32xf32, #tpu.memory_space<vmem>>) offsets(%dma_start3A_220 : memref<128xi32, #tpu.memory_space<vmem>>) semaphore(%dma_start3A_225 : memref<!tpu.dma_semaphore, #tpu.memory_space<semaphore_mem>>)
      } else {
      }
      %jit3A_166 = arith.constant 6 : i32
      %eq3A_167 = arith.constant 0 : i32
      %eq3A_168 = arith.cmpi eq, %jit3A_166, %eq3A_167 : i32
      %jit3A_169 = arith.constant 1 : i32
      %select_n3A_170 = arith.select %eq3A_168, %jit3A_169, %jit3A_166 : i32
      %rem3A_171 = arith.remsi %scan3A_149, %select_n3A_170 : i32
      %ne3A_172 = arith.constant 0 : i32
      %ne3A_173 = arith.cmpi ne, %rem3A_171, %ne3A_172 : i32
      %lt3A_174 = arith.constant 0 : i32
      %lt3A_175 = arith.cmpi slt, %rem3A_171, %lt3A_174 : i32
      %lt3A_176 = arith.constant 0 : i32
      %lt3A_177 = arith.cmpi slt, %select_n3A_170, %lt3A_176 : i32
      %ne3A_178 = arith.xori %lt3A_175, %lt3A_177 : i1
      %and3A_179 = arith.andi %ne3A_178, %ne3A_173 : i1
      %add3A_180 = arith.addi %rem3A_171, %select_n3A_170 : i32
      %select_n3A_181 = arith.select %and3A_179, %add3A_180, %rem3A_171 : i32
      %dma_wait3A_182 = arith.constant 0 : i32
      %dma_wait3A_183 = arith.constant 0 : i32
      %dma_wait3A_184 = tpu.memref_slice %arg8[%select_n3A_181, %dma_wait3A_182, %dma_wait3A_183] : memref<6x128x32xf32, #tpu.memory_space<vmem>> -> memref<1x128x32xf32, #tpu.memory_space<vmem>>
      %dma_wait3A_185 = tpu.memref_squeeze %dma_wait3A_184 : memref<1x128x32xf32, #tpu.memory_space<vmem>> -> memref<128x32xf32, #tpu.memory_space<vmem>>
      %dma_wait3A_186 = arith.constant 0 : i32
      %dma_wait3A_187 = tpu.memref_slice %arg6[%scan3A_149, %dma_wait3A_186] : memref<80x128xi32, #tpu.memory_space<vmem>> -> memref<1x128xi32, #tpu.memory_space<vmem>>
      %dma_wait3A_188 = tpu.memref_squeeze %dma_wait3A_187 : memref<1x128xi32, #tpu.memory_space<vmem>> -> memref<128xi32, #tpu.memory_space<vmem>>
      %dma_wait3A_189 = arith.constant 0 : i32
      %dma_wait3A_190 = arith.constant 0 : i32
      %dma_wait3A_191 = tpu.memref_slice %arg3[%dma_wait3A_189, %dma_wait3A_190] : memref<10240x32xf32, #tpu.memory_space<hbm>> -> memref<10240x32xf32, #tpu.memory_space<hbm>>
      %dma_wait3A_192 = tpu.memref_slice %arg10[%select_n3A_181] : memref<6x!tpu.dma_semaphore, #tpu.memory_space<semaphore_mem>> -> memref<1x!tpu.dma_semaphore, #tpu.memory_space<semaphore_mem>>
      %dma_wait3A_193 = tpu.memref_squeeze %dma_wait3A_192 : memref<1x!tpu.dma_semaphore, #tpu.memory_space<semaphore_mem>> -> memref<!tpu.dma_semaphore, #tpu.memory_space<semaphore_mem>>
      tpu.wait_indirect_dma semaphore(%dma_wait3A_193 : memref<!tpu.dma_semaphore, #tpu.memory_space<semaphore_mem>>) src(%dma_wait3A_191 : memref<10240x32xf32, #tpu.memory_space<hbm>>) dst(%dma_wait3A_185 : memref<128x32xf32, #tpu.memory_space<vmem>>)
      %dma_start3A_194 = arith.constant 0 : i32
      %dma_start3A_195 = arith.constant 0 : i32
      %dma_start3A_196 = tpu.memref_slice %arg8[%select_n3A_181, %dma_start3A_194, %dma_start3A_195] : memref<6x128x32xf32, #tpu.memory_space<vmem>> -> memref<1x128x32xf32, #tpu.memory_space<vmem>>
      %dma_start3A_197 = tpu.memref_squeeze %dma_start3A_196 : memref<1x128x32xf32, #tpu.memory_space<vmem>> -> memref<128x32xf32, #tpu.memory_space<vmem>>
      %dma_start3A_198 = arith.constant 0 : i32
      %dma_start3A_199 = tpu.memref_slice %arg7[%scan3A_149, %dma_start3A_198] : memref<80x128xi32, #tpu.memory_space<vmem>> -> memref<1x128xi32, #tpu.memory_space<vmem>>
      %dma_start3A_200 = tpu.memref_squeeze %dma_start3A_199 : memref<1x128xi32, #tpu.memory_space<vmem>> -> memref<128xi32, #tpu.memory_space<vmem>>
      %dma_start3A_201 = arith.constant 0 : i32
      %dma_start3A_202 = arith.constant 0 : i32
      %dma_start3A_203 = tpu.memref_slice %arg9[%dma_start3A_201, %dma_start3A_202] : memref<10240x32xf32, #tpu.memory_space<vmem_shared>> -> memref<10240x32xf32, #tpu.memory_space<vmem_shared>>
      %dma_start3A_204 = tpu.memref_slice %arg11[%select_n3A_181] : memref<6x!tpu.dma_semaphore, #tpu.memory_space<semaphore_mem>> -> memref<1x!tpu.dma_semaphore, #tpu.memory_space<semaphore_mem>>
      %dma_start3A_205 = tpu.memref_squeeze %dma_start3A_204 : memref<1x!tpu.dma_semaphore, #tpu.memory_space<semaphore_mem>> -> memref<!tpu.dma_semaphore, #tpu.memory_space<semaphore_mem>>
      tpu.enqueue_indirect_dma source(%dma_start3A_197 : memref<128x32xf32, #tpu.memory_space<vmem>>) target(%dma_start3A_203 : memref<10240x32xf32, #tpu.memory_space<vmem_shared>>) offsets(%dma_start3A_200 : memref<128xi32, #tpu.memory_space<vmem>>) semaphore(%dma_start3A_205 : memref<!tpu.dma_semaphore, #tpu.memory_space<semaphore_mem>>) {add = true}
    }
    %scan3A_54 = arith.constant 80 : i32
    %dma_wait3A = arith.constant 0 : i32
    %dma_wait3A_55 = arith.constant 0 : i32
    %dma_wait3A_56 = arith.constant 0 : i32
    %dma_wait3A_57 = arith.constant 0 : i32
    %dma_wait3A_58 = arith.constant 0 : i32
    %dma_wait3A_59 = tpu.memref_slice %arg8[%dma_wait3A, %dma_wait3A_57, %dma_wait3A_58] : memref<6x128x32xf32, #tpu.memory_space<vmem>> -> memref<1x128x32xf32, #tpu.memory_space<vmem>>
    %dma_wait3A_60 = tpu.memref_squeeze %dma_wait3A_59 : memref<1x128x32xf32, #tpu.memory_space<vmem>> -> memref<128x32xf32, #tpu.memory_space<vmem>>
    %dma_wait3A_61 = arith.constant 0 : i32
    %dma_wait3A_62 = tpu.memref_slice %arg7[%dma_wait3A_55, %dma_wait3A_61] : memref<80x128xi32, #tpu.memory_space<vmem>> -> memref<1x128xi32, #tpu.memory_space<vmem>>
    %dma_wait3A_63 = tpu.memref_squeeze %dma_wait3A_62 : memref<1x128xi32, #tpu.memory_space<vmem>> -> memref<128xi32, #tpu.memory_space<vmem>>
    %dma_wait3A_64 = arith.constant 0 : i32
    %dma_wait3A_65 = arith.constant 0 : i32
    %dma_wait3A_66 = tpu.memref_slice %arg9[%dma_wait3A_64, %dma_wait3A_65] : memref<10240x32xf32, #tpu.memory_space<vmem_shared>> -> memref<10240x32xf32, #tpu.memory_space<vmem_shared>>
    %dma_wait3A_67 = tpu.memref_slice %arg11[%dma_wait3A_56] : memref<6x!tpu.dma_semaphore, #tpu.memory_space<semaphore_mem>> -> memref<1x!tpu.dma_semaphore, #tpu.memory_space<semaphore_mem>>
    %dma_wait3A_68 = tpu.memref_squeeze %dma_wait3A_67 : memref<1x!tpu.dma_semaphore, #tpu.memory_space<semaphore_mem>> -> memref<!tpu.dma_semaphore, #tpu.memory_space<semaphore_mem>>
    tpu.wait_indirect_dma semaphore(%dma_wait3A_68 : memref<!tpu.dma_semaphore, #tpu.memory_space<semaphore_mem>>) src(%dma_wait3A_60 : memref<128x32xf32, #tpu.memory_space<vmem>>) dst(%dma_wait3A_66 : memref<10240x32xf32, #tpu.memory_space<vmem_shared>>)
    %dma_wait3A_69 = arith.constant 1 : i32
    %dma_wait3A_70 = arith.constant 0 : i32
    %dma_wait3A_71 = arith.constant 1 : i32
    %dma_wait3A_72 = arith.constant 0 : i32
    %dma_wait3A_73 = arith.constant 0 : i32
    %dma_wait3A_74 = tpu.memref_slice %arg8[%dma_wait3A_69, %dma_wait3A_72, %dma_wait3A_73] : memref<6x128x32xf32, #tpu.memory_space<vmem>> -> memref<1x128x32xf32, #tpu.memory_space<vmem>>
    %dma_wait3A_75 = tpu.memref_squeeze %dma_wait3A_74 : memref<1x128x32xf32, #tpu.memory_space<vmem>> -> memref<128x32xf32, #tpu.memory_space<vmem>>
    %dma_wait3A_76 = arith.constant 0 : i32
    %dma_wait3A_77 = tpu.memref_slice %arg7[%dma_wait3A_70, %dma_wait3A_76] : memref<80x128xi32, #tpu.memory_space<vmem>> -> memref<1x128xi32, #tpu.memory_space<vmem>>
    %dma_wait3A_78 = tpu.memref_squeeze %dma_wait3A_77 : memref<1x128xi32, #tpu.memory_space<vmem>> -> memref<128xi32, #tpu.memory_space<vmem>>
    %dma_wait3A_79 = arith.constant 0 : i32
    %dma_wait3A_80 = arith.constant 0 : i32
    %dma_wait3A_81 = tpu.memref_slice %arg9[%dma_wait3A_79, %dma_wait3A_80] : memref<10240x32xf32, #tpu.memory_space<vmem_shared>> -> memref<10240x32xf32, #tpu.memory_space<vmem_shared>>
    %dma_wait3A_82 = tpu.memref_slice %arg11[%dma_wait3A_71] : memref<6x!tpu.dma_semaphore, #tpu.memory_space<semaphore_mem>> -> memref<1x!tpu.dma_semaphore, #tpu.memory_space<semaphore_mem>>
    %dma_wait3A_83 = tpu.memref_squeeze %dma_wait3A_82 : memref<1x!tpu.dma_semaphore, #tpu.memory_space<semaphore_mem>> -> memref<!tpu.dma_semaphore, #tpu.memory_space<semaphore_mem>>
    tpu.wait_indirect_dma semaphore(%dma_wait3A_83 : memref<!tpu.dma_semaphore, #tpu.memory_space<semaphore_mem>>) src(%dma_wait3A_75 : memref<128x32xf32, #tpu.memory_space<vmem>>) dst(%dma_wait3A_81 : memref<10240x32xf32, #tpu.memory_space<vmem_shared>>)
    %dma_wait3A_84 = arith.constant 2 : i32
    %dma_wait3A_85 = arith.constant 0 : i32
    %dma_wait3A_86 = arith.constant 2 : i32
    %dma_wait3A_87 = arith.constant 0 : i32
    %dma_wait3A_88 = arith.constant 0 : i32
    %dma_wait3A_89 = tpu.memref_slice %arg8[%dma_wait3A_84, %dma_wait3A_87, %dma_wait3A_88] : memref<6x128x32xf32, #tpu.memory_space<vmem>> -> memref<1x128x32xf32, #tpu.memory_space<vmem>>
    %dma_wait3A_90 = tpu.memref_squeeze %dma_wait3A_89 : memref<1x128x32xf32, #tpu.memory_space<vmem>> -> memref<128x32xf32, #tpu.memory_space<vmem>>
    %dma_wait3A_91 = arith.constant 0 : i32
    %dma_wait3A_92 = tpu.memref_slice %arg7[%dma_wait3A_85, %dma_wait3A_91] : memref<80x128xi32, #tpu.memory_space<vmem>> -> memref<1x128xi32, #tpu.memory_space<vmem>>
    %dma_wait3A_93 = tpu.memref_squeeze %dma_wait3A_92 : memref<1x128xi32, #tpu.memory_space<vmem>> -> memref<128xi32, #tpu.memory_space<vmem>>
    %dma_wait3A_94 = arith.constant 0 : i32
    %dma_wait3A_95 = arith.constant 0 : i32
    %dma_wait3A_96 = tpu.memref_slice %arg9[%dma_wait3A_94, %dma_wait3A_95] : memref<10240x32xf32, #tpu.memory_space<vmem_shared>> -> memref<10240x32xf32, #tpu.memory_space<vmem_shared>>
    %dma_wait3A_97 = tpu.memref_slice %arg11[%dma_wait3A_86] : memref<6x!tpu.dma_semaphore, #tpu.memory_space<semaphore_mem>> -> memref<1x!tpu.dma_semaphore, #tpu.memory_space<semaphore_mem>>
    %dma_wait3A_98 = tpu.memref_squeeze %dma_wait3A_97 : memref<1x!tpu.dma_semaphore, #tpu.memory_space<semaphore_mem>> -> memref<!tpu.dma_semaphore, #tpu.memory_space<semaphore_mem>>
    tpu.wait_indirect_dma semaphore(%dma_wait3A_98 : memref<!tpu.dma_semaphore, #tpu.memory_space<semaphore_mem>>) src(%dma_wait3A_90 : memref<128x32xf32, #tpu.memory_space<vmem>>) dst(%dma_wait3A_96 : memref<10240x32xf32, #tpu.memory_space<vmem_shared>>)
    %dma_wait3A_99 = arith.constant 3 : i32
    %dma_wait3A_100 = arith.constant 0 : i32
    %dma_wait3A_101 = arith.constant 3 : i32
    %dma_wait3A_102 = arith.constant 0 : i32
    %dma_wait3A_103 = arith.constant 0 : i32
    %dma_wait3A_104 = tpu.memref_slice %arg8[%dma_wait3A_99, %dma_wait3A_102, %dma_wait3A_103] : memref<6x128x32xf32, #tpu.memory_space<vmem>> -> memref<1x128x32xf32, #tpu.memory_space<vmem>>
    %dma_wait3A_105 = tpu.memref_squeeze %dma_wait3A_104 : memref<1x128x32xf32, #tpu.memory_space<vmem>> -> memref<128x32xf32, #tpu.memory_space<vmem>>
    %dma_wait3A_106 = arith.constant 0 : i32
    %dma_wait3A_107 = tpu.memref_slice %arg7[%dma_wait3A_100, %dma_wait3A_106] : memref<80x128xi32, #tpu.memory_space<vmem>> -> memref<1x128xi32, #tpu.memory_space<vmem>>
    %dma_wait3A_108 = tpu.memref_squeeze %dma_wait3A_107 : memref<1x128xi32, #tpu.memory_space<vmem>> -> memref<128xi32, #tpu.memory_space<vmem>>
    %dma_wait3A_109 = arith.constant 0 : i32
    %dma_wait3A_110 = arith.constant 0 : i32
    %dma_wait3A_111 = tpu.memref_slice %arg9[%dma_wait3A_109, %dma_wait3A_110] : memref<10240x32xf32, #tpu.memory_space<vmem_shared>> -> memref<10240x32xf32, #tpu.memory_space<vmem_shared>>
    %dma_wait3A_112 = tpu.memref_slice %arg11[%dma_wait3A_101] : memref<6x!tpu.dma_semaphore, #tpu.memory_space<semaphore_mem>> -> memref<1x!tpu.dma_semaphore, #tpu.memory_space<semaphore_mem>>
    %dma_wait3A_113 = tpu.memref_squeeze %dma_wait3A_112 : memref<1x!tpu.dma_semaphore, #tpu.memory_space<semaphore_mem>> -> memref<!tpu.dma_semaphore, #tpu.memory_space<semaphore_mem>>
    tpu.wait_indirect_dma semaphore(%dma_wait3A_113 : memref<!tpu.dma_semaphore, #tpu.memory_space<semaphore_mem>>) src(%dma_wait3A_105 : memref<128x32xf32, #tpu.memory_space<vmem>>) dst(%dma_wait3A_111 : memref<10240x32xf32, #tpu.memory_space<vmem_shared>>)
    %dma_wait3A_114 = arith.constant 4 : i32
    %dma_wait3A_115 = arith.constant 0 : i32
    %dma_wait3A_116 = arith.constant 4 : i32
    %dma_wait3A_117 = arith.constant 0 : i32
    %dma_wait3A_118 = arith.constant 0 : i32
    %dma_wait3A_119 = tpu.memref_slice %arg8[%dma_wait3A_114, %dma_wait3A_117, %dma_wait3A_118] : memref<6x128x32xf32, #tpu.memory_space<vmem>> -> memref<1x128x32xf32, #tpu.memory_space<vmem>>
    %dma_wait3A_120 = tpu.memref_squeeze %dma_wait3A_119 : memref<1x128x32xf32, #tpu.memory_space<vmem>> -> memref<128x32xf32, #tpu.memory_space<vmem>>
    %dma_wait3A_121 = arith.constant 0 : i32
    %dma_wait3A_122 = tpu.memref_slice %arg7[%dma_wait3A_115, %dma_wait3A_121] : memref<80x128xi32, #tpu.memory_space<vmem>> -> memref<1x128xi32, #tpu.memory_space<vmem>>
    %dma_wait3A_123 = tpu.memref_squeeze %dma_wait3A_122 : memref<1x128xi32, #tpu.memory_space<vmem>> -> memref<128xi32, #tpu.memory_space<vmem>>
    %dma_wait3A_124 = arith.constant 0 : i32
    %dma_wait3A_125 = arith.constant 0 : i32
    %dma_wait3A_126 = tpu.memref_slice %arg9[%dma_wait3A_124, %dma_wait3A_125] : memref<10240x32xf32, #tpu.memory_space<vmem_shared>> -> memref<10240x32xf32, #tpu.memory_space<vmem_shared>>
    %dma_wait3A_127 = tpu.memref_slice %arg11[%dma_wait3A_116] : memref<6x!tpu.dma_semaphore, #tpu.memory_space<semaphore_mem>> -> memref<1x!tpu.dma_semaphore, #tpu.memory_space<semaphore_mem>>
    %dma_wait3A_128 = tpu.memref_squeeze %dma_wait3A_127 : memref<1x!tpu.dma_semaphore, #tpu.memory_space<semaphore_mem>> -> memref<!tpu.dma_semaphore, #tpu.memory_space<semaphore_mem>>
    tpu.wait_indirect_dma semaphore(%dma_wait3A_128 : memref<!tpu.dma_semaphore, #tpu.memory_space<semaphore_mem>>) src(%dma_wait3A_120 : memref<128x32xf32, #tpu.memory_space<vmem>>) dst(%dma_wait3A_126 : memref<10240x32xf32, #tpu.memory_space<vmem_shared>>)
    %dma_wait3A_129 = arith.constant 5 : i32
    %dma_wait3A_130 = arith.constant 0 : i32
    %dma_wait3A_131 = arith.constant 5 : i32
    %dma_wait3A_132 = arith.constant 0 : i32
    %dma_wait3A_133 = arith.constant 0 : i32
    %dma_wait3A_134 = tpu.memref_slice %arg8[%dma_wait3A_129, %dma_wait3A_132, %dma_wait3A_133] : memref<6x128x32xf32, #tpu.memory_space<vmem>> -> memref<1x128x32xf32, #tpu.memory_space<vmem>>
    %dma_wait3A_135 = tpu.memref_squeeze %dma_wait3A_134 : memref<1x128x32xf32, #tpu.memory_space<vmem>> -> memref<128x32xf32, #tpu.memory_space<vmem>>
    %dma_wait3A_136 = arith.constant 0 : i32
    %dma_wait3A_137 = tpu.memref_slice %arg7[%dma_wait3A_130, %dma_wait3A_136] : memref<80x128xi32, #tpu.memory_space<vmem>> -> memref<1x128xi32, #tpu.memory_space<vmem>>
    %dma_wait3A_138 = tpu.memref_squeeze %dma_wait3A_137 : memref<1x128xi32, #tpu.memory_space<vmem>> -> memref<128xi32, #tpu.memory_space<vmem>>
    %dma_wait3A_139 = arith.constant 0 : i32
    %dma_wait3A_140 = arith.constant 0 : i32
    %dma_wait3A_141 = tpu.memref_slice %arg9[%dma_wait3A_139, %dma_wait3A_140] : memref<10240x32xf32, #tpu.memory_space<vmem_shared>> -> memref<10240x32xf32, #tpu.memory_space<vmem_shared>>
    %dma_wait3A_142 = tpu.memref_slice %arg11[%dma_wait3A_131] : memref<6x!tpu.dma_semaphore, #tpu.memory_space<semaphore_mem>> -> memref<1x!tpu.dma_semaphore, #tpu.memory_space<semaphore_mem>>
    %dma_wait3A_143 = tpu.memref_squeeze %dma_wait3A_142 : memref<1x!tpu.dma_semaphore, #tpu.memory_space<semaphore_mem>> -> memref<!tpu.dma_semaphore, #tpu.memory_space<semaphore_mem>>
    tpu.wait_indirect_dma semaphore(%dma_wait3A_143 : memref<!tpu.dma_semaphore, #tpu.memory_space<semaphore_mem>>) src(%dma_wait3A_135 : memref<128x32xf32, #tpu.memory_space<vmem>>) dst(%dma_wait3A_141 : memref<10240x32xf32, #tpu.memory_space<vmem_shared>>)
    %barrier3A_144 = arith.constant 0 : index
    tpu.barrier barrier_id(%barrier3A_144)
    %mul3A_145 = arith.constant 640 : i32
    %mul3A_146 = arith.muli %arg1, %mul3A_145 : i32
    %mul3A_147 = arith.constant 640 : i32
    %mul3A_148 = arith.muli %arg1, %mul3A_147 : i32
    "tpu.region"() ({
      %run_scoped3A_149 = tpu.sem_alloc : memref<!tpu.dma_semaphore, #tpu.memory_space<semaphore_mem>>
      %dma_start3A_150 = arith.constant 0 : i32
      %dma_start3A_151 = tpu.memref_slice %arg5[%arg0, %mul3A_148, %dma_start3A_150] : memref<2x10240x32xf32, #tpu.memory_space<hbm>> -> memref<1x640x32xf32, #tpu.memory_space<hbm>>
      %dma_start3A_152 = tpu.memref_squeeze %dma_start3A_151 : memref<1x640x32xf32, #tpu.memory_space<hbm>> -> memref<640x32xf32, #tpu.memory_space<hbm>>
      %dma_start3A_153 = arith.constant 0 : i32
      %dma_start3A_154 = tpu.memref_slice %arg9[%mul3A_146, %dma_start3A_153] : memref<10240x32xf32, #tpu.memory_space<vmem_shared>> -> memref<640x32xf32, #tpu.memory_space<vmem_shared>>
      tpu.enqueue_dma source(%dma_start3A_154 : memref<640x32xf32, #tpu.memory_space<vmem_shared>>) target(%dma_start3A_152 : memref<640x32xf32, #tpu.memory_space<hbm>>) target_semaphore(%run_scoped3A_149 : memref<!tpu.dma_semaphore, #tpu.memory_space<semaphore_mem>>)
      %dma_wait3A_155 = arith.constant 0 : i32
      %dma_wait3A_156 = tpu.memref_slice %arg5[%arg0, %mul3A_148, %dma_wait3A_155] : memref<2x10240x32xf32, #tpu.memory_space<hbm>> -> memref<1x640x32xf32, #tpu.memory_space<hbm>>
      %dma_wait3A_157 = tpu.memref_squeeze %dma_wait3A_156 : memref<1x640x32xf32, #tpu.memory_space<hbm>> -> memref<640x32xf32, #tpu.memory_space<hbm>>
      %dma_wait3A_158 = arith.constant 0 : i32
      %dma_wait3A_159 = tpu.memref_slice %arg9[%mul3A_146, %dma_wait3A_158] : memref<10240x32xf32, #tpu.memory_space<vmem_shared>> -> memref<640x32xf32, #tpu.memory_space<vmem_shared>>
      tpu.wait_dma2 semaphore(%run_scoped3A_149 : memref<!tpu.dma_semaphore, #tpu.memory_space<semaphore_mem>>) src(%dma_wait3A_159 : memref<640x32xf32, #tpu.memory_space<vmem_shared>>) dst(%dma_wait3A_157 : memref<640x32xf32, #tpu.memory_space<hbm>>)
      tpu.yield
    }) : () -> ()
    return
  }
}

#map = affine_map<(d0, d1) -> (0, 0, 0, 0)>
#map1 = affine_map<(d0, d1) -> (0, 0)>
#map2 = affine_map<(d0, d1) -> (0, 0, 0)>
module attributes {stable_mosaic.version = 14 : i64} {
  func.func @_sc_aggregate(%arg0: i32, %arg1: i32, %arg2: memref<2x32x80x128xi32, #tpu.memory_space<hbm>>, %arg3: memref<10240x32xf32, #tpu.memory_space<hbm>>, %arg4: memref<10240x32xf32, #tpu.memory_space<hbm>>, %arg5: memref<2x10240x32xf32, #tpu.memory_space<hbm>>, %arg6: memref<80x128xi32, #tpu.memory_space<vmem>>, %arg7: memref<80x128xi32, #tpu.memory_space<vmem>>, %arg8: memref<6x128x32xf32, #tpu.memory_space<vmem>>, %arg9: memref<10240x32xf32, #tpu.memory_space<vmem_shared>>, %arg10: memref<6x!tpu.dma_semaphore, #tpu.memory_space<semaphore_mem>>, %arg11: memref<6x!tpu.dma_semaphore, #tpu.memory_space<semaphore_mem>>) attributes {dimension_semantics = [#tpu.dimension_semantics<core_parallel>, #tpu.dimension_semantics<subcore_parallel>], iteration_bounds = array<i64: 2, 16>, scalar_prefetch = 0 : i64, scratch_operands = 6 : i64, tpu.core_type = #tpu.core_type<sc_vector_subcore>, window_params = [{transform_indices = #map}, {transform_indices = #map1}, {transform_indices = #map1}, {transform_indices = #map2}]} {
    %mul3A = arith.constant 2 : i32
    %mul3A_0 = arith.muli %arg1, %mul3A : i32
    %add3A = arith.addi %mul3A_0, %arg0 : i32
    %mul3A_1 = arith.constant 640 : i32
    %mul3A_2 = arith.muli %arg1, %mul3A_1 : i32
    %mul3A_3 = arith.constant 640 : i32
    %mul3A_4 = arith.muli %arg1, %mul3A_3 : i32
    "tpu.region"() ({
      %run_scoped3A_149 = tpu.sem_alloc : memref<!tpu.dma_semaphore, #tpu.memory_space<semaphore_mem>>
      %dma_start3A_150 = arith.constant 0 : i32
      %dma_start3A_151 = tpu.memref_slice %arg9[%mul3A_4, %dma_start3A_150] : memref<10240x32xf32, #tpu.memory_space<vmem_shared>> -> memref<640x32xf32, #tpu.memory_space<vmem_shared>>
      %dma_start3A_152 = arith.constant 0 : i32
      %dma_start3A_153 = tpu.memref_slice %arg4[%mul3A_2, %dma_start3A_152] : memref<10240x32xf32, #tpu.memory_space<hbm>> -> memref<640x32xf32, #tpu.memory_space<hbm>>
      tpu.enqueue_dma source(%dma_start3A_153 : memref<640x32xf32, #tpu.memory_space<hbm>>) target(%dma_start3A_151 : memref<640x32xf32, #tpu.memory_space<vmem_shared>>) target_semaphore(%run_scoped3A_149 : memref<!tpu.dma_semaphore, #tpu.memory_space<semaphore_mem>>)
      %dma_wait3A_154 = arith.constant 0 : i32
      %dma_wait3A_155 = tpu.memref_slice %arg9[%mul3A_4, %dma_wait3A_154] : memref<10240x32xf32, #tpu.memory_space<vmem_shared>> -> memref<640x32xf32, #tpu.memory_space<vmem_shared>>
      %dma_wait3A_156 = arith.constant 0 : i32
      %dma_wait3A_157 = tpu.memref_slice %arg4[%mul3A_2, %dma_wait3A_156] : memref<10240x32xf32, #tpu.memory_space<hbm>> -> memref<640x32xf32, #tpu.memory_space<hbm>>
      tpu.wait_dma2 semaphore(%run_scoped3A_149 : memref<!tpu.dma_semaphore, #tpu.memory_space<semaphore_mem>>) src(%dma_wait3A_157 : memref<640x32xf32, #tpu.memory_space<hbm>>) dst(%dma_wait3A_155 : memref<640x32xf32, #tpu.memory_space<vmem_shared>>)
      tpu.yield
    }) : () -> ()
    %run_scoped3A = arith.constant 0 : i32
    "tpu.region"() ({
      %run_scoped3A_149 = tpu.sem_alloc : memref<!tpu.dma_semaphore, #tpu.memory_space<semaphore_mem>>
      %dma_start3A_150 = arith.constant 0 : i32
      %dma_start3A_151 = arith.constant 0 : i32
      %dma_start3A_152 = tpu.memref_slice %arg2[%run_scoped3A, %add3A, %dma_start3A_150, %dma_start3A_151] : memref<2x32x80x128xi32, #tpu.memory_space<hbm>> -> memref<1x1x80x128xi32, #tpu.memory_space<hbm>>
      %dma_start3A_153 = tpu.memref_squeeze %dma_start3A_152 : memref<1x1x80x128xi32, #tpu.memory_space<hbm>> -> memref<80x128xi32, #tpu.memory_space<hbm>>
      %dma_start3A_154 = arith.constant 0 : i32
      %dma_start3A_155 = arith.constant 0 : i32
      %dma_start3A_156 = tpu.memref_slice %arg2[%run_scoped3A, %add3A, %dma_start3A_154, %dma_start3A_155] : memref<2x32x80x128xi32, #tpu.memory_space<hbm>> -> memref<1x1x80x128xi32, #tpu.memory_space<hbm>>
      %dma_start3A_157 = tpu.memref_squeeze %dma_start3A_156 : memref<1x1x80x128xi32, #tpu.memory_space<hbm>> -> memref<80x128xi32, #tpu.memory_space<hbm>>
      tpu.enqueue_dma source(%dma_start3A_157 : memref<80x128xi32, #tpu.memory_space<hbm>>) target(%arg6 : memref<80x128xi32, #tpu.memory_space<vmem>>) target_semaphore(%run_scoped3A_149 : memref<!tpu.dma_semaphore, #tpu.memory_space<semaphore_mem>>)
      %dma_wait3A_158 = arith.constant 0 : i32
      %dma_wait3A_159 = arith.constant 0 : i32
      %dma_wait3A_160 = tpu.memref_slice %arg2[%run_scoped3A, %add3A, %dma_wait3A_158, %dma_wait3A_159] : memref<2x32x80x128xi32, #tpu.memory_space<hbm>> -> memref<1x1x80x128xi32, #tpu.memory_space<hbm>>
      %dma_wait3A_161 = tpu.memref_squeeze %dma_wait3A_160 : memref<1x1x80x128xi32, #tpu.memory_space<hbm>> -> memref<80x128xi32, #tpu.memory_space<hbm>>
      %dma_wait3A_162 = arith.constant 0 : i32
      %dma_wait3A_163 = arith.constant 0 : i32
      %dma_wait3A_164 = tpu.memref_slice %arg2[%run_scoped3A, %add3A, %dma_wait3A_162, %dma_wait3A_163] : memref<2x32x80x128xi32, #tpu.memory_space<hbm>> -> memref<1x1x80x128xi32, #tpu.memory_space<hbm>>
      %dma_wait3A_165 = tpu.memref_squeeze %dma_wait3A_164 : memref<1x1x80x128xi32, #tpu.memory_space<hbm>> -> memref<80x128xi32, #tpu.memory_space<hbm>>
      tpu.wait_dma2 semaphore(%run_scoped3A_149 : memref<!tpu.dma_semaphore, #tpu.memory_space<semaphore_mem>>) src(%dma_wait3A_165 : memref<80x128xi32, #tpu.memory_space<hbm>>) dst(%arg6 : memref<80x128xi32, #tpu.memory_space<vmem>>)
      tpu.yield
    }) : () -> ()
    %run_scoped3A_5 = arith.constant 1 : i32
    "tpu.region"() ({
      %run_scoped3A_149 = tpu.sem_alloc : memref<!tpu.dma_semaphore, #tpu.memory_space<semaphore_mem>>
      %dma_start3A_150 = arith.constant 0 : i32
      %dma_start3A_151 = arith.constant 0 : i32
      %dma_start3A_152 = tpu.memref_slice %arg2[%run_scoped3A_5, %add3A, %dma_start3A_150, %dma_start3A_151] : memref<2x32x80x128xi32, #tpu.memory_space<hbm>> -> memref<1x1x80x128xi32, #tpu.memory_space<hbm>>
      %dma_start3A_153 = tpu.memref_squeeze %dma_start3A_152 : memref<1x1x80x128xi32, #tpu.memory_space<hbm>> -> memref<80x128xi32, #tpu.memory_space<hbm>>
      %dma_start3A_154 = arith.constant 0 : i32
      %dma_start3A_155 = arith.constant 0 : i32
      %dma_start3A_156 = tpu.memref_slice %arg2[%run_scoped3A_5, %add3A, %dma_start3A_154, %dma_start3A_155] : memref<2x32x80x128xi32, #tpu.memory_space<hbm>> -> memref<1x1x80x128xi32, #tpu.memory_space<hbm>>
      %dma_start3A_157 = tpu.memref_squeeze %dma_start3A_156 : memref<1x1x80x128xi32, #tpu.memory_space<hbm>> -> memref<80x128xi32, #tpu.memory_space<hbm>>
      tpu.enqueue_dma source(%dma_start3A_157 : memref<80x128xi32, #tpu.memory_space<hbm>>) target(%arg7 : memref<80x128xi32, #tpu.memory_space<vmem>>) target_semaphore(%run_scoped3A_149 : memref<!tpu.dma_semaphore, #tpu.memory_space<semaphore_mem>>)
      %dma_wait3A_158 = arith.constant 0 : i32
      %dma_wait3A_159 = arith.constant 0 : i32
      %dma_wait3A_160 = tpu.memref_slice %arg2[%run_scoped3A_5, %add3A, %dma_wait3A_158, %dma_wait3A_159] : memref<2x32x80x128xi32, #tpu.memory_space<hbm>> -> memref<1x1x80x128xi32, #tpu.memory_space<hbm>>
      %dma_wait3A_161 = tpu.memref_squeeze %dma_wait3A_160 : memref<1x1x80x128xi32, #tpu.memory_space<hbm>> -> memref<80x128xi32, #tpu.memory_space<hbm>>
      %dma_wait3A_162 = arith.constant 0 : i32
      %dma_wait3A_163 = arith.constant 0 : i32
      %dma_wait3A_164 = tpu.memref_slice %arg2[%run_scoped3A_5, %add3A, %dma_wait3A_162, %dma_wait3A_163] : memref<2x32x80x128xi32, #tpu.memory_space<hbm>> -> memref<1x1x80x128xi32, #tpu.memory_space<hbm>>
      %dma_wait3A_165 = tpu.memref_squeeze %dma_wait3A_164 : memref<1x1x80x128xi32, #tpu.memory_space<hbm>> -> memref<80x128xi32, #tpu.memory_space<hbm>>
      tpu.wait_dma2 semaphore(%run_scoped3A_149 : memref<!tpu.dma_semaphore, #tpu.memory_space<semaphore_mem>>) src(%dma_wait3A_165 : memref<80x128xi32, #tpu.memory_space<hbm>>) dst(%arg7 : memref<80x128xi32, #tpu.memory_space<vmem>>)
      tpu.yield
    }) : () -> ()
    %barrier3A = arith.constant 0 : index
    tpu.barrier barrier_id(%barrier3A)
    %dma_start3A = arith.constant 0 : i32
    %dma_start3A_6 = arith.constant 0 : i32
    %dma_start3A_7 = arith.constant 0 : i32
    %dma_start3A_8 = arith.constant 0 : i32
    %dma_start3A_9 = arith.constant 0 : i32
    %dma_start3A_10 = tpu.memref_slice %arg8[%dma_start3A_6, %dma_start3A_8, %dma_start3A_9] : memref<6x128x32xf32, #tpu.memory_space<vmem>> -> memref<1x128x32xf32, #tpu.memory_space<vmem>>
    %dma_start3A_11 = tpu.memref_squeeze %dma_start3A_10 : memref<1x128x32xf32, #tpu.memory_space<vmem>> -> memref<128x32xf32, #tpu.memory_space<vmem>>
    %dma_start3A_12 = arith.constant 0 : i32
    %dma_start3A_13 = tpu.memref_slice %arg6[%dma_start3A, %dma_start3A_12] : memref<80x128xi32, #tpu.memory_space<vmem>> -> memref<1x128xi32, #tpu.memory_space<vmem>>
    %dma_start3A_14 = tpu.memref_squeeze %dma_start3A_13 : memref<1x128xi32, #tpu.memory_space<vmem>> -> memref<128xi32, #tpu.memory_space<vmem>>
    %dma_start3A_15 = arith.constant 0 : i32
    %dma_start3A_16 = arith.constant 0 : i32
    %dma_start3A_17 = tpu.memref_slice %arg3[%dma_start3A_15, %dma_start3A_16] : memref<10240x32xf32, #tpu.memory_space<hbm>> -> memref<10240x32xf32, #tpu.memory_space<hbm>>
    %dma_start3A_18 = tpu.memref_slice %arg10[%dma_start3A_7] : memref<6x!tpu.dma_semaphore, #tpu.memory_space<semaphore_mem>> -> memref<1x!tpu.dma_semaphore, #tpu.memory_space<semaphore_mem>>
    %dma_start3A_19 = tpu.memref_squeeze %dma_start3A_18 : memref<1x!tpu.dma_semaphore, #tpu.memory_space<semaphore_mem>> -> memref<!tpu.dma_semaphore, #tpu.memory_space<semaphore_mem>>
    tpu.enqueue_indirect_dma source(%dma_start3A_17 : memref<10240x32xf32, #tpu.memory_space<hbm>>) target(%dma_start3A_11 : memref<128x32xf32, #tpu.memory_space<vmem>>) offsets(%dma_start3A_14 : memref<128xi32, #tpu.memory_space<vmem>>) semaphore(%dma_start3A_19 : memref<!tpu.dma_semaphore, #tpu.memory_space<semaphore_mem>>)
    %dma_start3A_20 = arith.constant 1 : i32
    %dma_start3A_21 = arith.constant 1 : i32
    %dma_start3A_22 = arith.constant 1 : i32
    %dma_start3A_23 = arith.constant 0 : i32
    %dma_start3A_24 = arith.constant 0 : i32
    %dma_start3A_25 = tpu.memref_slice %arg8[%dma_start3A_21, %dma_start3A_23, %dma_start3A_24] : memref<6x128x32xf32, #tpu.memory_space<vmem>> -> memref<1x128x32xf32, #tpu.memory_space<vmem>>
    %dma_start3A_26 = tpu.memref_squeeze %dma_start3A_25 : memref<1x128x32xf32, #tpu.memory_space<vmem>> -> memref<128x32xf32, #tpu.memory_space<vmem>>
    %dma_start3A_27 = arith.constant 0 : i32
    %dma_start3A_28 = tpu.memref_slice %arg6[%dma_start3A_20, %dma_start3A_27] : memref<80x128xi32, #tpu.memory_space<vmem>> -> memref<1x128xi32, #tpu.memory_space<vmem>>
    %dma_start3A_29 = tpu.memref_squeeze %dma_start3A_28 : memref<1x128xi32, #tpu.memory_space<vmem>> -> memref<128xi32, #tpu.memory_space<vmem>>
    %dma_start3A_30 = arith.constant 0 : i32
    %dma_start3A_31 = arith.constant 0 : i32
    %dma_start3A_32 = tpu.memref_slice %arg3[%dma_start3A_30, %dma_start3A_31] : memref<10240x32xf32, #tpu.memory_space<hbm>> -> memref<10240x32xf32, #tpu.memory_space<hbm>>
    %dma_start3A_33 = tpu.memref_slice %arg10[%dma_start3A_22] : memref<6x!tpu.dma_semaphore, #tpu.memory_space<semaphore_mem>> -> memref<1x!tpu.dma_semaphore, #tpu.memory_space<semaphore_mem>>
    %dma_start3A_34 = tpu.memref_squeeze %dma_start3A_33 : memref<1x!tpu.dma_semaphore, #tpu.memory_space<semaphore_mem>> -> memref<!tpu.dma_semaphore, #tpu.memory_space<semaphore_mem>>
    tpu.enqueue_indirect_dma source(%dma_start3A_32 : memref<10240x32xf32, #tpu.memory_space<hbm>>) target(%dma_start3A_26 : memref<128x32xf32, #tpu.memory_space<vmem>>) offsets(%dma_start3A_29 : memref<128xi32, #tpu.memory_space<vmem>>) semaphore(%dma_start3A_34 : memref<!tpu.dma_semaphore, #tpu.memory_space<semaphore_mem>>)
    %dma_start3A_35 = arith.constant 2 : i32
    %dma_start3A_36 = arith.constant 2 : i32
    %dma_start3A_37 = arith.constant 2 : i32
    %dma_start3A_38 = arith.constant 0 : i32
    %dma_start3A_39 = arith.constant 0 : i32
    %dma_start3A_40 = tpu.memref_slice %arg8[%dma_start3A_36, %dma_start3A_38, %dma_start3A_39] : memref<6x128x32xf32, #tpu.memory_space<vmem>> -> memref<1x128x32xf32, #tpu.memory_space<vmem>>
    %dma_start3A_41 = tpu.memref_squeeze %dma_start3A_40 : memref<1x128x32xf32, #tpu.memory_space<vmem>> -> memref<128x32xf32, #tpu.memory_space<vmem>>
    %dma_start3A_42 = arith.constant 0 : i32
    %dma_start3A_43 = tpu.memref_slice %arg6[%dma_start3A_35, %dma_start3A_42] : memref<80x128xi32, #tpu.memory_space<vmem>> -> memref<1x128xi32, #tpu.memory_space<vmem>>
    %dma_start3A_44 = tpu.memref_squeeze %dma_start3A_43 : memref<1x128xi32, #tpu.memory_space<vmem>> -> memref<128xi32, #tpu.memory_space<vmem>>
    %dma_start3A_45 = arith.constant 0 : i32
    %dma_start3A_46 = arith.constant 0 : i32
    %dma_start3A_47 = tpu.memref_slice %arg3[%dma_start3A_45, %dma_start3A_46] : memref<10240x32xf32, #tpu.memory_space<hbm>> -> memref<10240x32xf32, #tpu.memory_space<hbm>>
    %dma_start3A_48 = tpu.memref_slice %arg10[%dma_start3A_37] : memref<6x!tpu.dma_semaphore, #tpu.memory_space<semaphore_mem>> -> memref<1x!tpu.dma_semaphore, #tpu.memory_space<semaphore_mem>>
    %dma_start3A_49 = tpu.memref_squeeze %dma_start3A_48 : memref<1x!tpu.dma_semaphore, #tpu.memory_space<semaphore_mem>> -> memref<!tpu.dma_semaphore, #tpu.memory_space<semaphore_mem>>
    tpu.enqueue_indirect_dma source(%dma_start3A_47 : memref<10240x32xf32, #tpu.memory_space<hbm>>) target(%dma_start3A_41 : memref<128x32xf32, #tpu.memory_space<vmem>>) offsets(%dma_start3A_44 : memref<128xi32, #tpu.memory_space<vmem>>) semaphore(%dma_start3A_49 : memref<!tpu.dma_semaphore, #tpu.memory_space<semaphore_mem>>)
    %scan3A = arith.constant 0 : i32
    %scan3A_50 = arith.constant 0 : i32
    %scan3A_51 = arith.constant 80 : i32
    %scan3A_52 = arith.addi %scan3A_50, %scan3A_51 : i32
    %scan3A_53 = arith.constant 1 : i32
    scf.for %scan3A_149 = %scan3A_50 to %scan3A_52 step %scan3A_53  : i32 {
      %add3A_150 = arith.constant 3 : i32
      %add3A_151 = arith.addi %scan3A_149, %add3A_150 : i32
      %jit3A = arith.constant 6 : i32
      %eq3A = arith.constant 0 : i32
      %eq3A_152 = arith.cmpi eq, %jit3A, %eq3A : i32
      %jit3A_153 = arith.constant 1 : i32
      %select_n3A = arith.select %eq3A_152, %jit3A_153, %jit3A : i32
      %rem3A = arith.remsi %add3A_151, %select_n3A : i32
      %ne3A = arith.constant 0 : i32
      %ne3A_154 = arith.cmpi ne, %rem3A, %ne3A : i32
      %lt3A = arith.constant 0 : i32
      %lt3A_155 = arith.cmpi slt, %rem3A, %lt3A : i32
      %lt3A_156 = arith.constant 0 : i32
      %lt3A_157 = arith.cmpi slt, %select_n3A, %lt3A_156 : i32
      %ne3A_158 = arith.xori %lt3A_155, %lt3A_157 : i1
      %and3A = arith.andi %ne3A_158, %ne3A_154 : i1
      %add3A_159 = arith.addi %rem3A, %select_n3A : i32
      %select_n3A_160 = arith.select %and3A, %add3A_159, %rem3A : i32
      %add3A_161 = arith.constant 3 : i32
      %add3A_162 = arith.addi %scan3A_149, %add3A_161 : i32
      %lt3A_163 = arith.constant 80 : i32
      %lt3A_164 = arith.cmpi slt, %add3A_162, %lt3A_163 : i32
      %convert_element_type3A = arith.extui %lt3A_164 : i1 to i32
      %cond3A = arith.constant 0 : i32
      %cond3A_165 = arith.cmpi ne, %convert_element_type3A, %cond3A : i32
      scf.if %cond3A_165 {
        %add3A_206 = arith.constant 3 : i32
        %add3A_207 = arith.addi %scan3A_149, %add3A_206 : i32
        %ge3A = arith.constant 6 : i32
        %ge3A_208 = arith.cmpi sge, %add3A_207, %ge3A : i32
        %convert_element_type3A_209 = arith.extui %ge3A_208 : i1 to i32
        %cond3A_210 = arith.constant 0 : i32
        %cond3A_211 = arith.cmpi ne, %convert_element_type3A_209, %cond3A_210 : i32
        scf.if %cond3A_211 {
          %dma_wait3A_226 = arith.constant 0 : i32
          %dma_wait3A_227 = arith.constant 0 : i32
          %dma_wait3A_228 = arith.constant 0 : i32
          %dma_wait3A_229 = tpu.memref_slice %arg8[%select_n3A_160, %dma_wait3A_227, %dma_wait3A_228] : memref<6x128x32xf32, #tpu.memory_space<vmem>> -> memref<1x128x32xf32, #tpu.memory_space<vmem>>
          %dma_wait3A_230 = tpu.memref_squeeze %dma_wait3A_229 : memref<1x128x32xf32, #tpu.memory_space<vmem>> -> memref<128x32xf32, #tpu.memory_space<vmem>>
          %dma_wait3A_231 = arith.constant 0 : i32
          %dma_wait3A_232 = tpu.memref_slice %arg7[%dma_wait3A_226, %dma_wait3A_231] : memref<80x128xi32, #tpu.memory_space<vmem>> -> memref<1x128xi32, #tpu.memory_space<vmem>>
          %dma_wait3A_233 = tpu.memref_squeeze %dma_wait3A_232 : memref<1x128xi32, #tpu.memory_space<vmem>> -> memref<128xi32, #tpu.memory_space<vmem>>
          %dma_wait3A_234 = arith.constant 0 : i32
          %dma_wait3A_235 = arith.constant 0 : i32
          %dma_wait3A_236 = tpu.memref_slice %arg9[%dma_wait3A_234, %dma_wait3A_235] : memref<10240x32xf32, #tpu.memory_space<vmem_shared>> -> memref<10240x32xf32, #tpu.memory_space<vmem_shared>>
          %dma_wait3A_237 = tpu.memref_slice %arg11[%select_n3A_160] : memref<6x!tpu.dma_semaphore, #tpu.memory_space<semaphore_mem>> -> memref<1x!tpu.dma_semaphore, #tpu.memory_space<semaphore_mem>>
          %dma_wait3A_238 = tpu.memref_squeeze %dma_wait3A_237 : memref<1x!tpu.dma_semaphore, #tpu.memory_space<semaphore_mem>> -> memref<!tpu.dma_semaphore, #tpu.memory_space<semaphore_mem>>
          tpu.wait_indirect_dma semaphore(%dma_wait3A_238 : memref<!tpu.dma_semaphore, #tpu.memory_space<semaphore_mem>>) src(%dma_wait3A_230 : memref<128x32xf32, #tpu.memory_space<vmem>>) dst(%dma_wait3A_236 : memref<10240x32xf32, #tpu.memory_space<vmem_shared>>)
        } else {
        }
        %add3A_212 = arith.constant 3 : i32
        %add3A_213 = arith.addi %scan3A_149, %add3A_212 : i32
        %dma_start3A_214 = arith.constant 0 : i32
        %dma_start3A_215 = arith.constant 0 : i32
        %dma_start3A_216 = tpu.memref_slice %arg8[%select_n3A_160, %dma_start3A_214, %dma_start3A_215] : memref<6x128x32xf32, #tpu.memory_space<vmem>> -> memref<1x128x32xf32, #tpu.memory_space<vmem>>
        %dma_start3A_217 = tpu.memref_squeeze %dma_start3A_216 : memref<1x128x32xf32, #tpu.memory_space<vmem>> -> memref<128x32xf32, #tpu.memory_space<vmem>>
        %dma_start3A_218 = arith.constant 0 : i32
        %dma_start3A_219 = tpu.memref_slice %arg6[%add3A_213, %dma_start3A_218] : memref<80x128xi32, #tpu.memory_space<vmem>> -> memref<1x128xi32, #tpu.memory_space<vmem>>
        %dma_start3A_220 = tpu.memref_squeeze %dma_start3A_219 : memref<1x128xi32, #tpu.memory_space<vmem>> -> memref<128xi32, #tpu.memory_space<vmem>>
        %dma_start3A_221 = arith.constant 0 : i32
        %dma_start3A_222 = arith.constant 0 : i32
        %dma_start3A_223 = tpu.memref_slice %arg3[%dma_start3A_221, %dma_start3A_222] : memref<10240x32xf32, #tpu.memory_space<hbm>> -> memref<10240x32xf32, #tpu.memory_space<hbm>>
        %dma_start3A_224 = tpu.memref_slice %arg10[%select_n3A_160] : memref<6x!tpu.dma_semaphore, #tpu.memory_space<semaphore_mem>> -> memref<1x!tpu.dma_semaphore, #tpu.memory_space<semaphore_mem>>
        %dma_start3A_225 = tpu.memref_squeeze %dma_start3A_224 : memref<1x!tpu.dma_semaphore, #tpu.memory_space<semaphore_mem>> -> memref<!tpu.dma_semaphore, #tpu.memory_space<semaphore_mem>>
        tpu.enqueue_indirect_dma source(%dma_start3A_223 : memref<10240x32xf32, #tpu.memory_space<hbm>>) target(%dma_start3A_217 : memref<128x32xf32, #tpu.memory_space<vmem>>) offsets(%dma_start3A_220 : memref<128xi32, #tpu.memory_space<vmem>>) semaphore(%dma_start3A_225 : memref<!tpu.dma_semaphore, #tpu.memory_space<semaphore_mem>>)
      } else {
      }
      %jit3A_166 = arith.constant 6 : i32
      %eq3A_167 = arith.constant 0 : i32
      %eq3A_168 = arith.cmpi eq, %jit3A_166, %eq3A_167 : i32
      %jit3A_169 = arith.constant 1 : i32
      %select_n3A_170 = arith.select %eq3A_168, %jit3A_169, %jit3A_166 : i32
      %rem3A_171 = arith.remsi %scan3A_149, %select_n3A_170 : i32
      %ne3A_172 = arith.constant 0 : i32
      %ne3A_173 = arith.cmpi ne, %rem3A_171, %ne3A_172 : i32
      %lt3A_174 = arith.constant 0 : i32
      %lt3A_175 = arith.cmpi slt, %rem3A_171, %lt3A_174 : i32
      %lt3A_176 = arith.constant 0 : i32
      %lt3A_177 = arith.cmpi slt, %select_n3A_170, %lt3A_176 : i32
      %ne3A_178 = arith.xori %lt3A_175, %lt3A_177 : i1
      %and3A_179 = arith.andi %ne3A_178, %ne3A_173 : i1
      %add3A_180 = arith.addi %rem3A_171, %select_n3A_170 : i32
      %select_n3A_181 = arith.select %and3A_179, %add3A_180, %rem3A_171 : i32
      %dma_wait3A_182 = arith.constant 0 : i32
      %dma_wait3A_183 = arith.constant 0 : i32
      %dma_wait3A_184 = tpu.memref_slice %arg8[%select_n3A_181, %dma_wait3A_182, %dma_wait3A_183] : memref<6x128x32xf32, #tpu.memory_space<vmem>> -> memref<1x128x32xf32, #tpu.memory_space<vmem>>
      %dma_wait3A_185 = tpu.memref_squeeze %dma_wait3A_184 : memref<1x128x32xf32, #tpu.memory_space<vmem>> -> memref<128x32xf32, #tpu.memory_space<vmem>>
      %dma_wait3A_186 = arith.constant 0 : i32
      %dma_wait3A_187 = tpu.memref_slice %arg6[%scan3A_149, %dma_wait3A_186] : memref<80x128xi32, #tpu.memory_space<vmem>> -> memref<1x128xi32, #tpu.memory_space<vmem>>
      %dma_wait3A_188 = tpu.memref_squeeze %dma_wait3A_187 : memref<1x128xi32, #tpu.memory_space<vmem>> -> memref<128xi32, #tpu.memory_space<vmem>>
      %dma_wait3A_189 = arith.constant 0 : i32
      %dma_wait3A_190 = arith.constant 0 : i32
      %dma_wait3A_191 = tpu.memref_slice %arg3[%dma_wait3A_189, %dma_wait3A_190] : memref<10240x32xf32, #tpu.memory_space<hbm>> -> memref<10240x32xf32, #tpu.memory_space<hbm>>
      %dma_wait3A_192 = tpu.memref_slice %arg10[%select_n3A_181] : memref<6x!tpu.dma_semaphore, #tpu.memory_space<semaphore_mem>> -> memref<1x!tpu.dma_semaphore, #tpu.memory_space<semaphore_mem>>
      %dma_wait3A_193 = tpu.memref_squeeze %dma_wait3A_192 : memref<1x!tpu.dma_semaphore, #tpu.memory_space<semaphore_mem>> -> memref<!tpu.dma_semaphore, #tpu.memory_space<semaphore_mem>>
      tpu.wait_indirect_dma semaphore(%dma_wait3A_193 : memref<!tpu.dma_semaphore, #tpu.memory_space<semaphore_mem>>) src(%dma_wait3A_191 : memref<10240x32xf32, #tpu.memory_space<hbm>>) dst(%dma_wait3A_185 : memref<128x32xf32, #tpu.memory_space<vmem>>)
      %dma_start3A_194 = arith.constant 0 : i32
      %dma_start3A_195 = arith.constant 0 : i32
      %dma_start3A_196 = tpu.memref_slice %arg8[%select_n3A_181, %dma_start3A_194, %dma_start3A_195] : memref<6x128x32xf32, #tpu.memory_space<vmem>> -> memref<1x128x32xf32, #tpu.memory_space<vmem>>
      %dma_start3A_197 = tpu.memref_squeeze %dma_start3A_196 : memref<1x128x32xf32, #tpu.memory_space<vmem>> -> memref<128x32xf32, #tpu.memory_space<vmem>>
      %dma_start3A_198 = arith.constant 0 : i32
      %dma_start3A_199 = tpu.memref_slice %arg7[%scan3A_149, %dma_start3A_198] : memref<80x128xi32, #tpu.memory_space<vmem>> -> memref<1x128xi32, #tpu.memory_space<vmem>>
      %dma_start3A_200 = tpu.memref_squeeze %dma_start3A_199 : memref<1x128xi32, #tpu.memory_space<vmem>> -> memref<128xi32, #tpu.memory_space<vmem>>
      %dma_start3A_201 = arith.constant 0 : i32
      %dma_start3A_202 = arith.constant 0 : i32
      %dma_start3A_203 = tpu.memref_slice %arg9[%dma_start3A_201, %dma_start3A_202] : memref<10240x32xf32, #tpu.memory_space<vmem_shared>> -> memref<10240x32xf32, #tpu.memory_space<vmem_shared>>
      %dma_start3A_204 = tpu.memref_slice %arg11[%select_n3A_181] : memref<6x!tpu.dma_semaphore, #tpu.memory_space<semaphore_mem>> -> memref<1x!tpu.dma_semaphore, #tpu.memory_space<semaphore_mem>>
      %dma_start3A_205 = tpu.memref_squeeze %dma_start3A_204 : memref<1x!tpu.dma_semaphore, #tpu.memory_space<semaphore_mem>> -> memref<!tpu.dma_semaphore, #tpu.memory_space<semaphore_mem>>
      tpu.enqueue_indirect_dma source(%dma_start3A_197 : memref<128x32xf32, #tpu.memory_space<vmem>>) target(%dma_start3A_203 : memref<10240x32xf32, #tpu.memory_space<vmem_shared>>) offsets(%dma_start3A_200 : memref<128xi32, #tpu.memory_space<vmem>>) semaphore(%dma_start3A_205 : memref<!tpu.dma_semaphore, #tpu.memory_space<semaphore_mem>>) {add = true}
    }
    %scan3A_54 = arith.constant 80 : i32
    %dma_wait3A = arith.constant 0 : i32
    %dma_wait3A_55 = arith.constant 0 : i32
    %dma_wait3A_56 = arith.constant 0 : i32
    %dma_wait3A_57 = arith.constant 0 : i32
    %dma_wait3A_58 = arith.constant 0 : i32
    %dma_wait3A_59 = tpu.memref_slice %arg8[%dma_wait3A, %dma_wait3A_57, %dma_wait3A_58] : memref<6x128x32xf32, #tpu.memory_space<vmem>> -> memref<1x128x32xf32, #tpu.memory_space<vmem>>
    %dma_wait3A_60 = tpu.memref_squeeze %dma_wait3A_59 : memref<1x128x32xf32, #tpu.memory_space<vmem>> -> memref<128x32xf32, #tpu.memory_space<vmem>>
    %dma_wait3A_61 = arith.constant 0 : i32
    %dma_wait3A_62 = tpu.memref_slice %arg7[%dma_wait3A_55, %dma_wait3A_61] : memref<80x128xi32, #tpu.memory_space<vmem>> -> memref<1x128xi32, #tpu.memory_space<vmem>>
    %dma_wait3A_63 = tpu.memref_squeeze %dma_wait3A_62 : memref<1x128xi32, #tpu.memory_space<vmem>> -> memref<128xi32, #tpu.memory_space<vmem>>
    %dma_wait3A_64 = arith.constant 0 : i32
    %dma_wait3A_65 = arith.constant 0 : i32
    %dma_wait3A_66 = tpu.memref_slice %arg9[%dma_wait3A_64, %dma_wait3A_65] : memref<10240x32xf32, #tpu.memory_space<vmem_shared>> -> memref<10240x32xf32, #tpu.memory_space<vmem_shared>>
    %dma_wait3A_67 = tpu.memref_slice %arg11[%dma_wait3A_56] : memref<6x!tpu.dma_semaphore, #tpu.memory_space<semaphore_mem>> -> memref<1x!tpu.dma_semaphore, #tpu.memory_space<semaphore_mem>>
    %dma_wait3A_68 = tpu.memref_squeeze %dma_wait3A_67 : memref<1x!tpu.dma_semaphore, #tpu.memory_space<semaphore_mem>> -> memref<!tpu.dma_semaphore, #tpu.memory_space<semaphore_mem>>
    tpu.wait_indirect_dma semaphore(%dma_wait3A_68 : memref<!tpu.dma_semaphore, #tpu.memory_space<semaphore_mem>>) src(%dma_wait3A_60 : memref<128x32xf32, #tpu.memory_space<vmem>>) dst(%dma_wait3A_66 : memref<10240x32xf32, #tpu.memory_space<vmem_shared>>)
    %dma_wait3A_69 = arith.constant 1 : i32
    %dma_wait3A_70 = arith.constant 0 : i32
    %dma_wait3A_71 = arith.constant 1 : i32
    %dma_wait3A_72 = arith.constant 0 : i32
    %dma_wait3A_73 = arith.constant 0 : i32
    %dma_wait3A_74 = tpu.memref_slice %arg8[%dma_wait3A_69, %dma_wait3A_72, %dma_wait3A_73] : memref<6x128x32xf32, #tpu.memory_space<vmem>> -> memref<1x128x32xf32, #tpu.memory_space<vmem>>
    %dma_wait3A_75 = tpu.memref_squeeze %dma_wait3A_74 : memref<1x128x32xf32, #tpu.memory_space<vmem>> -> memref<128x32xf32, #tpu.memory_space<vmem>>
    %dma_wait3A_76 = arith.constant 0 : i32
    %dma_wait3A_77 = tpu.memref_slice %arg7[%dma_wait3A_70, %dma_wait3A_76] : memref<80x128xi32, #tpu.memory_space<vmem>> -> memref<1x128xi32, #tpu.memory_space<vmem>>
    %dma_wait3A_78 = tpu.memref_squeeze %dma_wait3A_77 : memref<1x128xi32, #tpu.memory_space<vmem>> -> memref<128xi32, #tpu.memory_space<vmem>>
    %dma_wait3A_79 = arith.constant 0 : i32
    %dma_wait3A_80 = arith.constant 0 : i32
    %dma_wait3A_81 = tpu.memref_slice %arg9[%dma_wait3A_79, %dma_wait3A_80] : memref<10240x32xf32, #tpu.memory_space<vmem_shared>> -> memref<10240x32xf32, #tpu.memory_space<vmem_shared>>
    %dma_wait3A_82 = tpu.memref_slice %arg11[%dma_wait3A_71] : memref<6x!tpu.dma_semaphore, #tpu.memory_space<semaphore_mem>> -> memref<1x!tpu.dma_semaphore, #tpu.memory_space<semaphore_mem>>
    %dma_wait3A_83 = tpu.memref_squeeze %dma_wait3A_82 : memref<1x!tpu.dma_semaphore, #tpu.memory_space<semaphore_mem>> -> memref<!tpu.dma_semaphore, #tpu.memory_space<semaphore_mem>>
    tpu.wait_indirect_dma semaphore(%dma_wait3A_83 : memref<!tpu.dma_semaphore, #tpu.memory_space<semaphore_mem>>) src(%dma_wait3A_75 : memref<128x32xf32, #tpu.memory_space<vmem>>) dst(%dma_wait3A_81 : memref<10240x32xf32, #tpu.memory_space<vmem_shared>>)
    %dma_wait3A_84 = arith.constant 2 : i32
    %dma_wait3A_85 = arith.constant 0 : i32
    %dma_wait3A_86 = arith.constant 2 : i32
    %dma_wait3A_87 = arith.constant 0 : i32
    %dma_wait3A_88 = arith.constant 0 : i32
    %dma_wait3A_89 = tpu.memref_slice %arg8[%dma_wait3A_84, %dma_wait3A_87, %dma_wait3A_88] : memref<6x128x32xf32, #tpu.memory_space<vmem>> -> memref<1x128x32xf32, #tpu.memory_space<vmem>>
    %dma_wait3A_90 = tpu.memref_squeeze %dma_wait3A_89 : memref<1x128x32xf32, #tpu.memory_space<vmem>> -> memref<128x32xf32, #tpu.memory_space<vmem>>
    %dma_wait3A_91 = arith.constant 0 : i32
    %dma_wait3A_92 = tpu.memref_slice %arg7[%dma_wait3A_85, %dma_wait3A_91] : memref<80x128xi32, #tpu.memory_space<vmem>> -> memref<1x128xi32, #tpu.memory_space<vmem>>
    %dma_wait3A_93 = tpu.memref_squeeze %dma_wait3A_92 : memref<1x128xi32, #tpu.memory_space<vmem>> -> memref<128xi32, #tpu.memory_space<vmem>>
    %dma_wait3A_94 = arith.constant 0 : i32
    %dma_wait3A_95 = arith.constant 0 : i32
    %dma_wait3A_96 = tpu.memref_slice %arg9[%dma_wait3A_94, %dma_wait3A_95] : memref<10240x32xf32, #tpu.memory_space<vmem_shared>> -> memref<10240x32xf32, #tpu.memory_space<vmem_shared>>
    %dma_wait3A_97 = tpu.memref_slice %arg11[%dma_wait3A_86] : memref<6x!tpu.dma_semaphore, #tpu.memory_space<semaphore_mem>> -> memref<1x!tpu.dma_semaphore, #tpu.memory_space<semaphore_mem>>
    %dma_wait3A_98 = tpu.memref_squeeze %dma_wait3A_97 : memref<1x!tpu.dma_semaphore, #tpu.memory_space<semaphore_mem>> -> memref<!tpu.dma_semaphore, #tpu.memory_space<semaphore_mem>>
    tpu.wait_indirect_dma semaphore(%dma_wait3A_98 : memref<!tpu.dma_semaphore, #tpu.memory_space<semaphore_mem>>) src(%dma_wait3A_90 : memref<128x32xf32, #tpu.memory_space<vmem>>) dst(%dma_wait3A_96 : memref<10240x32xf32, #tpu.memory_space<vmem_shared>>)
    %dma_wait3A_99 = arith.constant 3 : i32
    %dma_wait3A_100 = arith.constant 0 : i32
    %dma_wait3A_101 = arith.constant 3 : i32
    %dma_wait3A_102 = arith.constant 0 : i32
    %dma_wait3A_103 = arith.constant 0 : i32
    %dma_wait3A_104 = tpu.memref_slice %arg8[%dma_wait3A_99, %dma_wait3A_102, %dma_wait3A_103] : memref<6x128x32xf32, #tpu.memory_space<vmem>> -> memref<1x128x32xf32, #tpu.memory_space<vmem>>
    %dma_wait3A_105 = tpu.memref_squeeze %dma_wait3A_104 : memref<1x128x32xf32, #tpu.memory_space<vmem>> -> memref<128x32xf32, #tpu.memory_space<vmem>>
    %dma_wait3A_106 = arith.constant 0 : i32
    %dma_wait3A_107 = tpu.memref_slice %arg7[%dma_wait3A_100, %dma_wait3A_106] : memref<80x128xi32, #tpu.memory_space<vmem>> -> memref<1x128xi32, #tpu.memory_space<vmem>>
    %dma_wait3A_108 = tpu.memref_squeeze %dma_wait3A_107 : memref<1x128xi32, #tpu.memory_space<vmem>> -> memref<128xi32, #tpu.memory_space<vmem>>
    %dma_wait3A_109 = arith.constant 0 : i32
    %dma_wait3A_110 = arith.constant 0 : i32
    %dma_wait3A_111 = tpu.memref_slice %arg9[%dma_wait3A_109, %dma_wait3A_110] : memref<10240x32xf32, #tpu.memory_space<vmem_shared>> -> memref<10240x32xf32, #tpu.memory_space<vmem_shared>>
    %dma_wait3A_112 = tpu.memref_slice %arg11[%dma_wait3A_101] : memref<6x!tpu.dma_semaphore, #tpu.memory_space<semaphore_mem>> -> memref<1x!tpu.dma_semaphore, #tpu.memory_space<semaphore_mem>>
    %dma_wait3A_113 = tpu.memref_squeeze %dma_wait3A_112 : memref<1x!tpu.dma_semaphore, #tpu.memory_space<semaphore_mem>> -> memref<!tpu.dma_semaphore, #tpu.memory_space<semaphore_mem>>
    tpu.wait_indirect_dma semaphore(%dma_wait3A_113 : memref<!tpu.dma_semaphore, #tpu.memory_space<semaphore_mem>>) src(%dma_wait3A_105 : memref<128x32xf32, #tpu.memory_space<vmem>>) dst(%dma_wait3A_111 : memref<10240x32xf32, #tpu.memory_space<vmem_shared>>)
    %dma_wait3A_114 = arith.constant 4 : i32
    %dma_wait3A_115 = arith.constant 0 : i32
    %dma_wait3A_116 = arith.constant 4 : i32
    %dma_wait3A_117 = arith.constant 0 : i32
    %dma_wait3A_118 = arith.constant 0 : i32
    %dma_wait3A_119 = tpu.memref_slice %arg8[%dma_wait3A_114, %dma_wait3A_117, %dma_wait3A_118] : memref<6x128x32xf32, #tpu.memory_space<vmem>> -> memref<1x128x32xf32, #tpu.memory_space<vmem>>
    %dma_wait3A_120 = tpu.memref_squeeze %dma_wait3A_119 : memref<1x128x32xf32, #tpu.memory_space<vmem>> -> memref<128x32xf32, #tpu.memory_space<vmem>>
    %dma_wait3A_121 = arith.constant 0 : i32
    %dma_wait3A_122 = tpu.memref_slice %arg7[%dma_wait3A_115, %dma_wait3A_121] : memref<80x128xi32, #tpu.memory_space<vmem>> -> memref<1x128xi32, #tpu.memory_space<vmem>>
    %dma_wait3A_123 = tpu.memref_squeeze %dma_wait3A_122 : memref<1x128xi32, #tpu.memory_space<vmem>> -> memref<128xi32, #tpu.memory_space<vmem>>
    %dma_wait3A_124 = arith.constant 0 : i32
    %dma_wait3A_125 = arith.constant 0 : i32
    %dma_wait3A_126 = tpu.memref_slice %arg9[%dma_wait3A_124, %dma_wait3A_125] : memref<10240x32xf32, #tpu.memory_space<vmem_shared>> -> memref<10240x32xf32, #tpu.memory_space<vmem_shared>>
    %dma_wait3A_127 = tpu.memref_slice %arg11[%dma_wait3A_116] : memref<6x!tpu.dma_semaphore, #tpu.memory_space<semaphore_mem>> -> memref<1x!tpu.dma_semaphore, #tpu.memory_space<semaphore_mem>>
    %dma_wait3A_128 = tpu.memref_squeeze %dma_wait3A_127 : memref<1x!tpu.dma_semaphore, #tpu.memory_space<semaphore_mem>> -> memref<!tpu.dma_semaphore, #tpu.memory_space<semaphore_mem>>
    tpu.wait_indirect_dma semaphore(%dma_wait3A_128 : memref<!tpu.dma_semaphore, #tpu.memory_space<semaphore_mem>>) src(%dma_wait3A_120 : memref<128x32xf32, #tpu.memory_space<vmem>>) dst(%dma_wait3A_126 : memref<10240x32xf32, #tpu.memory_space<vmem_shared>>)
    %dma_wait3A_129 = arith.constant 5 : i32
    %dma_wait3A_130 = arith.constant 0 : i32
    %dma_wait3A_131 = arith.constant 5 : i32
    %dma_wait3A_132 = arith.constant 0 : i32
    %dma_wait3A_133 = arith.constant 0 : i32
    %dma_wait3A_134 = tpu.memref_slice %arg8[%dma_wait3A_129, %dma_wait3A_132, %dma_wait3A_133] : memref<6x128x32xf32, #tpu.memory_space<vmem>> -> memref<1x128x32xf32, #tpu.memory_space<vmem>>
    %dma_wait3A_135 = tpu.memref_squeeze %dma_wait3A_134 : memref<1x128x32xf32, #tpu.memory_space<vmem>> -> memref<128x32xf32, #tpu.memory_space<vmem>>
    %dma_wait3A_136 = arith.constant 0 : i32
    %dma_wait3A_137 = tpu.memref_slice %arg7[%dma_wait3A_130, %dma_wait3A_136] : memref<80x128xi32, #tpu.memory_space<vmem>> -> memref<1x128xi32, #tpu.memory_space<vmem>>
    %dma_wait3A_138 = tpu.memref_squeeze %dma_wait3A_137 : memref<1x128xi32, #tpu.memory_space<vmem>> -> memref<128xi32, #tpu.memory_space<vmem>>
    %dma_wait3A_139 = arith.constant 0 : i32
    %dma_wait3A_140 = arith.constant 0 : i32
    %dma_wait3A_141 = tpu.memref_slice %arg9[%dma_wait3A_139, %dma_wait3A_140] : memref<10240x32xf32, #tpu.memory_space<vmem_shared>> -> memref<10240x32xf32, #tpu.memory_space<vmem_shared>>
    %dma_wait3A_142 = tpu.memref_slice %arg11[%dma_wait3A_131] : memref<6x!tpu.dma_semaphore, #tpu.memory_space<semaphore_mem>> -> memref<1x!tpu.dma_semaphore, #tpu.memory_space<semaphore_mem>>
    %dma_wait3A_143 = tpu.memref_squeeze %dma_wait3A_142 : memref<1x!tpu.dma_semaphore, #tpu.memory_space<semaphore_mem>> -> memref<!tpu.dma_semaphore, #tpu.memory_space<semaphore_mem>>
    tpu.wait_indirect_dma semaphore(%dma_wait3A_143 : memref<!tpu.dma_semaphore, #tpu.memory_space<semaphore_mem>>) src(%dma_wait3A_135 : memref<128x32xf32, #tpu.memory_space<vmem>>) dst(%dma_wait3A_141 : memref<10240x32xf32, #tpu.memory_space<vmem_shared>>)
    %barrier3A_144 = arith.constant 0 : index
    tpu.barrier barrier_id(%barrier3A_144)
    %mul3A_145 = arith.constant 640 : i32
    %mul3A_146 = arith.muli %arg1, %mul3A_145 : i32
    %mul3A_147 = arith.constant 640 : i32
    %mul3A_148 = arith.muli %arg1, %mul3A_147 : i32
    "tpu.region"() ({
      %run_scoped3A_149 = tpu.sem_alloc : memref<!tpu.dma_semaphore, #tpu.memory_space<semaphore_mem>>
      %dma_start3A_150 = arith.constant 0 : i32
      %dma_start3A_151 = tpu.memref_slice %arg5[%arg0, %mul3A_148, %dma_start3A_150] : memref<2x10240x32xf32, #tpu.memory_space<hbm>> -> memref<1x640x32xf32, #tpu.memory_space<hbm>>
      %dma_start3A_152 = tpu.memref_squeeze %dma_start3A_151 : memref<1x640x32xf32, #tpu.memory_space<hbm>> -> memref<640x32xf32, #tpu.memory_space<hbm>>
      %dma_start3A_153 = arith.constant 0 : i32
      %dma_start3A_154 = tpu.memref_slice %arg9[%mul3A_146, %dma_start3A_153] : memref<10240x32xf32, #tpu.memory_space<vmem_shared>> -> memref<640x32xf32, #tpu.memory_space<vmem_shared>>
      tpu.enqueue_dma source(%dma_start3A_154 : memref<640x32xf32, #tpu.memory_space<vmem_shared>>) target(%dma_start3A_152 : memref<640x32xf32, #tpu.memory_space<hbm>>) target_semaphore(%run_scoped3A_149 : memref<!tpu.dma_semaphore, #tpu.memory_space<semaphore_mem>>)
      %dma_wait3A_155 = arith.constant 0 : i32
      %dma_wait3A_156 = tpu.memref_slice %arg5[%arg0, %mul3A_148, %dma_wait3A_155] : memref<2x10240x32xf32, #tpu.memory_space<hbm>> -> memref<1x640x32xf32, #tpu.memory_space<hbm>>
      %dma_wait3A_157 = tpu.memref_squeeze %dma_wait3A_156 : memref<1x640x32xf32, #tpu.memory_space<hbm>> -> memref<640x32xf32, #tpu.memory_space<hbm>>
      %dma_wait3A_158 = arith.constant 0 : i32
      %dma_wait3A_159 = tpu.memref_slice %arg9[%mul3A_146, %dma_wait3A_158] : memref<10240x32xf32, #tpu.memory_space<vmem_shared>> -> memref<640x32xf32, #tpu.memory_space<vmem_shared>>
      tpu.wait_dma2 semaphore(%run_scoped3A_149 : memref<!tpu.dma_semaphore, #tpu.memory_space<semaphore_mem>>) src(%dma_wait3A_159 : memref<640x32xf32, #tpu.memory_space<vmem_shared>>) dst(%dma_wait3A_157 : memref<640x32xf32, #tpu.memory_space<hbm>>)
      tpu.yield
    }) : () -> ()
    return
  }
}

#map = affine_map<(d0, d1) -> (0, 0, 0, 0)>
#map1 = affine_map<(d0, d1) -> (0, 0)>
#map2 = affine_map<(d0, d1) -> (0, 0, 0)>
module attributes {stable_mosaic.version = 14 : i64} {
  func.func @_sc_aggregate(%arg0: i32, %arg1: i32, %arg2: memref<2x32x80x128xi32, #tpu.memory_space<hbm>>, %arg3: memref<10240x32xf32, #tpu.memory_space<hbm>>, %arg4: memref<10240x32xf32, #tpu.memory_space<hbm>>, %arg5: memref<2x10240x32xf32, #tpu.memory_space<hbm>>, %arg6: memref<80x128xi32, #tpu.memory_space<vmem>>, %arg7: memref<80x128xi32, #tpu.memory_space<vmem>>, %arg8: memref<6x128x32xf32, #tpu.memory_space<vmem>>, %arg9: memref<10240x32xf32, #tpu.memory_space<vmem_shared>>, %arg10: memref<6x!tpu.dma_semaphore, #tpu.memory_space<semaphore_mem>>, %arg11: memref<6x!tpu.dma_semaphore, #tpu.memory_space<semaphore_mem>>) attributes {dimension_semantics = [#tpu.dimension_semantics<core_parallel>, #tpu.dimension_semantics<subcore_parallel>], iteration_bounds = array<i64: 2, 16>, scalar_prefetch = 0 : i64, scratch_operands = 6 : i64, tpu.core_type = #tpu.core_type<sc_vector_subcore>, window_params = [{transform_indices = #map}, {transform_indices = #map1}, {transform_indices = #map1}, {transform_indices = #map2}]} {
    %mul3A = arith.constant 2 : i32
    %mul3A_0 = arith.muli %arg1, %mul3A : i32
    %add3A = arith.addi %mul3A_0, %arg0 : i32
    %mul3A_1 = arith.constant 640 : i32
    %mul3A_2 = arith.muli %arg1, %mul3A_1 : i32
    %mul3A_3 = arith.constant 640 : i32
    %mul3A_4 = arith.muli %arg1, %mul3A_3 : i32
    "tpu.region"() ({
      %run_scoped3A_149 = tpu.sem_alloc : memref<!tpu.dma_semaphore, #tpu.memory_space<semaphore_mem>>
      %dma_start3A_150 = arith.constant 0 : i32
      %dma_start3A_151 = tpu.memref_slice %arg9[%mul3A_4, %dma_start3A_150] : memref<10240x32xf32, #tpu.memory_space<vmem_shared>> -> memref<640x32xf32, #tpu.memory_space<vmem_shared>>
      %dma_start3A_152 = arith.constant 0 : i32
      %dma_start3A_153 = tpu.memref_slice %arg4[%mul3A_2, %dma_start3A_152] : memref<10240x32xf32, #tpu.memory_space<hbm>> -> memref<640x32xf32, #tpu.memory_space<hbm>>
      tpu.enqueue_dma source(%dma_start3A_153 : memref<640x32xf32, #tpu.memory_space<hbm>>) target(%dma_start3A_151 : memref<640x32xf32, #tpu.memory_space<vmem_shared>>) target_semaphore(%run_scoped3A_149 : memref<!tpu.dma_semaphore, #tpu.memory_space<semaphore_mem>>)
      %dma_wait3A_154 = arith.constant 0 : i32
      %dma_wait3A_155 = tpu.memref_slice %arg9[%mul3A_4, %dma_wait3A_154] : memref<10240x32xf32, #tpu.memory_space<vmem_shared>> -> memref<640x32xf32, #tpu.memory_space<vmem_shared>>
      %dma_wait3A_156 = arith.constant 0 : i32
      %dma_wait3A_157 = tpu.memref_slice %arg4[%mul3A_2, %dma_wait3A_156] : memref<10240x32xf32, #tpu.memory_space<hbm>> -> memref<640x32xf32, #tpu.memory_space<hbm>>
      tpu.wait_dma2 semaphore(%run_scoped3A_149 : memref<!tpu.dma_semaphore, #tpu.memory_space<semaphore_mem>>) src(%dma_wait3A_157 : memref<640x32xf32, #tpu.memory_space<hbm>>) dst(%dma_wait3A_155 : memref<640x32xf32, #tpu.memory_space<vmem_shared>>)
      tpu.yield
    }) : () -> ()
    %run_scoped3A = arith.constant 0 : i32
    "tpu.region"() ({
      %run_scoped3A_149 = tpu.sem_alloc : memref<!tpu.dma_semaphore, #tpu.memory_space<semaphore_mem>>
      %dma_start3A_150 = arith.constant 0 : i32
      %dma_start3A_151 = arith.constant 0 : i32
      %dma_start3A_152 = tpu.memref_slice %arg2[%run_scoped3A, %add3A, %dma_start3A_150, %dma_start3A_151] : memref<2x32x80x128xi32, #tpu.memory_space<hbm>> -> memref<1x1x80x128xi32, #tpu.memory_space<hbm>>
      %dma_start3A_153 = tpu.memref_squeeze %dma_start3A_152 : memref<1x1x80x128xi32, #tpu.memory_space<hbm>> -> memref<80x128xi32, #tpu.memory_space<hbm>>
      %dma_start3A_154 = arith.constant 0 : i32
      %dma_start3A_155 = arith.constant 0 : i32
      %dma_start3A_156 = tpu.memref_slice %arg2[%run_scoped3A, %add3A, %dma_start3A_154, %dma_start3A_155] : memref<2x32x80x128xi32, #tpu.memory_space<hbm>> -> memref<1x1x80x128xi32, #tpu.memory_space<hbm>>
      %dma_start3A_157 = tpu.memref_squeeze %dma_start3A_156 : memref<1x1x80x128xi32, #tpu.memory_space<hbm>> -> memref<80x128xi32, #tpu.memory_space<hbm>>
      tpu.enqueue_dma source(%dma_start3A_157 : memref<80x128xi32, #tpu.memory_space<hbm>>) target(%arg6 : memref<80x128xi32, #tpu.memory_space<vmem>>) target_semaphore(%run_scoped3A_149 : memref<!tpu.dma_semaphore, #tpu.memory_space<semaphore_mem>>)
      %dma_wait3A_158 = arith.constant 0 : i32
      %dma_wait3A_159 = arith.constant 0 : i32
      %dma_wait3A_160 = tpu.memref_slice %arg2[%run_scoped3A, %add3A, %dma_wait3A_158, %dma_wait3A_159] : memref<2x32x80x128xi32, #tpu.memory_space<hbm>> -> memref<1x1x80x128xi32, #tpu.memory_space<hbm>>
      %dma_wait3A_161 = tpu.memref_squeeze %dma_wait3A_160 : memref<1x1x80x128xi32, #tpu.memory_space<hbm>> -> memref<80x128xi32, #tpu.memory_space<hbm>>
      %dma_wait3A_162 = arith.constant 0 : i32
      %dma_wait3A_163 = arith.constant 0 : i32
      %dma_wait3A_164 = tpu.memref_slice %arg2[%run_scoped3A, %add3A, %dma_wait3A_162, %dma_wait3A_163] : memref<2x32x80x128xi32, #tpu.memory_space<hbm>> -> memref<1x1x80x128xi32, #tpu.memory_space<hbm>>
      %dma_wait3A_165 = tpu.memref_squeeze %dma_wait3A_164 : memref<1x1x80x128xi32, #tpu.memory_space<hbm>> -> memref<80x128xi32, #tpu.memory_space<hbm>>
      tpu.wait_dma2 semaphore(%run_scoped3A_149 : memref<!tpu.dma_semaphore, #tpu.memory_space<semaphore_mem>>) src(%dma_wait3A_165 : memref<80x128xi32, #tpu.memory_space<hbm>>) dst(%arg6 : memref<80x128xi32, #tpu.memory_space<vmem>>)
      tpu.yield
    }) : () -> ()
    %run_scoped3A_5 = arith.constant 1 : i32
    "tpu.region"() ({
      %run_scoped3A_149 = tpu.sem_alloc : memref<!tpu.dma_semaphore, #tpu.memory_space<semaphore_mem>>
      %dma_start3A_150 = arith.constant 0 : i32
      %dma_start3A_151 = arith.constant 0 : i32
      %dma_start3A_152 = tpu.memref_slice %arg2[%run_scoped3A_5, %add3A, %dma_start3A_150, %dma_start3A_151] : memref<2x32x80x128xi32, #tpu.memory_space<hbm>> -> memref<1x1x80x128xi32, #tpu.memory_space<hbm>>
      %dma_start3A_153 = tpu.memref_squeeze %dma_start3A_152 : memref<1x1x80x128xi32, #tpu.memory_space<hbm>> -> memref<80x128xi32, #tpu.memory_space<hbm>>
      %dma_start3A_154 = arith.constant 0 : i32
      %dma_start3A_155 = arith.constant 0 : i32
      %dma_start3A_156 = tpu.memref_slice %arg2[%run_scoped3A_5, %add3A, %dma_start3A_154, %dma_start3A_155] : memref<2x32x80x128xi32, #tpu.memory_space<hbm>> -> memref<1x1x80x128xi32, #tpu.memory_space<hbm>>
      %dma_start3A_157 = tpu.memref_squeeze %dma_start3A_156 : memref<1x1x80x128xi32, #tpu.memory_space<hbm>> -> memref<80x128xi32, #tpu.memory_space<hbm>>
      tpu.enqueue_dma source(%dma_start3A_157 : memref<80x128xi32, #tpu.memory_space<hbm>>) target(%arg7 : memref<80x128xi32, #tpu.memory_space<vmem>>) target_semaphore(%run_scoped3A_149 : memref<!tpu.dma_semaphore, #tpu.memory_space<semaphore_mem>>)
      %dma_wait3A_158 = arith.constant 0 : i32
      %dma_wait3A_159 = arith.constant 0 : i32
      %dma_wait3A_160 = tpu.memref_slice %arg2[%run_scoped3A_5, %add3A, %dma_wait3A_158, %dma_wait3A_159] : memref<2x32x80x128xi32, #tpu.memory_space<hbm>> -> memref<1x1x80x128xi32, #tpu.memory_space<hbm>>
      %dma_wait3A_161 = tpu.memref_squeeze %dma_wait3A_160 : memref<1x1x80x128xi32, #tpu.memory_space<hbm>> -> memref<80x128xi32, #tpu.memory_space<hbm>>
      %dma_wait3A_162 = arith.constant 0 : i32
      %dma_wait3A_163 = arith.constant 0 : i32
      %dma_wait3A_164 = tpu.memref_slice %arg2[%run_scoped3A_5, %add3A, %dma_wait3A_162, %dma_wait3A_163] : memref<2x32x80x128xi32, #tpu.memory_space<hbm>> -> memref<1x1x80x128xi32, #tpu.memory_space<hbm>>
      %dma_wait3A_165 = tpu.memref_squeeze %dma_wait3A_164 : memref<1x1x80x128xi32, #tpu.memory_space<hbm>> -> memref<80x128xi32, #tpu.memory_space<hbm>>
      tpu.wait_dma2 semaphore(%run_scoped3A_149 : memref<!tpu.dma_semaphore, #tpu.memory_space<semaphore_mem>>) src(%dma_wait3A_165 : memref<80x128xi32, #tpu.memory_space<hbm>>) dst(%arg7 : memref<80x128xi32, #tpu.memory_space<vmem>>)
      tpu.yield
    }) : () -> ()
    %barrier3A = arith.constant 0 : index
    tpu.barrier barrier_id(%barrier3A)
    %dma_start3A = arith.constant 0 : i32
    %dma_start3A_6 = arith.constant 0 : i32
    %dma_start3A_7 = arith.constant 0 : i32
    %dma_start3A_8 = arith.constant 0 : i32
    %dma_start3A_9 = arith.constant 0 : i32
    %dma_start3A_10 = tpu.memref_slice %arg8[%dma_start3A_6, %dma_start3A_8, %dma_start3A_9] : memref<6x128x32xf32, #tpu.memory_space<vmem>> -> memref<1x128x32xf32, #tpu.memory_space<vmem>>
    %dma_start3A_11 = tpu.memref_squeeze %dma_start3A_10 : memref<1x128x32xf32, #tpu.memory_space<vmem>> -> memref<128x32xf32, #tpu.memory_space<vmem>>
    %dma_start3A_12 = arith.constant 0 : i32
    %dma_start3A_13 = tpu.memref_slice %arg6[%dma_start3A, %dma_start3A_12] : memref<80x128xi32, #tpu.memory_space<vmem>> -> memref<1x128xi32, #tpu.memory_space<vmem>>
    %dma_start3A_14 = tpu.memref_squeeze %dma_start3A_13 : memref<1x128xi32, #tpu.memory_space<vmem>> -> memref<128xi32, #tpu.memory_space<vmem>>
    %dma_start3A_15 = arith.constant 0 : i32
    %dma_start3A_16 = arith.constant 0 : i32
    %dma_start3A_17 = tpu.memref_slice %arg3[%dma_start3A_15, %dma_start3A_16] : memref<10240x32xf32, #tpu.memory_space<hbm>> -> memref<10240x32xf32, #tpu.memory_space<hbm>>
    %dma_start3A_18 = tpu.memref_slice %arg10[%dma_start3A_7] : memref<6x!tpu.dma_semaphore, #tpu.memory_space<semaphore_mem>> -> memref<1x!tpu.dma_semaphore, #tpu.memory_space<semaphore_mem>>
    %dma_start3A_19 = tpu.memref_squeeze %dma_start3A_18 : memref<1x!tpu.dma_semaphore, #tpu.memory_space<semaphore_mem>> -> memref<!tpu.dma_semaphore, #tpu.memory_space<semaphore_mem>>
    tpu.enqueue_indirect_dma source(%dma_start3A_17 : memref<10240x32xf32, #tpu.memory_space<hbm>>) target(%dma_start3A_11 : memref<128x32xf32, #tpu.memory_space<vmem>>) offsets(%dma_start3A_14 : memref<128xi32, #tpu.memory_space<vmem>>) semaphore(%dma_start3A_19 : memref<!tpu.dma_semaphore, #tpu.memory_space<semaphore_mem>>)
    %dma_start3A_20 = arith.constant 1 : i32
    %dma_start3A_21 = arith.constant 1 : i32
    %dma_start3A_22 = arith.constant 1 : i32
    %dma_start3A_23 = arith.constant 0 : i32
    %dma_start3A_24 = arith.constant 0 : i32
    %dma_start3A_25 = tpu.memref_slice %arg8[%dma_start3A_21, %dma_start3A_23, %dma_start3A_24] : memref<6x128x32xf32, #tpu.memory_space<vmem>> -> memref<1x128x32xf32, #tpu.memory_space<vmem>>
    %dma_start3A_26 = tpu.memref_squeeze %dma_start3A_25 : memref<1x128x32xf32, #tpu.memory_space<vmem>> -> memref<128x32xf32, #tpu.memory_space<vmem>>
    %dma_start3A_27 = arith.constant 0 : i32
    %dma_start3A_28 = tpu.memref_slice %arg6[%dma_start3A_20, %dma_start3A_27] : memref<80x128xi32, #tpu.memory_space<vmem>> -> memref<1x128xi32, #tpu.memory_space<vmem>>
    %dma_start3A_29 = tpu.memref_squeeze %dma_start3A_28 : memref<1x128xi32, #tpu.memory_space<vmem>> -> memref<128xi32, #tpu.memory_space<vmem>>
    %dma_start3A_30 = arith.constant 0 : i32
    %dma_start3A_31 = arith.constant 0 : i32
    %dma_start3A_32 = tpu.memref_slice %arg3[%dma_start3A_30, %dma_start3A_31] : memref<10240x32xf32, #tpu.memory_space<hbm>> -> memref<10240x32xf32, #tpu.memory_space<hbm>>
    %dma_start3A_33 = tpu.memref_slice %arg10[%dma_start3A_22] : memref<6x!tpu.dma_semaphore, #tpu.memory_space<semaphore_mem>> -> memref<1x!tpu.dma_semaphore, #tpu.memory_space<semaphore_mem>>
    %dma_start3A_34 = tpu.memref_squeeze %dma_start3A_33 : memref<1x!tpu.dma_semaphore, #tpu.memory_space<semaphore_mem>> -> memref<!tpu.dma_semaphore, #tpu.memory_space<semaphore_mem>>
    tpu.enqueue_indirect_dma source(%dma_start3A_32 : memref<10240x32xf32, #tpu.memory_space<hbm>>) target(%dma_start3A_26 : memref<128x32xf32, #tpu.memory_space<vmem>>) offsets(%dma_start3A_29 : memref<128xi32, #tpu.memory_space<vmem>>) semaphore(%dma_start3A_34 : memref<!tpu.dma_semaphore, #tpu.memory_space<semaphore_mem>>)
    %dma_start3A_35 = arith.constant 2 : i32
    %dma_start3A_36 = arith.constant 2 : i32
    %dma_start3A_37 = arith.constant 2 : i32
    %dma_start3A_38 = arith.constant 0 : i32
    %dma_start3A_39 = arith.constant 0 : i32
    %dma_start3A_40 = tpu.memref_slice %arg8[%dma_start3A_36, %dma_start3A_38, %dma_start3A_39] : memref<6x128x32xf32, #tpu.memory_space<vmem>> -> memref<1x128x32xf32, #tpu.memory_space<vmem>>
    %dma_start3A_41 = tpu.memref_squeeze %dma_start3A_40 : memref<1x128x32xf32, #tpu.memory_space<vmem>> -> memref<128x32xf32, #tpu.memory_space<vmem>>
    %dma_start3A_42 = arith.constant 0 : i32
    %dma_start3A_43 = tpu.memref_slice %arg6[%dma_start3A_35, %dma_start3A_42] : memref<80x128xi32, #tpu.memory_space<vmem>> -> memref<1x128xi32, #tpu.memory_space<vmem>>
    %dma_start3A_44 = tpu.memref_squeeze %dma_start3A_43 : memref<1x128xi32, #tpu.memory_space<vmem>> -> memref<128xi32, #tpu.memory_space<vmem>>
    %dma_start3A_45 = arith.constant 0 : i32
    %dma_start3A_46 = arith.constant 0 : i32
    %dma_start3A_47 = tpu.memref_slice %arg3[%dma_start3A_45, %dma_start3A_46] : memref<10240x32xf32, #tpu.memory_space<hbm>> -> memref<10240x32xf32, #tpu.memory_space<hbm>>
    %dma_start3A_48 = tpu.memref_slice %arg10[%dma_start3A_37] : memref<6x!tpu.dma_semaphore, #tpu.memory_space<semaphore_mem>> -> memref<1x!tpu.dma_semaphore, #tpu.memory_space<semaphore_mem>>
    %dma_start3A_49 = tpu.memref_squeeze %dma_start3A_48 : memref<1x!tpu.dma_semaphore, #tpu.memory_space<semaphore_mem>> -> memref<!tpu.dma_semaphore, #tpu.memory_space<semaphore_mem>>
    tpu.enqueue_indirect_dma source(%dma_start3A_47 : memref<10240x32xf32, #tpu.memory_space<hbm>>) target(%dma_start3A_41 : memref<128x32xf32, #tpu.memory_space<vmem>>) offsets(%dma_start3A_44 : memref<128xi32, #tpu.memory_space<vmem>>) semaphore(%dma_start3A_49 : memref<!tpu.dma_semaphore, #tpu.memory_space<semaphore_mem>>)
    %scan3A = arith.constant 0 : i32
    %scan3A_50 = arith.constant 0 : i32
    %scan3A_51 = arith.constant 80 : i32
    %scan3A_52 = arith.addi %scan3A_50, %scan3A_51 : i32
    %scan3A_53 = arith.constant 1 : i32
    scf.for %scan3A_149 = %scan3A_50 to %scan3A_52 step %scan3A_53  : i32 {
      %add3A_150 = arith.constant 3 : i32
      %add3A_151 = arith.addi %scan3A_149, %add3A_150 : i32
      %jit3A = arith.constant 6 : i32
      %eq3A = arith.constant 0 : i32
      %eq3A_152 = arith.cmpi eq, %jit3A, %eq3A : i32
      %jit3A_153 = arith.constant 1 : i32
      %select_n3A = arith.select %eq3A_152, %jit3A_153, %jit3A : i32
      %rem3A = arith.remsi %add3A_151, %select_n3A : i32
      %ne3A = arith.constant 0 : i32
      %ne3A_154 = arith.cmpi ne, %rem3A, %ne3A : i32
      %lt3A = arith.constant 0 : i32
      %lt3A_155 = arith.cmpi slt, %rem3A, %lt3A : i32
      %lt3A_156 = arith.constant 0 : i32
      %lt3A_157 = arith.cmpi slt, %select_n3A, %lt3A_156 : i32
      %ne3A_158 = arith.xori %lt3A_155, %lt3A_157 : i1
      %and3A = arith.andi %ne3A_158, %ne3A_154 : i1
      %add3A_159 = arith.addi %rem3A, %select_n3A : i32
      %select_n3A_160 = arith.select %and3A, %add3A_159, %rem3A : i32
      %add3A_161 = arith.constant 3 : i32
      %add3A_162 = arith.addi %scan3A_149, %add3A_161 : i32
      %lt3A_163 = arith.constant 80 : i32
      %lt3A_164 = arith.cmpi slt, %add3A_162, %lt3A_163 : i32
      %convert_element_type3A = arith.extui %lt3A_164 : i1 to i32
      %cond3A = arith.constant 0 : i32
      %cond3A_165 = arith.cmpi ne, %convert_element_type3A, %cond3A : i32
      scf.if %cond3A_165 {
        %add3A_206 = arith.constant 3 : i32
        %add3A_207 = arith.addi %scan3A_149, %add3A_206 : i32
        %ge3A = arith.constant 6 : i32
        %ge3A_208 = arith.cmpi sge, %add3A_207, %ge3A : i32
        %convert_element_type3A_209 = arith.extui %ge3A_208 : i1 to i32
        %cond3A_210 = arith.constant 0 : i32
        %cond3A_211 = arith.cmpi ne, %convert_element_type3A_209, %cond3A_210 : i32
        scf.if %cond3A_211 {
          %dma_wait3A_226 = arith.constant 0 : i32
          %dma_wait3A_227 = arith.constant 0 : i32
          %dma_wait3A_228 = arith.constant 0 : i32
          %dma_wait3A_229 = tpu.memref_slice %arg8[%select_n3A_160, %dma_wait3A_227, %dma_wait3A_228] : memref<6x128x32xf32, #tpu.memory_space<vmem>> -> memref<1x128x32xf32, #tpu.memory_space<vmem>>
          %dma_wait3A_230 = tpu.memref_squeeze %dma_wait3A_229 : memref<1x128x32xf32, #tpu.memory_space<vmem>> -> memref<128x32xf32, #tpu.memory_space<vmem>>
          %dma_wait3A_231 = arith.constant 0 : i32
          %dma_wait3A_232 = tpu.memref_slice %arg7[%dma_wait3A_226, %dma_wait3A_231] : memref<80x128xi32, #tpu.memory_space<vmem>> -> memref<1x128xi32, #tpu.memory_space<vmem>>
          %dma_wait3A_233 = tpu.memref_squeeze %dma_wait3A_232 : memref<1x128xi32, #tpu.memory_space<vmem>> -> memref<128xi32, #tpu.memory_space<vmem>>
          %dma_wait3A_234 = arith.constant 0 : i32
          %dma_wait3A_235 = arith.constant 0 : i32
          %dma_wait3A_236 = tpu.memref_slice %arg9[%dma_wait3A_234, %dma_wait3A_235] : memref<10240x32xf32, #tpu.memory_space<vmem_shared>> -> memref<10240x32xf32, #tpu.memory_space<vmem_shared>>
          %dma_wait3A_237 = tpu.memref_slice %arg11[%select_n3A_160] : memref<6x!tpu.dma_semaphore, #tpu.memory_space<semaphore_mem>> -> memref<1x!tpu.dma_semaphore, #tpu.memory_space<semaphore_mem>>
          %dma_wait3A_238 = tpu.memref_squeeze %dma_wait3A_237 : memref<1x!tpu.dma_semaphore, #tpu.memory_space<semaphore_mem>> -> memref<!tpu.dma_semaphore, #tpu.memory_space<semaphore_mem>>
          tpu.wait_indirect_dma semaphore(%dma_wait3A_238 : memref<!tpu.dma_semaphore, #tpu.memory_space<semaphore_mem>>) src(%dma_wait3A_230 : memref<128x32xf32, #tpu.memory_space<vmem>>) dst(%dma_wait3A_236 : memref<10240x32xf32, #tpu.memory_space<vmem_shared>>)
        } else {
        }
        %add3A_212 = arith.constant 3 : i32
        %add3A_213 = arith.addi %scan3A_149, %add3A_212 : i32
        %dma_start3A_214 = arith.constant 0 : i32
        %dma_start3A_215 = arith.constant 0 : i32
        %dma_start3A_216 = tpu.memref_slice %arg8[%select_n3A_160, %dma_start3A_214, %dma_start3A_215] : memref<6x128x32xf32, #tpu.memory_space<vmem>> -> memref<1x128x32xf32, #tpu.memory_space<vmem>>
        %dma_start3A_217 = tpu.memref_squeeze %dma_start3A_216 : memref<1x128x32xf32, #tpu.memory_space<vmem>> -> memref<128x32xf32, #tpu.memory_space<vmem>>
        %dma_start3A_218 = arith.constant 0 : i32
        %dma_start3A_219 = tpu.memref_slice %arg6[%add3A_213, %dma_start3A_218] : memref<80x128xi32, #tpu.memory_space<vmem>> -> memref<1x128xi32, #tpu.memory_space<vmem>>
        %dma_start3A_220 = tpu.memref_squeeze %dma_start3A_219 : memref<1x128xi32, #tpu.memory_space<vmem>> -> memref<128xi32, #tpu.memory_space<vmem>>
        %dma_start3A_221 = arith.constant 0 : i32
        %dma_start3A_222 = arith.constant 0 : i32
        %dma_start3A_223 = tpu.memref_slice %arg3[%dma_start3A_221, %dma_start3A_222] : memref<10240x32xf32, #tpu.memory_space<hbm>> -> memref<10240x32xf32, #tpu.memory_space<hbm>>
        %dma_start3A_224 = tpu.memref_slice %arg10[%select_n3A_160] : memref<6x!tpu.dma_semaphore, #tpu.memory_space<semaphore_mem>> -> memref<1x!tpu.dma_semaphore, #tpu.memory_space<semaphore_mem>>
        %dma_start3A_225 = tpu.memref_squeeze %dma_start3A_224 : memref<1x!tpu.dma_semaphore, #tpu.memory_space<semaphore_mem>> -> memref<!tpu.dma_semaphore, #tpu.memory_space<semaphore_mem>>
        tpu.enqueue_indirect_dma source(%dma_start3A_223 : memref<10240x32xf32, #tpu.memory_space<hbm>>) target(%dma_start3A_217 : memref<128x32xf32, #tpu.memory_space<vmem>>) offsets(%dma_start3A_220 : memref<128xi32, #tpu.memory_space<vmem>>) semaphore(%dma_start3A_225 : memref<!tpu.dma_semaphore, #tpu.memory_space<semaphore_mem>>)
      } else {
      }
      %jit3A_166 = arith.constant 6 : i32
      %eq3A_167 = arith.constant 0 : i32
      %eq3A_168 = arith.cmpi eq, %jit3A_166, %eq3A_167 : i32
      %jit3A_169 = arith.constant 1 : i32
      %select_n3A_170 = arith.select %eq3A_168, %jit3A_169, %jit3A_166 : i32
      %rem3A_171 = arith.remsi %scan3A_149, %select_n3A_170 : i32
      %ne3A_172 = arith.constant 0 : i32
      %ne3A_173 = arith.cmpi ne, %rem3A_171, %ne3A_172 : i32
      %lt3A_174 = arith.constant 0 : i32
      %lt3A_175 = arith.cmpi slt, %rem3A_171, %lt3A_174 : i32
      %lt3A_176 = arith.constant 0 : i32
      %lt3A_177 = arith.cmpi slt, %select_n3A_170, %lt3A_176 : i32
      %ne3A_178 = arith.xori %lt3A_175, %lt3A_177 : i1
      %and3A_179 = arith.andi %ne3A_178, %ne3A_173 : i1
      %add3A_180 = arith.addi %rem3A_171, %select_n3A_170 : i32
      %select_n3A_181 = arith.select %and3A_179, %add3A_180, %rem3A_171 : i32
      %dma_wait3A_182 = arith.constant 0 : i32
      %dma_wait3A_183 = arith.constant 0 : i32
      %dma_wait3A_184 = tpu.memref_slice %arg8[%select_n3A_181, %dma_wait3A_182, %dma_wait3A_183] : memref<6x128x32xf32, #tpu.memory_space<vmem>> -> memref<1x128x32xf32, #tpu.memory_space<vmem>>
      %dma_wait3A_185 = tpu.memref_squeeze %dma_wait3A_184 : memref<1x128x32xf32, #tpu.memory_space<vmem>> -> memref<128x32xf32, #tpu.memory_space<vmem>>
      %dma_wait3A_186 = arith.constant 0 : i32
      %dma_wait3A_187 = tpu.memref_slice %arg6[%scan3A_149, %dma_wait3A_186] : memref<80x128xi32, #tpu.memory_space<vmem>> -> memref<1x128xi32, #tpu.memory_space<vmem>>
      %dma_wait3A_188 = tpu.memref_squeeze %dma_wait3A_187 : memref<1x128xi32, #tpu.memory_space<vmem>> -> memref<128xi32, #tpu.memory_space<vmem>>
      %dma_wait3A_189 = arith.constant 0 : i32
      %dma_wait3A_190 = arith.constant 0 : i32
      %dma_wait3A_191 = tpu.memref_slice %arg3[%dma_wait3A_189, %dma_wait3A_190] : memref<10240x32xf32, #tpu.memory_space<hbm>> -> memref<10240x32xf32, #tpu.memory_space<hbm>>
      %dma_wait3A_192 = tpu.memref_slice %arg10[%select_n3A_181] : memref<6x!tpu.dma_semaphore, #tpu.memory_space<semaphore_mem>> -> memref<1x!tpu.dma_semaphore, #tpu.memory_space<semaphore_mem>>
      %dma_wait3A_193 = tpu.memref_squeeze %dma_wait3A_192 : memref<1x!tpu.dma_semaphore, #tpu.memory_space<semaphore_mem>> -> memref<!tpu.dma_semaphore, #tpu.memory_space<semaphore_mem>>
      tpu.wait_indirect_dma semaphore(%dma_wait3A_193 : memref<!tpu.dma_semaphore, #tpu.memory_space<semaphore_mem>>) src(%dma_wait3A_191 : memref<10240x32xf32, #tpu.memory_space<hbm>>) dst(%dma_wait3A_185 : memref<128x32xf32, #tpu.memory_space<vmem>>)
      %dma_start3A_194 = arith.constant 0 : i32
      %dma_start3A_195 = arith.constant 0 : i32
      %dma_start3A_196 = tpu.memref_slice %arg8[%select_n3A_181, %dma_start3A_194, %dma_start3A_195] : memref<6x128x32xf32, #tpu.memory_space<vmem>> -> memref<1x128x32xf32, #tpu.memory_space<vmem>>
      %dma_start3A_197 = tpu.memref_squeeze %dma_start3A_196 : memref<1x128x32xf32, #tpu.memory_space<vmem>> -> memref<128x32xf32, #tpu.memory_space<vmem>>
      %dma_start3A_198 = arith.constant 0 : i32
      %dma_start3A_199 = tpu.memref_slice %arg7[%scan3A_149, %dma_start3A_198] : memref<80x128xi32, #tpu.memory_space<vmem>> -> memref<1x128xi32, #tpu.memory_space<vmem>>
      %dma_start3A_200 = tpu.memref_squeeze %dma_start3A_199 : memref<1x128xi32, #tpu.memory_space<vmem>> -> memref<128xi32, #tpu.memory_space<vmem>>
      %dma_start3A_201 = arith.constant 0 : i32
      %dma_start3A_202 = arith.constant 0 : i32
      %dma_start3A_203 = tpu.memref_slice %arg9[%dma_start3A_201, %dma_start3A_202] : memref<10240x32xf32, #tpu.memory_space<vmem_shared>> -> memref<10240x32xf32, #tpu.memory_space<vmem_shared>>
      %dma_start3A_204 = tpu.memref_slice %arg11[%select_n3A_181] : memref<6x!tpu.dma_semaphore, #tpu.memory_space<semaphore_mem>> -> memref<1x!tpu.dma_semaphore, #tpu.memory_space<semaphore_mem>>
      %dma_start3A_205 = tpu.memref_squeeze %dma_start3A_204 : memref<1x!tpu.dma_semaphore, #tpu.memory_space<semaphore_mem>> -> memref<!tpu.dma_semaphore, #tpu.memory_space<semaphore_mem>>
      tpu.enqueue_indirect_dma source(%dma_start3A_197 : memref<128x32xf32, #tpu.memory_space<vmem>>) target(%dma_start3A_203 : memref<10240x32xf32, #tpu.memory_space<vmem_shared>>) offsets(%dma_start3A_200 : memref<128xi32, #tpu.memory_space<vmem>>) semaphore(%dma_start3A_205 : memref<!tpu.dma_semaphore, #tpu.memory_space<semaphore_mem>>) {add = true}
    }
    %scan3A_54 = arith.constant 80 : i32
    %dma_wait3A = arith.constant 0 : i32
    %dma_wait3A_55 = arith.constant 0 : i32
    %dma_wait3A_56 = arith.constant 0 : i32
    %dma_wait3A_57 = arith.constant 0 : i32
    %dma_wait3A_58 = arith.constant 0 : i32
    %dma_wait3A_59 = tpu.memref_slice %arg8[%dma_wait3A, %dma_wait3A_57, %dma_wait3A_58] : memref<6x128x32xf32, #tpu.memory_space<vmem>> -> memref<1x128x32xf32, #tpu.memory_space<vmem>>
    %dma_wait3A_60 = tpu.memref_squeeze %dma_wait3A_59 : memref<1x128x32xf32, #tpu.memory_space<vmem>> -> memref<128x32xf32, #tpu.memory_space<vmem>>
    %dma_wait3A_61 = arith.constant 0 : i32
    %dma_wait3A_62 = tpu.memref_slice %arg7[%dma_wait3A_55, %dma_wait3A_61] : memref<80x128xi32, #tpu.memory_space<vmem>> -> memref<1x128xi32, #tpu.memory_space<vmem>>
    %dma_wait3A_63 = tpu.memref_squeeze %dma_wait3A_62 : memref<1x128xi32, #tpu.memory_space<vmem>> -> memref<128xi32, #tpu.memory_space<vmem>>
    %dma_wait3A_64 = arith.constant 0 : i32
    %dma_wait3A_65 = arith.constant 0 : i32
    %dma_wait3A_66 = tpu.memref_slice %arg9[%dma_wait3A_64, %dma_wait3A_65] : memref<10240x32xf32, #tpu.memory_space<vmem_shared>> -> memref<10240x32xf32, #tpu.memory_space<vmem_shared>>
    %dma_wait3A_67 = tpu.memref_slice %arg11[%dma_wait3A_56] : memref<6x!tpu.dma_semaphore, #tpu.memory_space<semaphore_mem>> -> memref<1x!tpu.dma_semaphore, #tpu.memory_space<semaphore_mem>>
    %dma_wait3A_68 = tpu.memref_squeeze %dma_wait3A_67 : memref<1x!tpu.dma_semaphore, #tpu.memory_space<semaphore_mem>> -> memref<!tpu.dma_semaphore, #tpu.memory_space<semaphore_mem>>
    tpu.wait_indirect_dma semaphore(%dma_wait3A_68 : memref<!tpu.dma_semaphore, #tpu.memory_space<semaphore_mem>>) src(%dma_wait3A_60 : memref<128x32xf32, #tpu.memory_space<vmem>>) dst(%dma_wait3A_66 : memref<10240x32xf32, #tpu.memory_space<vmem_shared>>)
    %dma_wait3A_69 = arith.constant 1 : i32
    %dma_wait3A_70 = arith.constant 0 : i32
    %dma_wait3A_71 = arith.constant 1 : i32
    %dma_wait3A_72 = arith.constant 0 : i32
    %dma_wait3A_73 = arith.constant 0 : i32
    %dma_wait3A_74 = tpu.memref_slice %arg8[%dma_wait3A_69, %dma_wait3A_72, %dma_wait3A_73] : memref<6x128x32xf32, #tpu.memory_space<vmem>> -> memref<1x128x32xf32, #tpu.memory_space<vmem>>
    %dma_wait3A_75 = tpu.memref_squeeze %dma_wait3A_74 : memref<1x128x32xf32, #tpu.memory_space<vmem>> -> memref<128x32xf32, #tpu.memory_space<vmem>>
    %dma_wait3A_76 = arith.constant 0 : i32
    %dma_wait3A_77 = tpu.memref_slice %arg7[%dma_wait3A_70, %dma_wait3A_76] : memref<80x128xi32, #tpu.memory_space<vmem>> -> memref<1x128xi32, #tpu.memory_space<vmem>>
    %dma_wait3A_78 = tpu.memref_squeeze %dma_wait3A_77 : memref<1x128xi32, #tpu.memory_space<vmem>> -> memref<128xi32, #tpu.memory_space<vmem>>
    %dma_wait3A_79 = arith.constant 0 : i32
    %dma_wait3A_80 = arith.constant 0 : i32
    %dma_wait3A_81 = tpu.memref_slice %arg9[%dma_wait3A_79, %dma_wait3A_80] : memref<10240x32xf32, #tpu.memory_space<vmem_shared>> -> memref<10240x32xf32, #tpu.memory_space<vmem_shared>>
    %dma_wait3A_82 = tpu.memref_slice %arg11[%dma_wait3A_71] : memref<6x!tpu.dma_semaphore, #tpu.memory_space<semaphore_mem>> -> memref<1x!tpu.dma_semaphore, #tpu.memory_space<semaphore_mem>>
    %dma_wait3A_83 = tpu.memref_squeeze %dma_wait3A_82 : memref<1x!tpu.dma_semaphore, #tpu.memory_space<semaphore_mem>> -> memref<!tpu.dma_semaphore, #tpu.memory_space<semaphore_mem>>
    tpu.wait_indirect_dma semaphore(%dma_wait3A_83 : memref<!tpu.dma_semaphore, #tpu.memory_space<semaphore_mem>>) src(%dma_wait3A_75 : memref<128x32xf32, #tpu.memory_space<vmem>>) dst(%dma_wait3A_81 : memref<10240x32xf32, #tpu.memory_space<vmem_shared>>)
    %dma_wait3A_84 = arith.constant 2 : i32
    %dma_wait3A_85 = arith.constant 0 : i32
    %dma_wait3A_86 = arith.constant 2 : i32
    %dma_wait3A_87 = arith.constant 0 : i32
    %dma_wait3A_88 = arith.constant 0 : i32
    %dma_wait3A_89 = tpu.memref_slice %arg8[%dma_wait3A_84, %dma_wait3A_87, %dma_wait3A_88] : memref<6x128x32xf32, #tpu.memory_space<vmem>> -> memref<1x128x32xf32, #tpu.memory_space<vmem>>
    %dma_wait3A_90 = tpu.memref_squeeze %dma_wait3A_89 : memref<1x128x32xf32, #tpu.memory_space<vmem>> -> memref<128x32xf32, #tpu.memory_space<vmem>>
    %dma_wait3A_91 = arith.constant 0 : i32
    %dma_wait3A_92 = tpu.memref_slice %arg7[%dma_wait3A_85, %dma_wait3A_91] : memref<80x128xi32, #tpu.memory_space<vmem>> -> memref<1x128xi32, #tpu.memory_space<vmem>>
    %dma_wait3A_93 = tpu.memref_squeeze %dma_wait3A_92 : memref<1x128xi32, #tpu.memory_space<vmem>> -> memref<128xi32, #tpu.memory_space<vmem>>
    %dma_wait3A_94 = arith.constant 0 : i32
    %dma_wait3A_95 = arith.constant 0 : i32
    %dma_wait3A_96 = tpu.memref_slice %arg9[%dma_wait3A_94, %dma_wait3A_95] : memref<10240x32xf32, #tpu.memory_space<vmem_shared>> -> memref<10240x32xf32, #tpu.memory_space<vmem_shared>>
    %dma_wait3A_97 = tpu.memref_slice %arg11[%dma_wait3A_86] : memref<6x!tpu.dma_semaphore, #tpu.memory_space<semaphore_mem>> -> memref<1x!tpu.dma_semaphore, #tpu.memory_space<semaphore_mem>>
    %dma_wait3A_98 = tpu.memref_squeeze %dma_wait3A_97 : memref<1x!tpu.dma_semaphore, #tpu.memory_space<semaphore_mem>> -> memref<!tpu.dma_semaphore, #tpu.memory_space<semaphore_mem>>
    tpu.wait_indirect_dma semaphore(%dma_wait3A_98 : memref<!tpu.dma_semaphore, #tpu.memory_space<semaphore_mem>>) src(%dma_wait3A_90 : memref<128x32xf32, #tpu.memory_space<vmem>>) dst(%dma_wait3A_96 : memref<10240x32xf32, #tpu.memory_space<vmem_shared>>)
    %dma_wait3A_99 = arith.constant 3 : i32
    %dma_wait3A_100 = arith.constant 0 : i32
    %dma_wait3A_101 = arith.constant 3 : i32
    %dma_wait3A_102 = arith.constant 0 : i32
    %dma_wait3A_103 = arith.constant 0 : i32
    %dma_wait3A_104 = tpu.memref_slice %arg8[%dma_wait3A_99, %dma_wait3A_102, %dma_wait3A_103] : memref<6x128x32xf32, #tpu.memory_space<vmem>> -> memref<1x128x32xf32, #tpu.memory_space<vmem>>
    %dma_wait3A_105 = tpu.memref_squeeze %dma_wait3A_104 : memref<1x128x32xf32, #tpu.memory_space<vmem>> -> memref<128x32xf32, #tpu.memory_space<vmem>>
    %dma_wait3A_106 = arith.constant 0 : i32
    %dma_wait3A_107 = tpu.memref_slice %arg7[%dma_wait3A_100, %dma_wait3A_106] : memref<80x128xi32, #tpu.memory_space<vmem>> -> memref<1x128xi32, #tpu.memory_space<vmem>>
    %dma_wait3A_108 = tpu.memref_squeeze %dma_wait3A_107 : memref<1x128xi32, #tpu.memory_space<vmem>> -> memref<128xi32, #tpu.memory_space<vmem>>
    %dma_wait3A_109 = arith.constant 0 : i32
    %dma_wait3A_110 = arith.constant 0 : i32
    %dma_wait3A_111 = tpu.memref_slice %arg9[%dma_wait3A_109, %dma_wait3A_110] : memref<10240x32xf32, #tpu.memory_space<vmem_shared>> -> memref<10240x32xf32, #tpu.memory_space<vmem_shared>>
    %dma_wait3A_112 = tpu.memref_slice %arg11[%dma_wait3A_101] : memref<6x!tpu.dma_semaphore, #tpu.memory_space<semaphore_mem>> -> memref<1x!tpu.dma_semaphore, #tpu.memory_space<semaphore_mem>>
    %dma_wait3A_113 = tpu.memref_squeeze %dma_wait3A_112 : memref<1x!tpu.dma_semaphore, #tpu.memory_space<semaphore_mem>> -> memref<!tpu.dma_semaphore, #tpu.memory_space<semaphore_mem>>
    tpu.wait_indirect_dma semaphore(%dma_wait3A_113 : memref<!tpu.dma_semaphore, #tpu.memory_space<semaphore_mem>>) src(%dma_wait3A_105 : memref<128x32xf32, #tpu.memory_space<vmem>>) dst(%dma_wait3A_111 : memref<10240x32xf32, #tpu.memory_space<vmem_shared>>)
    %dma_wait3A_114 = arith.constant 4 : i32
    %dma_wait3A_115 = arith.constant 0 : i32
    %dma_wait3A_116 = arith.constant 4 : i32
    %dma_wait3A_117 = arith.constant 0 : i32
    %dma_wait3A_118 = arith.constant 0 : i32
    %dma_wait3A_119 = tpu.memref_slice %arg8[%dma_wait3A_114, %dma_wait3A_117, %dma_wait3A_118] : memref<6x128x32xf32, #tpu.memory_space<vmem>> -> memref<1x128x32xf32, #tpu.memory_space<vmem>>
    %dma_wait3A_120 = tpu.memref_squeeze %dma_wait3A_119 : memref<1x128x32xf32, #tpu.memory_space<vmem>> -> memref<128x32xf32, #tpu.memory_space<vmem>>
    %dma_wait3A_121 = arith.constant 0 : i32
    %dma_wait3A_122 = tpu.memref_slice %arg7[%dma_wait3A_115, %dma_wait3A_121] : memref<80x128xi32, #tpu.memory_space<vmem>> -> memref<1x128xi32, #tpu.memory_space<vmem>>
    %dma_wait3A_123 = tpu.memref_squeeze %dma_wait3A_122 : memref<1x128xi32, #tpu.memory_space<vmem>> -> memref<128xi32, #tpu.memory_space<vmem>>
    %dma_wait3A_124 = arith.constant 0 : i32
    %dma_wait3A_125 = arith.constant 0 : i32
    %dma_wait3A_126 = tpu.memref_slice %arg9[%dma_wait3A_124, %dma_wait3A_125] : memref<10240x32xf32, #tpu.memory_space<vmem_shared>> -> memref<10240x32xf32, #tpu.memory_space<vmem_shared>>
    %dma_wait3A_127 = tpu.memref_slice %arg11[%dma_wait3A_116] : memref<6x!tpu.dma_semaphore, #tpu.memory_space<semaphore_mem>> -> memref<1x!tpu.dma_semaphore, #tpu.memory_space<semaphore_mem>>
    %dma_wait3A_128 = tpu.memref_squeeze %dma_wait3A_127 : memref<1x!tpu.dma_semaphore, #tpu.memory_space<semaphore_mem>> -> memref<!tpu.dma_semaphore, #tpu.memory_space<semaphore_mem>>
    tpu.wait_indirect_dma semaphore(%dma_wait3A_128 : memref<!tpu.dma_semaphore, #tpu.memory_space<semaphore_mem>>) src(%dma_wait3A_120 : memref<128x32xf32, #tpu.memory_space<vmem>>) dst(%dma_wait3A_126 : memref<10240x32xf32, #tpu.memory_space<vmem_shared>>)
    %dma_wait3A_129 = arith.constant 5 : i32
    %dma_wait3A_130 = arith.constant 0 : i32
    %dma_wait3A_131 = arith.constant 5 : i32
    %dma_wait3A_132 = arith.constant 0 : i32
    %dma_wait3A_133 = arith.constant 0 : i32
    %dma_wait3A_134 = tpu.memref_slice %arg8[%dma_wait3A_129, %dma_wait3A_132, %dma_wait3A_133] : memref<6x128x32xf32, #tpu.memory_space<vmem>> -> memref<1x128x32xf32, #tpu.memory_space<vmem>>
    %dma_wait3A_135 = tpu.memref_squeeze %dma_wait3A_134 : memref<1x128x32xf32, #tpu.memory_space<vmem>> -> memref<128x32xf32, #tpu.memory_space<vmem>>
    %dma_wait3A_136 = arith.constant 0 : i32
    %dma_wait3A_137 = tpu.memref_slice %arg7[%dma_wait3A_130, %dma_wait3A_136] : memref<80x128xi32, #tpu.memory_space<vmem>> -> memref<1x128xi32, #tpu.memory_space<vmem>>
    %dma_wait3A_138 = tpu.memref_squeeze %dma_wait3A_137 : memref<1x128xi32, #tpu.memory_space<vmem>> -> memref<128xi32, #tpu.memory_space<vmem>>
    %dma_wait3A_139 = arith.constant 0 : i32
    %dma_wait3A_140 = arith.constant 0 : i32
    %dma_wait3A_141 = tpu.memref_slice %arg9[%dma_wait3A_139, %dma_wait3A_140] : memref<10240x32xf32, #tpu.memory_space<vmem_shared>> -> memref<10240x32xf32, #tpu.memory_space<vmem_shared>>
    %dma_wait3A_142 = tpu.memref_slice %arg11[%dma_wait3A_131] : memref<6x!tpu.dma_semaphore, #tpu.memory_space<semaphore_mem>> -> memref<1x!tpu.dma_semaphore, #tpu.memory_space<semaphore_mem>>
    %dma_wait3A_143 = tpu.memref_squeeze %dma_wait3A_142 : memref<1x!tpu.dma_semaphore, #tpu.memory_space<semaphore_mem>> -> memref<!tpu.dma_semaphore, #tpu.memory_space<semaphore_mem>>
    tpu.wait_indirect_dma semaphore(%dma_wait3A_143 : memref<!tpu.dma_semaphore, #tpu.memory_space<semaphore_mem>>) src(%dma_wait3A_135 : memref<128x32xf32, #tpu.memory_space<vmem>>) dst(%dma_wait3A_141 : memref<10240x32xf32, #tpu.memory_space<vmem_shared>>)
    %barrier3A_144 = arith.constant 0 : index
    tpu.barrier barrier_id(%barrier3A_144)
    %mul3A_145 = arith.constant 640 : i32
    %mul3A_146 = arith.muli %arg1, %mul3A_145 : i32
    %mul3A_147 = arith.constant 640 : i32
    %mul3A_148 = arith.muli %arg1, %mul3A_147 : i32
    "tpu.region"() ({
      %run_scoped3A_149 = tpu.sem_alloc : memref<!tpu.dma_semaphore, #tpu.memory_space<semaphore_mem>>
      %dma_start3A_150 = arith.constant 0 : i32
      %dma_start3A_151 = tpu.memref_slice %arg5[%arg0, %mul3A_148, %dma_start3A_150] : memref<2x10240x32xf32, #tpu.memory_space<hbm>> -> memref<1x640x32xf32, #tpu.memory_space<hbm>>
      %dma_start3A_152 = tpu.memref_squeeze %dma_start3A_151 : memref<1x640x32xf32, #tpu.memory_space<hbm>> -> memref<640x32xf32, #tpu.memory_space<hbm>>
      %dma_start3A_153 = arith.constant 0 : i32
      %dma_start3A_154 = tpu.memref_slice %arg9[%mul3A_146, %dma_start3A_153] : memref<10240x32xf32, #tpu.memory_space<vmem_shared>> -> memref<640x32xf32, #tpu.memory_space<vmem_shared>>
      tpu.enqueue_dma source(%dma_start3A_154 : memref<640x32xf32, #tpu.memory_space<vmem_shared>>) target(%dma_start3A_152 : memref<640x32xf32, #tpu.memory_space<hbm>>) target_semaphore(%run_scoped3A_149 : memref<!tpu.dma_semaphore, #tpu.memory_space<semaphore_mem>>)
      %dma_wait3A_155 = arith.constant 0 : i32
      %dma_wait3A_156 = tpu.memref_slice %arg5[%arg0, %mul3A_148, %dma_wait3A_155] : memref<2x10240x32xf32, #tpu.memory_space<hbm>> -> memref<1x640x32xf32, #tpu.memory_space<hbm>>
      %dma_wait3A_157 = tpu.memref_squeeze %dma_wait3A_156 : memref<1x640x32xf32, #tpu.memory_space<hbm>> -> memref<640x32xf32, #tpu.memory_space<hbm>>
      %dma_wait3A_158 = arith.constant 0 : i32
      %dma_wait3A_159 = tpu.memref_slice %arg9[%mul3A_146, %dma_wait3A_158] : memref<10240x32xf32, #tpu.memory_space<vmem_shared>> -> memref<640x32xf32, #tpu.memory_space<vmem_shared>>
      tpu.wait_dma2 semaphore(%run_scoped3A_149 : memref<!tpu.dma_semaphore, #tpu.memory_space<semaphore_mem>>) src(%dma_wait3A_159 : memref<640x32xf32, #tpu.memory_space<vmem_shared>>) dst(%dma_wait3A_157 : memref<640x32xf32, #tpu.memory_space<hbm>>)
      tpu.yield
    }) : () -> ()
    return
  }
}

#map = affine_map<(d0, d1) -> (0, 0, 0, 0)>
#map1 = affine_map<(d0, d1) -> (0, 0)>
#map2 = affine_map<(d0, d1) -> (0, 0, 0)>
module attributes {stable_mosaic.version = 14 : i64} {
  func.func @_sc_degree(%arg0: i32, %arg1: i32, %arg2: memref<2x32x80x128xi32, #tpu.memory_space<hbm>>, %arg3: memref<128x8xf32, #tpu.memory_space<hbm>>, %arg4: memref<10240x8xf32, #tpu.memory_space<hbm>>, %arg5: memref<2x2560x128xf32, #tpu.memory_space<hbm>>, %arg6: memref<80x128xi32, #tpu.memory_space<vmem>>, %arg7: memref<128x8xf32, #tpu.memory_space<vmem>>, %arg8: memref<640x8xf32, #tpu.memory_space<vmem>>, %arg9: memref<160x128xf32, #tpu.memory_space<vmem>>, %arg10: memref<10240x8xf32, #tpu.memory_space<vmem_shared>>, %arg11: memref<6x!tpu.dma_semaphore, #tpu.memory_space<semaphore_mem>>) attributes {dimension_semantics = [#tpu.dimension_semantics<core_parallel>, #tpu.dimension_semantics<subcore_parallel>], iteration_bounds = array<i64: 2, 16>, scalar_prefetch = 0 : i64, scratch_operands = 6 : i64, tpu.core_type = #tpu.core_type<sc_vector_subcore>, window_params = [{transform_indices = #map}, {transform_indices = #map1}, {transform_indices = #map1}, {transform_indices = #map2}]} {
    %mul3A = arith.constant 2 : i32
    %mul3A_0 = arith.muli %arg1, %mul3A : i32
    %add3A = arith.addi %mul3A_0, %arg0 : i32
    %mul3A_1 = arith.constant 640 : i32
    %mul3A_2 = arith.muli %arg1, %mul3A_1 : i32
    %mul3A_3 = arith.constant 640 : i32
    %mul3A_4 = arith.muli %arg1, %mul3A_3 : i32
    "tpu.region"() ({
      %run_scoped3A_80 = tpu.sem_alloc : memref<!tpu.dma_semaphore, #tpu.memory_space<semaphore_mem>>
      %dma_start3A = arith.constant 0 : i32
      %dma_start3A_81 = tpu.memref_slice %arg10[%mul3A_4, %dma_start3A] : memref<10240x8xf32, #tpu.memory_space<vmem_shared>> -> memref<640x8xf32, #tpu.memory_space<vmem_shared>>
      %dma_start3A_82 = arith.constant 0 : i32
      %dma_start3A_83 = tpu.memref_slice %arg4[%mul3A_2, %dma_start3A_82] : memref<10240x8xf32, #tpu.memory_space<hbm>> -> memref<640x8xf32, #tpu.memory_space<hbm>>
      tpu.enqueue_dma source(%dma_start3A_83 : memref<640x8xf32, #tpu.memory_space<hbm>>) target(%dma_start3A_81 : memref<640x8xf32, #tpu.memory_space<vmem_shared>>) target_semaphore(%run_scoped3A_80 : memref<!tpu.dma_semaphore, #tpu.memory_space<semaphore_mem>>)
      %dma_wait3A_84 = arith.constant 0 : i32
      %dma_wait3A_85 = tpu.memref_slice %arg10[%mul3A_4, %dma_wait3A_84] : memref<10240x8xf32, #tpu.memory_space<vmem_shared>> -> memref<640x8xf32, #tpu.memory_space<vmem_shared>>
      %dma_wait3A_86 = arith.constant 0 : i32
      %dma_wait3A_87 = tpu.memref_slice %arg4[%mul3A_2, %dma_wait3A_86] : memref<10240x8xf32, #tpu.memory_space<hbm>> -> memref<640x8xf32, #tpu.memory_space<hbm>>
      tpu.wait_dma2 semaphore(%run_scoped3A_80 : memref<!tpu.dma_semaphore, #tpu.memory_space<semaphore_mem>>) src(%dma_wait3A_87 : memref<640x8xf32, #tpu.memory_space<hbm>>) dst(%dma_wait3A_85 : memref<640x8xf32, #tpu.memory_space<vmem_shared>>)
      tpu.yield
    }) : () -> ()
    "tpu.region"() ({
      %run_scoped3A_80 = tpu.sem_alloc : memref<!tpu.dma_semaphore, #tpu.memory_space<semaphore_mem>>
      tpu.enqueue_dma source(%arg3 : memref<128x8xf32, #tpu.memory_space<hbm>>) target(%arg7 : memref<128x8xf32, #tpu.memory_space<vmem>>) target_semaphore(%run_scoped3A_80 : memref<!tpu.dma_semaphore, #tpu.memory_space<semaphore_mem>>)
      tpu.wait_dma2 semaphore(%run_scoped3A_80 : memref<!tpu.dma_semaphore, #tpu.memory_space<semaphore_mem>>) src(%arg3 : memref<128x8xf32, #tpu.memory_space<hbm>>) dst(%arg7 : memref<128x8xf32, #tpu.memory_space<vmem>>)
      tpu.yield
    }) : () -> ()
    %run_scoped3A = arith.constant 1 : i32
    "tpu.region"() ({
      %run_scoped3A_80 = tpu.sem_alloc : memref<!tpu.dma_semaphore, #tpu.memory_space<semaphore_mem>>
      %dma_start3A = arith.constant 0 : i32
      %dma_start3A_81 = arith.constant 0 : i32
      %dma_start3A_82 = tpu.memref_slice %arg2[%run_scoped3A, %add3A, %dma_start3A, %dma_start3A_81] : memref<2x32x80x128xi32, #tpu.memory_space<hbm>> -> memref<1x1x80x128xi32, #tpu.memory_space<hbm>>
      %dma_start3A_83 = tpu.memref_squeeze %dma_start3A_82 : memref<1x1x80x128xi32, #tpu.memory_space<hbm>> -> memref<80x128xi32, #tpu.memory_space<hbm>>
      %dma_start3A_84 = arith.constant 0 : i32
      %dma_start3A_85 = arith.constant 0 : i32
      %dma_start3A_86 = tpu.memref_slice %arg2[%run_scoped3A, %add3A, %dma_start3A_84, %dma_start3A_85] : memref<2x32x80x128xi32, #tpu.memory_space<hbm>> -> memref<1x1x80x128xi32, #tpu.memory_space<hbm>>
      %dma_start3A_87 = tpu.memref_squeeze %dma_start3A_86 : memref<1x1x80x128xi32, #tpu.memory_space<hbm>> -> memref<80x128xi32, #tpu.memory_space<hbm>>
      tpu.enqueue_dma source(%dma_start3A_87 : memref<80x128xi32, #tpu.memory_space<hbm>>) target(%arg6 : memref<80x128xi32, #tpu.memory_space<vmem>>) target_semaphore(%run_scoped3A_80 : memref<!tpu.dma_semaphore, #tpu.memory_space<semaphore_mem>>)
      %dma_wait3A_88 = arith.constant 0 : i32
      %dma_wait3A_89 = arith.constant 0 : i32
      %dma_wait3A_90 = tpu.memref_slice %arg2[%run_scoped3A, %add3A, %dma_wait3A_88, %dma_wait3A_89] : memref<2x32x80x128xi32, #tpu.memory_space<hbm>> -> memref<1x1x80x128xi32, #tpu.memory_space<hbm>>
      %dma_wait3A_91 = tpu.memref_squeeze %dma_wait3A_90 : memref<1x1x80x128xi32, #tpu.memory_space<hbm>> -> memref<80x128xi32, #tpu.memory_space<hbm>>
      %dma_wait3A_92 = arith.constant 0 : i32
      %dma_wait3A_93 = arith.constant 0 : i32
      %dma_wait3A_94 = tpu.memref_slice %arg2[%run_scoped3A, %add3A, %dma_wait3A_92, %dma_wait3A_93] : memref<2x32x80x128xi32, #tpu.memory_space<hbm>> -> memref<1x1x80x128xi32, #tpu.memory_space<hbm>>
      %dma_wait3A_95 = tpu.memref_squeeze %dma_wait3A_94 : memref<1x1x80x128xi32, #tpu.memory_space<hbm>> -> memref<80x128xi32, #tpu.memory_space<hbm>>
      tpu.wait_dma2 semaphore(%run_scoped3A_80 : memref<!tpu.dma_semaphore, #tpu.memory_space<semaphore_mem>>) src(%dma_wait3A_95 : memref<80x128xi32, #tpu.memory_space<hbm>>) dst(%arg6 : memref<80x128xi32, #tpu.memory_space<vmem>>)
      tpu.yield
    }) : () -> ()
    %barrier3A = arith.constant 0 : index
    tpu.barrier barrier_id(%barrier3A)
    %scan3A = arith.constant 0 : i32
    %scan3A_5 = arith.constant 0 : i32
    %scan3A_6 = arith.constant 80 : i32
    %scan3A_7 = arith.addi %scan3A_5, %scan3A_6 : i32
    %scan3A_8 = arith.constant 1 : i32
    scf.for %scan3A_80 = %scan3A_5 to %scan3A_7 step %scan3A_8  : i32 {
      %ge3A = arith.constant 6 : i32
      %ge3A_81 = arith.cmpi sge, %scan3A_80, %ge3A : i32
      %convert_element_type3A = arith.extui %ge3A_81 : i1 to i32
      %cond3A = arith.constant 0 : i32
      %cond3A_82 = arith.cmpi ne, %convert_element_type3A, %cond3A : i32
      scf.if %cond3A_82 {
        %jit3A_99 = arith.constant 6 : i32
        %eq3A_100 = arith.constant 0 : i32
        %eq3A_101 = arith.cmpi eq, %jit3A_99, %eq3A_100 : i32
        %jit3A_102 = arith.constant 1 : i32
        %select_n3A_103 = arith.select %eq3A_101, %jit3A_102, %jit3A_99 : i32
        %rem3A_104 = arith.remsi %scan3A_80, %select_n3A_103 : i32
        %ne3A_105 = arith.constant 0 : i32
        %ne3A_106 = arith.cmpi ne, %rem3A_104, %ne3A_105 : i32
        %lt3A_107 = arith.constant 0 : i32
        %lt3A_108 = arith.cmpi slt, %rem3A_104, %lt3A_107 : i32
        %lt3A_109 = arith.constant 0 : i32
        %lt3A_110 = arith.cmpi slt, %select_n3A_103, %lt3A_109 : i32
        %ne3A_111 = arith.xori %lt3A_108, %lt3A_110 : i1
        %and3A_112 = arith.andi %ne3A_111, %ne3A_106 : i1
        %add3A_113 = arith.addi %rem3A_104, %select_n3A_103 : i32
        %select_n3A_114 = arith.select %and3A_112, %add3A_113, %rem3A_104 : i32
        %dma_wait3A_115 = arith.constant 0 : i32
        %dma_wait3A_116 = arith.constant 0 : i32
        %dma_wait3A_117 = tpu.memref_slice %arg6[%dma_wait3A_115, %dma_wait3A_116] : memref<80x128xi32, #tpu.memory_space<vmem>> -> memref<1x128xi32, #tpu.memory_space<vmem>>
        %dma_wait3A_118 = tpu.memref_squeeze %dma_wait3A_117 : memref<1x128xi32, #tpu.memory_space<vmem>> -> memref<128xi32, #tpu.memory_space<vmem>>
        %dma_wait3A_119 = arith.constant 0 : i32
        %dma_wait3A_120 = arith.constant 0 : i32
        %dma_wait3A_121 = tpu.memref_slice %arg10[%dma_wait3A_119, %dma_wait3A_120] : memref<10240x8xf32, #tpu.memory_space<vmem_shared>> -> memref<10240x8xf32, #tpu.memory_space<vmem_shared>>
        %dma_wait3A_122 = tpu.memref_slice %arg11[%select_n3A_114] : memref<6x!tpu.dma_semaphore, #tpu.memory_space<semaphore_mem>> -> memref<1x!tpu.dma_semaphore, #tpu.memory_space<semaphore_mem>>
        %dma_wait3A_123 = tpu.memref_squeeze %dma_wait3A_122 : memref<1x!tpu.dma_semaphore, #tpu.memory_space<semaphore_mem>> -> memref<!tpu.dma_semaphore, #tpu.memory_space<semaphore_mem>>
        tpu.wait_indirect_dma semaphore(%dma_wait3A_123 : memref<!tpu.dma_semaphore, #tpu.memory_space<semaphore_mem>>) src(%arg7 : memref<128x8xf32, #tpu.memory_space<vmem>>) dst(%dma_wait3A_121 : memref<10240x8xf32, #tpu.memory_space<vmem_shared>>)
      } else {
      }
      %jit3A = arith.constant 6 : i32
      %eq3A = arith.constant 0 : i32
      %eq3A_83 = arith.cmpi eq, %jit3A, %eq3A : i32
      %jit3A_84 = arith.constant 1 : i32
      %select_n3A = arith.select %eq3A_83, %jit3A_84, %jit3A : i32
      %rem3A = arith.remsi %scan3A_80, %select_n3A : i32
      %ne3A = arith.constant 0 : i32
      %ne3A_85 = arith.cmpi ne, %rem3A, %ne3A : i32
      %lt3A = arith.constant 0 : i32
      %lt3A_86 = arith.cmpi slt, %rem3A, %lt3A : i32
      %lt3A_87 = arith.constant 0 : i32
      %lt3A_88 = arith.cmpi slt, %select_n3A, %lt3A_87 : i32
      %ne3A_89 = arith.xori %lt3A_86, %lt3A_88 : i1
      %and3A = arith.andi %ne3A_89, %ne3A_85 : i1
      %add3A_90 = arith.addi %rem3A, %select_n3A : i32
      %select_n3A_91 = arith.select %and3A, %add3A_90, %rem3A : i32
      %dma_start3A = arith.constant 0 : i32
      %dma_start3A_92 = tpu.memref_slice %arg6[%scan3A_80, %dma_start3A] : memref<80x128xi32, #tpu.memory_space<vmem>> -> memref<1x128xi32, #tpu.memory_space<vmem>>
      %dma_start3A_93 = tpu.memref_squeeze %dma_start3A_92 : memref<1x128xi32, #tpu.memory_space<vmem>> -> memref<128xi32, #tpu.memory_space<vmem>>
      %dma_start3A_94 = arith.constant 0 : i32
      %dma_start3A_95 = arith.constant 0 : i32
      %dma_start3A_96 = tpu.memref_slice %arg10[%dma_start3A_94, %dma_start3A_95] : memref<10240x8xf32, #tpu.memory_space<vmem_shared>> -> memref<10240x8xf32, #tpu.memory_space<vmem_shared>>
      %dma_start3A_97 = tpu.memref_slice %arg11[%select_n3A_91] : memref<6x!tpu.dma_semaphore, #tpu.memory_space<semaphore_mem>> -> memref<1x!tpu.dma_semaphore, #tpu.memory_space<semaphore_mem>>
      %dma_start3A_98 = tpu.memref_squeeze %dma_start3A_97 : memref<1x!tpu.dma_semaphore, #tpu.memory_space<semaphore_mem>> -> memref<!tpu.dma_semaphore, #tpu.memory_space<semaphore_mem>>
      tpu.enqueue_indirect_dma source(%arg7 : memref<128x8xf32, #tpu.memory_space<vmem>>) target(%dma_start3A_96 : memref<10240x8xf32, #tpu.memory_space<vmem_shared>>) offsets(%dma_start3A_93 : memref<128xi32, #tpu.memory_space<vmem>>) semaphore(%dma_start3A_98 : memref<!tpu.dma_semaphore, #tpu.memory_space<semaphore_mem>>) {add = true}
    }
    %scan3A_9 = arith.constant 80 : i32
    %dma_wait3A = arith.constant 0 : i32
    %dma_wait3A_10 = arith.constant 0 : i32
    %dma_wait3A_11 = arith.constant 0 : i32
    %dma_wait3A_12 = tpu.memref_slice %arg6[%dma_wait3A, %dma_wait3A_11] : memref<80x128xi32, #tpu.memory_space<vmem>> -> memref<1x128xi32, #tpu.memory_space<vmem>>
    %dma_wait3A_13 = tpu.memref_squeeze %dma_wait3A_12 : memref<1x128xi32, #tpu.memory_space<vmem>> -> memref<128xi32, #tpu.memory_space<vmem>>
    %dma_wait3A_14 = arith.constant 0 : i32
    %dma_wait3A_15 = arith.constant 0 : i32
    %dma_wait3A_16 = tpu.memref_slice %arg10[%dma_wait3A_14, %dma_wait3A_15] : memref<10240x8xf32, #tpu.memory_space<vmem_shared>> -> memref<10240x8xf32, #tpu.memory_space<vmem_shared>>
    %dma_wait3A_17 = tpu.memref_slice %arg11[%dma_wait3A_10] : memref<6x!tpu.dma_semaphore, #tpu.memory_space<semaphore_mem>> -> memref<1x!tpu.dma_semaphore, #tpu.memory_space<semaphore_mem>>
    %dma_wait3A_18 = tpu.memref_squeeze %dma_wait3A_17 : memref<1x!tpu.dma_semaphore, #tpu.memory_space<semaphore_mem>> -> memref<!tpu.dma_semaphore, #tpu.memory_space<semaphore_mem>>
    tpu.wait_indirect_dma semaphore(%dma_wait3A_18 : memref<!tpu.dma_semaphore, #tpu.memory_space<semaphore_mem>>) src(%arg7 : memref<128x8xf32, #tpu.memory_space<vmem>>) dst(%dma_wait3A_16 : memref<10240x8xf32, #tpu.memory_space<vmem_shared>>)
    %dma_wait3A_19 = arith.constant 0 : i32
    %dma_wait3A_20 = arith.constant 1 : i32
    %dma_wait3A_21 = arith.constant 0 : i32
    %dma_wait3A_22 = tpu.memref_slice %arg6[%dma_wait3A_19, %dma_wait3A_21] : memref<80x128xi32, #tpu.memory_space<vmem>> -> memref<1x128xi32, #tpu.memory_space<vmem>>
    %dma_wait3A_23 = tpu.memref_squeeze %dma_wait3A_22 : memref<1x128xi32, #tpu.memory_space<vmem>> -> memref<128xi32, #tpu.memory_space<vmem>>
    %dma_wait3A_24 = arith.constant 0 : i32
    %dma_wait3A_25 = arith.constant 0 : i32
    %dma_wait3A_26 = tpu.memref_slice %arg10[%dma_wait3A_24, %dma_wait3A_25] : memref<10240x8xf32, #tpu.memory_space<vmem_shared>> -> memref<10240x8xf32, #tpu.memory_space<vmem_shared>>
    %dma_wait3A_27 = tpu.memref_slice %arg11[%dma_wait3A_20] : memref<6x!tpu.dma_semaphore, #tpu.memory_space<semaphore_mem>> -> memref<1x!tpu.dma_semaphore, #tpu.memory_space<semaphore_mem>>
    %dma_wait3A_28 = tpu.memref_squeeze %dma_wait3A_27 : memref<1x!tpu.dma_semaphore, #tpu.memory_space<semaphore_mem>> -> memref<!tpu.dma_semaphore, #tpu.memory_space<semaphore_mem>>
    tpu.wait_indirect_dma semaphore(%dma_wait3A_28 : memref<!tpu.dma_semaphore, #tpu.memory_space<semaphore_mem>>) src(%arg7 : memref<128x8xf32, #tpu.memory_space<vmem>>) dst(%dma_wait3A_26 : memref<10240x8xf32, #tpu.memory_space<vmem_shared>>)
    %dma_wait3A_29 = arith.constant 0 : i32
    %dma_wait3A_30 = arith.constant 2 : i32
    %dma_wait3A_31 = arith.constant 0 : i32
    %dma_wait3A_32 = tpu.memref_slice %arg6[%dma_wait3A_29, %dma_wait3A_31] : memref<80x128xi32, #tpu.memory_space<vmem>> -> memref<1x128xi32, #tpu.memory_space<vmem>>
    %dma_wait3A_33 = tpu.memref_squeeze %dma_wait3A_32 : memref<1x128xi32, #tpu.memory_space<vmem>> -> memref<128xi32, #tpu.memory_space<vmem>>
    %dma_wait3A_34 = arith.constant 0 : i32
    %dma_wait3A_35 = arith.constant 0 : i32
    %dma_wait3A_36 = tpu.memref_slice %arg10[%dma_wait3A_34, %dma_wait3A_35] : memref<10240x8xf32, #tpu.memory_space<vmem_shared>> -> memref<10240x8xf32, #tpu.memory_space<vmem_shared>>
    %dma_wait3A_37 = tpu.memref_slice %arg11[%dma_wait3A_30] : memref<6x!tpu.dma_semaphore, #tpu.memory_space<semaphore_mem>> -> memref<1x!tpu.dma_semaphore, #tpu.memory_space<semaphore_mem>>
    %dma_wait3A_38 = tpu.memref_squeeze %dma_wait3A_37 : memref<1x!tpu.dma_semaphore, #tpu.memory_space<semaphore_mem>> -> memref<!tpu.dma_semaphore, #tpu.memory_space<semaphore_mem>>
    tpu.wait_indirect_dma semaphore(%dma_wait3A_38 : memref<!tpu.dma_semaphore, #tpu.memory_space<semaphore_mem>>) src(%arg7 : memref<128x8xf32, #tpu.memory_space<vmem>>) dst(%dma_wait3A_36 : memref<10240x8xf32, #tpu.memory_space<vmem_shared>>)
    %dma_wait3A_39 = arith.constant 0 : i32
    %dma_wait3A_40 = arith.constant 3 : i32
    %dma_wait3A_41 = arith.constant 0 : i32
    %dma_wait3A_42 = tpu.memref_slice %arg6[%dma_wait3A_39, %dma_wait3A_41] : memref<80x128xi32, #tpu.memory_space<vmem>> -> memref<1x128xi32, #tpu.memory_space<vmem>>
    %dma_wait3A_43 = tpu.memref_squeeze %dma_wait3A_42 : memref<1x128xi32, #tpu.memory_space<vmem>> -> memref<128xi32, #tpu.memory_space<vmem>>
    %dma_wait3A_44 = arith.constant 0 : i32
    %dma_wait3A_45 = arith.constant 0 : i32
    %dma_wait3A_46 = tpu.memref_slice %arg10[%dma_wait3A_44, %dma_wait3A_45] : memref<10240x8xf32, #tpu.memory_space<vmem_shared>> -> memref<10240x8xf32, #tpu.memory_space<vmem_shared>>
    %dma_wait3A_47 = tpu.memref_slice %arg11[%dma_wait3A_40] : memref<6x!tpu.dma_semaphore, #tpu.memory_space<semaphore_mem>> -> memref<1x!tpu.dma_semaphore, #tpu.memory_space<semaphore_mem>>
    %dma_wait3A_48 = tpu.memref_squeeze %dma_wait3A_47 : memref<1x!tpu.dma_semaphore, #tpu.memory_space<semaphore_mem>> -> memref<!tpu.dma_semaphore, #tpu.memory_space<semaphore_mem>>
    tpu.wait_indirect_dma semaphore(%dma_wait3A_48 : memref<!tpu.dma_semaphore, #tpu.memory_space<semaphore_mem>>) src(%arg7 : memref<128x8xf32, #tpu.memory_space<vmem>>) dst(%dma_wait3A_46 : memref<10240x8xf32, #tpu.memory_space<vmem_shared>>)
    %dma_wait3A_49 = arith.constant 0 : i32
    %dma_wait3A_50 = arith.constant 4 : i32
    %dma_wait3A_51 = arith.constant 0 : i32
    %dma_wait3A_52 = tpu.memref_slice %arg6[%dma_wait3A_49, %dma_wait3A_51] : memref<80x128xi32, #tpu.memory_space<vmem>> -> memref<1x128xi32, #tpu.memory_space<vmem>>
    %dma_wait3A_53 = tpu.memref_squeeze %dma_wait3A_52 : memref<1x128xi32, #tpu.memory_space<vmem>> -> memref<128xi32, #tpu.memory_space<vmem>>
    %dma_wait3A_54 = arith.constant 0 : i32
    %dma_wait3A_55 = arith.constant 0 : i32
    %dma_wait3A_56 = tpu.memref_slice %arg10[%dma_wait3A_54, %dma_wait3A_55] : memref<10240x8xf32, #tpu.memory_space<vmem_shared>> -> memref<10240x8xf32, #tpu.memory_space<vmem_shared>>
    %dma_wait3A_57 = tpu.memref_slice %arg11[%dma_wait3A_50] : memref<6x!tpu.dma_semaphore, #tpu.memory_space<semaphore_mem>> -> memref<1x!tpu.dma_semaphore, #tpu.memory_space<semaphore_mem>>
    %dma_wait3A_58 = tpu.memref_squeeze %dma_wait3A_57 : memref<1x!tpu.dma_semaphore, #tpu.memory_space<semaphore_mem>> -> memref<!tpu.dma_semaphore, #tpu.memory_space<semaphore_mem>>
    tpu.wait_indirect_dma semaphore(%dma_wait3A_58 : memref<!tpu.dma_semaphore, #tpu.memory_space<semaphore_mem>>) src(%arg7 : memref<128x8xf32, #tpu.memory_space<vmem>>) dst(%dma_wait3A_56 : memref<10240x8xf32, #tpu.memory_space<vmem_shared>>)
    %dma_wait3A_59 = arith.constant 0 : i32
    %dma_wait3A_60 = arith.constant 5 : i32
    %dma_wait3A_61 = arith.constant 0 : i32
    %dma_wait3A_62 = tpu.memref_slice %arg6[%dma_wait3A_59, %dma_wait3A_61] : memref<80x128xi32, #tpu.memory_space<vmem>> -> memref<1x128xi32, #tpu.memory_space<vmem>>
    %dma_wait3A_63 = tpu.memref_squeeze %dma_wait3A_62 : memref<1x128xi32, #tpu.memory_space<vmem>> -> memref<128xi32, #tpu.memory_space<vmem>>
    %dma_wait3A_64 = arith.constant 0 : i32
    %dma_wait3A_65 = arith.constant 0 : i32
    %dma_wait3A_66 = tpu.memref_slice %arg10[%dma_wait3A_64, %dma_wait3A_65] : memref<10240x8xf32, #tpu.memory_space<vmem_shared>> -> memref<10240x8xf32, #tpu.memory_space<vmem_shared>>
    %dma_wait3A_67 = tpu.memref_slice %arg11[%dma_wait3A_60] : memref<6x!tpu.dma_semaphore, #tpu.memory_space<semaphore_mem>> -> memref<1x!tpu.dma_semaphore, #tpu.memory_space<semaphore_mem>>
    %dma_wait3A_68 = tpu.memref_squeeze %dma_wait3A_67 : memref<1x!tpu.dma_semaphore, #tpu.memory_space<semaphore_mem>> -> memref<!tpu.dma_semaphore, #tpu.memory_space<semaphore_mem>>
    tpu.wait_indirect_dma semaphore(%dma_wait3A_68 : memref<!tpu.dma_semaphore, #tpu.memory_space<semaphore_mem>>) src(%arg7 : memref<128x8xf32, #tpu.memory_space<vmem>>) dst(%dma_wait3A_66 : memref<10240x8xf32, #tpu.memory_space<vmem_shared>>)
    %barrier3A_69 = arith.constant 0 : index
    tpu.barrier barrier_id(%barrier3A_69)
    %mul3A_70 = arith.constant 640 : i32
    %mul3A_71 = arith.muli %arg1, %mul3A_70 : i32
    "tpu.region"() ({
      %run_scoped3A_80 = tpu.sem_alloc : memref<!tpu.dma_semaphore, #tpu.memory_space<semaphore_mem>>
      %dma_start3A = arith.constant 0 : i32
      %dma_start3A_81 = tpu.memref_slice %arg10[%mul3A_71, %dma_start3A] : memref<10240x8xf32, #tpu.memory_space<vmem_shared>> -> memref<640x8xf32, #tpu.memory_space<vmem_shared>>
      %dma_start3A_82 = arith.constant 0 : i32
      %dma_start3A_83 = tpu.memref_slice %arg10[%mul3A_71, %dma_start3A_82] : memref<10240x8xf32, #tpu.memory_space<vmem_shared>> -> memref<640x8xf32, #tpu.memory_space<vmem_shared>>
      tpu.enqueue_dma source(%dma_start3A_83 : memref<640x8xf32, #tpu.memory_space<vmem_shared>>) target(%arg8 : memref<640x8xf32, #tpu.memory_space<vmem>>) target_semaphore(%run_scoped3A_80 : memref<!tpu.dma_semaphore, #tpu.memory_space<semaphore_mem>>)
      %dma_wait3A_84 = arith.constant 0 : i32
      %dma_wait3A_85 = tpu.memref_slice %arg10[%mul3A_71, %dma_wait3A_84] : memref<10240x8xf32, #tpu.memory_space<vmem_shared>> -> memref<640x8xf32, #tpu.memory_space<vmem_shared>>
      %dma_wait3A_86 = arith.constant 0 : i32
      %dma_wait3A_87 = tpu.memref_slice %arg10[%mul3A_71, %dma_wait3A_86] : memref<10240x8xf32, #tpu.memory_space<vmem_shared>> -> memref<640x8xf32, #tpu.memory_space<vmem_shared>>
      tpu.wait_dma2 semaphore(%run_scoped3A_80 : memref<!tpu.dma_semaphore, #tpu.memory_space<semaphore_mem>>) src(%dma_wait3A_87 : memref<640x8xf32, #tpu.memory_space<vmem_shared>>) dst(%arg8 : memref<640x8xf32, #tpu.memory_space<vmem>>)
      tpu.yield
    }) : () -> ()
    %scan3A_72 = arith.constant 0 : i32
    %scan3A_73 = arith.constant 0 : i32
    %scan3A_74 = arith.constant 160 : i32
    %scan3A_75 = arith.addi %scan3A_73, %scan3A_74 : i32
    %scan3A_76 = arith.constant 1 : i32
    scf.for %scan3A_80 = %scan3A_73 to %scan3A_75 step %scan3A_76  : i32 {
      %mul3A_81 = arith.constant 4 : i32
      %mul3A_82 = arith.muli %mul3A_81, %scan3A_80 : i32
      %add3A_83 = arith.constant 0 : i32
      %add3A_84 = arith.addi %mul3A_82, %add3A_83 : i32
      %broadcast_in_dim3A = vector.broadcast %add3A_84 : i32 to vector<16xi32>
      %broadcast_in_dim3A_85 = arith.constant 0 : i32
      %broadcast_in_dim3A_86 = vector.broadcast %broadcast_in_dim3A_85 : i32 to vector<16xi32>
      %gather3A = tpu.vector_load_idx %arg8[%broadcast_in_dim3A, %broadcast_in_dim3A_86] : memref<640x8xf32, #tpu.memory_space<vmem>>[vector<16xi32>, vector<16xi32>], vector<16xf32>,
      %swap3A = arith.index_cast %scan3A_80 : i32 to index
      %swap3A_87 = arith.constant 0 : index
      %swap3A_88 = tpu.vector_load %arg9[%swap3A, %swap3A_87] {strides = array<i32>} : memref<160x128xf32, #tpu.memory_space<vmem>>, vector<16xf32>,
      tpu.vector_store %arg9[%swap3A, %swap3A_87], %gather3A {strides = array<i32>} : memref<160x128xf32, #tpu.memory_space<vmem>>, vector<16xf32>,
      %mul3A_89 = arith.constant 4 : i32
      %mul3A_90 = arith.muli %mul3A_89, %scan3A_80 : i32
      %add3A_91 = arith.constant 0 : i32
      %add3A_92 = arith.addi %mul3A_90, %add3A_91 : i32
      %broadcast_in_dim3A_93 = vector.broadcast %add3A_92 : i32 to vector<16xi32>
      %broadcast_in_dim3A_94 = arith.constant 0 : i32
      %broadcast_in_dim3A_95 = vector.broadcast %broadcast_in_dim3A_94 : i32 to vector<16xi32>
      %gather3A_96 = tpu.vector_load_idx %arg8[%broadcast_in_dim3A_93, %broadcast_in_dim3A_95] : memref<640x8xf32, #tpu.memory_space<vmem>>[vector<16xi32>, vector<16xi32>], vector<16xf32>,
      %swap3A_97 = arith.index_cast %scan3A_80 : i32 to index
      %swap3A_98 = arith.constant 16 : index
      %swap3A_99 = tpu.vector_load %arg9[%swap3A_97, %swap3A_98] {strides = array<i32>} : memref<160x128xf32, #tpu.memory_space<vmem>>, vector<16xf32>,
      tpu.vector_store %arg9[%swap3A_97, %swap3A_98], %gather3A_96 {strides = array<i32>} : memref<160x128xf32, #tpu.memory_space<vmem>>, vector<16xf32>,
      %mul3A_100 = arith.constant 4 : i32
      %mul3A_101 = arith.muli %mul3A_100, %scan3A_80 : i32
      %add3A_102 = arith.constant 1 : i32
      %add3A_103 = arith.addi %mul3A_101, %add3A_102 : i32
      %broadcast_in_dim3A_104 = vector.broadcast %add3A_103 : i32 to vector<16xi32>
      %broadcast_in_dim3A_105 = arith.constant 0 : i32
      %broadcast_in_dim3A_106 = vector.broadcast %broadcast_in_dim3A_105 : i32 to vector<16xi32>
      %gather3A_107 = tpu.vector_load_idx %arg8[%broadcast_in_dim3A_104, %broadcast_in_dim3A_106] : memref<640x8xf32, #tpu.memory_space<vmem>>[vector<16xi32>, vector<16xi32>], vector<16xf32>,
      %swap3A_108 = arith.index_cast %scan3A_80 : i32 to index
      %swap3A_109 = arith.constant 32 : index
      %swap3A_110 = tpu.vector_load %arg9[%swap3A_108, %swap3A_109] {strides = array<i32>} : memref<160x128xf32, #tpu.memory_space<vmem>>, vector<16xf32>,
      tpu.vector_store %arg9[%swap3A_108, %swap3A_109], %gather3A_107 {strides = array<i32>} : memref<160x128xf32, #tpu.memory_space<vmem>>, vector<16xf32>,
      %mul3A_111 = arith.constant 4 : i32
      %mul3A_112 = arith.muli %mul3A_111, %scan3A_80 : i32
      %add3A_113 = arith.constant 1 : i32
      %add3A_114 = arith.addi %mul3A_112, %add3A_113 : i32
      %broadcast_in_dim3A_115 = vector.broadcast %add3A_114 : i32 to vector<16xi32>
      %broadcast_in_dim3A_116 = arith.constant 0 : i32
      %broadcast_in_dim3A_117 = vector.broadcast %broadcast_in_dim3A_116 : i32 to vector<16xi32>
      %gather3A_118 = tpu.vector_load_idx %arg8[%broadcast_in_dim3A_115, %broadcast_in_dim3A_117] : memref<640x8xf32, #tpu.memory_space<vmem>>[vector<16xi32>, vector<16xi32>], vector<16xf32>,
      %swap3A_119 = arith.index_cast %scan3A_80 : i32 to index
      %swap3A_120 = arith.constant 48 : index
      %swap3A_121 = tpu.vector_load %arg9[%swap3A_119, %swap3A_120] {strides = array<i32>} : memref<160x128xf32, #tpu.memory_space<vmem>>, vector<16xf32>,
      tpu.vector_store %arg9[%swap3A_119, %swap3A_120], %gather3A_118 {strides = array<i32>} : memref<160x128xf32, #tpu.memory_space<vmem>>, vector<16xf32>,
      %mul3A_122 = arith.constant 4 : i32
      %mul3A_123 = arith.muli %mul3A_122, %scan3A_80 : i32
      %add3A_124 = arith.constant 2 : i32
      %add3A_125 = arith.addi %mul3A_123, %add3A_124 : i32
      %broadcast_in_dim3A_126 = vector.broadcast %add3A_125 : i32 to vector<16xi32>
      %broadcast_in_dim3A_127 = arith.constant 0 : i32
      %broadcast_in_dim3A_128 = vector.broadcast %broadcast_in_dim3A_127 : i32 to vector<16xi32>
      %gather3A_129 = tpu.vector_load_idx %arg8[%broadcast_in_dim3A_126, %broadcast_in_dim3A_128] : memref<640x8xf32, #tpu.memory_space<vmem>>[vector<16xi32>, vector<16xi32>], vector<16xf32>,
      %swap3A_130 = arith.index_cast %scan3A_80 : i32 to index
      %swap3A_131 = arith.constant 64 : index
      %swap3A_132 = tpu.vector_load %arg9[%swap3A_130, %swap3A_131] {strides = array<i32>} : memref<160x128xf32, #tpu.memory_space<vmem>>, vector<16xf32>,
      tpu.vector_store %arg9[%swap3A_130, %swap3A_131], %gather3A_129 {strides = array<i32>} : memref<160x128xf32, #tpu.memory_space<vmem>>, vector<16xf32>,
      %mul3A_133 = arith.constant 4 : i32
      %mul3A_134 = arith.muli %mul3A_133, %scan3A_80 : i32
      %add3A_135 = arith.constant 2 : i32
      %add3A_136 = arith.addi %mul3A_134, %add3A_135 : i32
      %broadcast_in_dim3A_137 = vector.broadcast %add3A_136 : i32 to vector<16xi32>
      %broadcast_in_dim3A_138 = arith.constant 0 : i32
      %broadcast_in_dim3A_139 = vector.broadcast %broadcast_in_dim3A_138 : i32 to vector<16xi32>
      %gather3A_140 = tpu.vector_load_idx %arg8[%broadcast_in_dim3A_137, %broadcast_in_dim3A_139] : memref<640x8xf32, #tpu.memory_space<vmem>>[vector<16xi32>, vector<16xi32>], vector<16xf32>,
      %swap3A_141 = arith.index_cast %scan3A_80 : i32 to index
      %swap3A_142 = arith.constant 80 : index
      %swap3A_143 = tpu.vector_load %arg9[%swap3A_141, %swap3A_142] {strides = array<i32>} : memref<160x128xf32, #tpu.memory_space<vmem>>, vector<16xf32>,
      tpu.vector_store %arg9[%swap3A_141, %swap3A_142], %gather3A_140 {strides = array<i32>} : memref<160x128xf32, #tpu.memory_space<vmem>>, vector<16xf32>,
      %mul3A_144 = arith.constant 4 : i32
      %mul3A_145 = arith.muli %mul3A_144, %scan3A_80 : i32
      %add3A_146 = arith.constant 3 : i32
      %add3A_147 = arith.addi %mul3A_145, %add3A_146 : i32
      %broadcast_in_dim3A_148 = vector.broadcast %add3A_147 : i32 to vector<16xi32>
      %broadcast_in_dim3A_149 = arith.constant 0 : i32
      %broadcast_in_dim3A_150 = vector.broadcast %broadcast_in_dim3A_149 : i32 to vector<16xi32>
      %gather3A_151 = tpu.vector_load_idx %arg8[%broadcast_in_dim3A_148, %broadcast_in_dim3A_150] : memref<640x8xf32, #tpu.memory_space<vmem>>[vector<16xi32>, vector<16xi32>], vector<16xf32>,
      %swap3A_152 = arith.index_cast %scan3A_80 : i32 to index
      %swap3A_153 = arith.constant 96 : index
      %swap3A_154 = tpu.vector_load %arg9[%swap3A_152, %swap3A_153] {strides = array<i32>} : memref<160x128xf32, #tpu.memory_space<vmem>>, vector<16xf32>,
      tpu.vector_store %arg9[%swap3A_152, %swap3A_153], %gather3A_151 {strides = array<i32>} : memref<160x128xf32, #tpu.memory_space<vmem>>, vector<16xf32>,
      %mul3A_155 = arith.constant 4 : i32
      %mul3A_156 = arith.muli %mul3A_155, %scan3A_80 : i32
      %add3A_157 = arith.constant 3 : i32
      %add3A_158 = arith.addi %mul3A_156, %add3A_157 : i32
      %broadcast_in_dim3A_159 = vector.broadcast %add3A_158 : i32 to vector<16xi32>
      %broadcast_in_dim3A_160 = arith.constant 0 : i32
      %broadcast_in_dim3A_161 = vector.broadcast %broadcast_in_dim3A_160 : i32 to vector<16xi32>
      %gather3A_162 = tpu.vector_load_idx %arg8[%broadcast_in_dim3A_159, %broadcast_in_dim3A_161] : memref<640x8xf32, #tpu.memory_space<vmem>>[vector<16xi32>, vector<16xi32>], vector<16xf32>,
      %swap3A_163 = arith.index_cast %scan3A_80 : i32 to index
      %swap3A_164 = arith.constant 112 : index
      %swap3A_165 = tpu.vector_load %arg9[%swap3A_163, %swap3A_164] {strides = array<i32>} : memref<160x128xf32, #tpu.memory_space<vmem>>, vector<16xf32>,
      tpu.vector_store %arg9[%swap3A_163, %swap3A_164], %gather3A_162 {strides = array<i32>} : memref<160x128xf32, #tpu.memory_space<vmem>>, vector<16xf32>,
    }
    %scan3A_77 = arith.constant 160 : i32
    %mul3A_78 = arith.constant 160 : i32
    %mul3A_79 = arith.muli %arg1, %mul3A_78 : i32
    "tpu.region"() ({
      %run_scoped3A_80 = tpu.sem_alloc : memref<!tpu.dma_semaphore, #tpu.memory_space<semaphore_mem>>
      %dma_start3A = arith.constant 0 : i32
      %dma_start3A_81 = tpu.memref_slice %arg5[%arg0, %mul3A_79, %dma_start3A] : memref<2x2560x128xf32, #tpu.memory_space<hbm>> -> memref<1x160x128xf32, #tpu.memory_space<hbm>>
      %dma_start3A_82 = tpu.memref_squeeze %dma_start3A_81 : memref<1x160x128xf32, #tpu.memory_space<hbm>> -> memref<160x128xf32, #tpu.memory_space<hbm>>
      %dma_start3A_83 = arith.constant 0 : i32
      %dma_start3A_84 = tpu.memref_slice %arg5[%arg0, %mul3A_79, %dma_start3A_83] : memref<2x2560x128xf32, #tpu.memory_space<hbm>> -> memref<1x160x128xf32, #tpu.memory_space<hbm>>
      %dma_start3A_85 = tpu.memref_squeeze %dma_start3A_84 : memref<1x160x128xf32, #tpu.memory_space<hbm>> -> memref<160x128xf32, #tpu.memory_space<hbm>>
      tpu.enqueue_dma source(%arg9 : memref<160x128xf32, #tpu.memory_space<vmem>>) target(%dma_start3A_85 : memref<160x128xf32, #tpu.memory_space<hbm>>) target_semaphore(%run_scoped3A_80 : memref<!tpu.dma_semaphore, #tpu.memory_space<semaphore_mem>>)
      %dma_wait3A_86 = arith.constant 0 : i32
      %dma_wait3A_87 = tpu.memref_slice %arg5[%arg0, %mul3A_79, %dma_wait3A_86] : memref<2x2560x128xf32, #tpu.memory_space<hbm>> -> memref<1x160x128xf32, #tpu.memory_space<hbm>>
      %dma_wait3A_88 = tpu.memref_squeeze %dma_wait3A_87 : memref<1x160x128xf32, #tpu.memory_space<hbm>> -> memref<160x128xf32, #tpu.memory_space<hbm>>
      %dma_wait3A_89 = arith.constant 0 : i32
      %dma_wait3A_90 = tpu.memref_slice %arg5[%arg0, %mul3A_79, %dma_wait3A_89] : memref<2x2560x128xf32, #tpu.memory_space<hbm>> -> memref<1x160x128xf32, #tpu.memory_space<hbm>>
      %dma_wait3A_91 = tpu.memref_squeeze %dma_wait3A_90 : memref<1x160x128xf32, #tpu.memory_space<hbm>> -> memref<160x128xf32, #tpu.memory_space<hbm>>
      tpu.wait_dma2 semaphore(%run_scoped3A_80 : memref<!tpu.dma_semaphore, #tpu.memory_space<semaphore_mem>>) src(%arg9 : memref<160x128xf32, #tpu.memory_space<vmem>>) dst(%dma_wait3A_91 : memref<160x128xf32, #tpu.memory_space<hbm>>)
      tpu.yield
    }) : () -> ()
    return
  }
}

module attributes {stable_mosaic.version = 14 : i64} {
  func.func @_tc_stage1(%arg0: i32, %arg1: memref<2x320x128xf32, #tpu.memory_space<vmem>>, %arg2: memref<320x512xf32, #tpu.memory_space<vmem>>, %arg3: memref<512x128xf32, #tpu.memory_space<vmem>>, %arg4: memref<320x128xf32, #tpu.memory_space<vmem>>, %arg5: memref<320x128xf32, #tpu.memory_space<vmem>>) attributes {dimension_semantics = [#tpu.dimension_semantics<arbitrary>], iteration_bounds = array<i64: 8>, scalar_prefetch = 0 : i64, scratch_operands = 0 : i64, tpu.core_type = #tpu.core_type<tc>, window_params = [{transform_indices = @transform_0, window_bounds = array<i64: 2, 320, 128>}, {transform_indices = @transform_1, window_bounds = array<i64: 320, 512>}, {pipeline_mode = #tpu.pipeline_mode<synchronous>, transform_indices = @transform_2, window_bounds = array<i64: 512, 128>}, {transform_indices = @transform_3, window_bounds = array<i64: 320, 128>}, {transform_indices = @transform_4, window_bounds = array<i64: 320, 128>}]} {
    %get3A = arith.constant 0 : index
    %get3A_0 = arith.constant 0 : index
    %get3A_1 = arith.constant 0 : index
    %get3A_2 = vector.load %arg1[%get3A, %get3A_0, %get3A_1] : memref<2x320x128xf32, #tpu.memory_space<vmem>>, vector<1x320x128xf32>
    %get3A_3 = vector.shape_cast %get3A_2 : vector<1x320x128xf32> to vector<320x128xf32>
    %get3A_4 = arith.constant 1 : index
    %get3A_5 = arith.constant 0 : index
    %get3A_6 = arith.constant 0 : index
    %get3A_7 = vector.load %arg1[%get3A_4, %get3A_5, %get3A_6] : memref<2x320x128xf32, #tpu.memory_space<vmem>>, vector<1x320x128xf32>
    %get3A_8 = vector.shape_cast %get3A_7 : vector<1x320x128xf32> to vector<320x128xf32>
    %add3A = arith.addf %get3A_3, %get3A_8 : vector<320x128xf32>
    %add3A_9 = arith.constant 1.000000e+00 : f32
    %add3A_10 = vector.broadcast %add3A_9 : f32 to vector<320x128xf32>
    %add3A_11 = arith.addf %add3A, %add3A_10 : vector<320x128xf32>
    %rsqrt3A = math.rsqrt %add3A_11 : vector<320x128xf32>
    %swap3A = arith.constant 0 : index
    %swap3A_12 = arith.constant 0 : index
    %swap3A_13 = vector.load %arg4[%swap3A, %swap3A_12] : memref<320x128xf32, #tpu.memory_space<vmem>>, vector<320x128xf32>
    tpu.vector_store %arg4[%swap3A, %swap3A_12], %rsqrt3A {strides = array<i32>} : memref<320x128xf32, #tpu.memory_space<vmem>>, vector<320x128xf32>,
    %get3A_14 = arith.constant 0 : index
    %get3A_15 = arith.constant 0 : index
    %get3A_16 = vector.load %arg2[%get3A_14, %get3A_15] : memref<320x512xf32, #tpu.memory_space<vmem>>, vector<320x512xf32>
    %get3A_17 = arith.constant 0 : index
    %get3A_18 = arith.constant 0 : index
    %get3A_19 = vector.load %arg3[%get3A_17, %get3A_18] : memref<512x128xf32, #tpu.memory_space<vmem>>, vector<512x128xf32>
    %dot_general3A = arith.constant dense<0.000000e+00> : vector<320x128xf32>
    %dot_general3A_20 = tpu.matmul %get3A_16, %get3A_19, %dot_general3A {dimension_numbers = #tpu.dot_dimension_numbers<[1], [0], [0], [1], [0, 0, 1, 1], [], []>, precision = #tpu.contract_precision<fp32>, transpose_lhs_hint = false} : vector<320x512xf32>, vector<512x128xf32>, vector<320x128xf32> -> vector<320x128xf32>
    %mul3A = arith.mulf %dot_general3A_20, %rsqrt3A : vector<320x128xf32>
    %swap3A_21 = arith.constant 0 : index
    %swap3A_22 = arith.constant 0 : index
    %swap3A_23 = vector.load %arg5[%swap3A_21, %swap3A_22] : memref<320x128xf32, #tpu.memory_space<vmem>>, vector<320x128xf32>
    tpu.vector_store %arg5[%swap3A_21, %swap3A_22], %mul3A {strides = array<i32>} : memref<320x128xf32, #tpu.memory_space<vmem>>, vector<320x128xf32>,
    return
  }
  func.func @transform_0(%arg0: i32) -> (i32, i32, i32) {
    %c0_i32 = arith.constant 0 : i32
    %c0_i32_0 = arith.constant 0 : i32
    %c0_i32_1 = arith.constant 0 : i32
    return %c0_i32, %arg0, %c0_i32_0 : i32, i32, i32
  }
  func.func @transform_1(%arg0: i32) -> (i32, i32) {
    %c0_i32 = arith.constant 0 : i32
    %c0_i32_0 = arith.constant 0 : i32
    return %arg0, %c0_i32 : i32, i32
  }
  func.func @transform_2(%arg0: i32) -> (i32, i32) {
    %c0_i32 = arith.constant 0 : i32
    %c0_i32_0 = arith.constant 0 : i32
    %c0_i32_1 = arith.constant 0 : i32
    return %c0_i32, %c0_i32_0 : i32, i32
  }
  func.func @transform_3(%arg0: i32) -> (i32, i32) {
    %c0_i32 = arith.constant 0 : i32
    %c0_i32_0 = arith.constant 0 : i32
    return %arg0, %c0_i32 : i32, i32
  }
  func.func @transform_4(%arg0: i32) -> (i32, i32) {
    %c0_i32 = arith.constant 0 : i32
    %c0_i32_0 = arith.constant 0 : i32
    return %arg0, %c0_i32 : i32, i32
  }
}

module attributes {stable_mosaic.version = 14 : i64} {
  func.func @_tc_stage_mid(%arg0: i32, %arg1: memref<2x320x128xf32, #tpu.memory_space<vmem>>, %arg2: memref<320x128xf32, #tpu.memory_space<vmem>>, %arg3: memref<320x128xf32, #tpu.memory_space<vmem>>, %arg4: memref<1x128xf32, #tpu.memory_space<vmem>>, %arg5: memref<128x128xf32, #tpu.memory_space<vmem>>, %arg6: memref<320x128xf32, #tpu.memory_space<vmem>>) attributes {dimension_semantics = [#tpu.dimension_semantics<arbitrary>], iteration_bounds = array<i64: 8>, scalar_prefetch = 0 : i64, scratch_operands = 0 : i64, tpu.core_type = #tpu.core_type<tc>, window_params = [{transform_indices = @transform_0, window_bounds = array<i64: 2, 320, 128>}, {transform_indices = @transform_1, window_bounds = array<i64: 320, 128>}, {transform_indices = @transform_2, window_bounds = array<i64: 320, 128>}, {pipeline_mode = #tpu.pipeline_mode<synchronous>, transform_indices = @transform_3, window_bounds = array<i64: 1, 128>}, {pipeline_mode = #tpu.pipeline_mode<synchronous>, transform_indices = @transform_4, window_bounds = array<i64: 128, 128>}, {transform_indices = @transform_5, window_bounds = array<i64: 320, 128>}]} {
    %get3A = arith.constant 0 : index
    %get3A_0 = arith.constant 0 : index
    %get3A_1 = vector.load %arg3[%get3A, %get3A_0] : memref<320x128xf32, #tpu.memory_space<vmem>>, vector<320x128xf32>
    %get3A_2 = arith.constant 0 : index
    %get3A_3 = arith.constant 0 : index
    %get3A_4 = arith.constant 0 : index
    %get3A_5 = vector.load %arg1[%get3A_2, %get3A_3, %get3A_4] : memref<2x320x128xf32, #tpu.memory_space<vmem>>, vector<1x320x128xf32>
    %get3A_6 = vector.shape_cast %get3A_5 : vector<1x320x128xf32> to vector<320x128xf32>
    %get3A_7 = arith.constant 1 : index
    %get3A_8 = arith.constant 0 : index
    %get3A_9 = arith.constant 0 : index
    %get3A_10 = vector.load %arg1[%get3A_7, %get3A_8, %get3A_9] : memref<2x320x128xf32, #tpu.memory_space<vmem>>, vector<1x320x128xf32>
    %get3A_11 = vector.shape_cast %get3A_10 : vector<1x320x128xf32> to vector<320x128xf32>
    %add3A = arith.addf %get3A_6, %get3A_11 : vector<320x128xf32>
    %get3A_12 = arith.constant 0 : index
    %get3A_13 = arith.constant 0 : index
    %get3A_14 = vector.load %arg2[%get3A_12, %get3A_13] : memref<320x128xf32, #tpu.memory_space<vmem>>, vector<320x128xf32>
    %add3A_15 = arith.addf %add3A, %get3A_14 : vector<320x128xf32>
    %mul3A = arith.mulf %get3A_1, %add3A_15 : vector<320x128xf32>
    %get3A_16 = arith.constant 0 : index
    %get3A_17 = arith.constant 0 : index
    %get3A_18 = vector.load %arg4[%get3A_16, %get3A_17] : memref<1x128xf32, #tpu.memory_space<vmem>>, vector<1x128xf32>
    %add3A_19 = vector.broadcast %get3A_18 : vector<1x128xf32> to vector<320x128xf32>
    %add3A_20 = arith.addf %mul3A, %add3A_19 : vector<320x128xf32>
    %gt3A = arith.constant 0.000000e+00 : f32
    %gt3A_21 = vector.broadcast %gt3A : f32 to vector<320x128xf32>
    %gt3A_22 = arith.cmpf ogt, %add3A_20, %gt3A_21 : vector<320x128xf32>
    %exp3A = math.exp %add3A_20 : vector<320x128xf32>
    %sub3A = arith.constant 1.000000e+00 : f32
    %sub3A_23 = vector.broadcast %sub3A : f32 to vector<320x128xf32>
    %sub3A_24 = arith.subf %exp3A, %sub3A_23 : vector<320x128xf32>
    %select_n3A = arith.select %gt3A_22, %add3A_20, %sub3A_24 : vector<320x128xi1>, vector<320x128xf32>
    %get3A_25 = arith.constant 0 : index
    %get3A_26 = arith.constant 0 : index
    %get3A_27 = vector.load %arg5[%get3A_25, %get3A_26] : memref<128x128xf32, #tpu.memory_space<vmem>>, vector<128x128xf32>
    %dot_general3A = arith.constant dense<0.000000e+00> : vector<320x128xf32>
    %dot_general3A_28 = tpu.matmul %select_n3A, %get3A_27, %dot_general3A {dimension_numbers = #tpu.dot_dimension_numbers<[1], [0], [0], [1], [0, 0, 1, 1], [], []>, precision = #tpu.contract_precision<fp32>, transpose_lhs_hint = false} : vector<320x128xf32>, vector<128x128xf32>, vector<320x128xf32> -> vector<320x128xf32>
    %mul3A_29 = arith.mulf %dot_general3A_28, %get3A_1 : vector<320x128xf32>
    %swap3A = arith.constant 0 : index
    %swap3A_30 = arith.constant 0 : index
    %swap3A_31 = vector.load %arg6[%swap3A, %swap3A_30] : memref<320x128xf32, #tpu.memory_space<vmem>>, vector<320x128xf32>
    tpu.vector_store %arg6[%swap3A, %swap3A_30], %mul3A_29 {strides = array<i32>} : memref<320x128xf32, #tpu.memory_space<vmem>>, vector<320x128xf32>,
    return
  }
  func.func @transform_0(%arg0: i32) -> (i32, i32, i32) {
    %c0_i32 = arith.constant 0 : i32
    %c0_i32_0 = arith.constant 0 : i32
    %c0_i32_1 = arith.constant 0 : i32
    return %c0_i32, %arg0, %c0_i32_0 : i32, i32, i32
  }
  func.func @transform_1(%arg0: i32) -> (i32, i32) {
    %c0_i32 = arith.constant 0 : i32
    %c0_i32_0 = arith.constant 0 : i32
    return %arg0, %c0_i32 : i32, i32
  }
  func.func @transform_2(%arg0: i32) -> (i32, i32) {
    %c0_i32 = arith.constant 0 : i32
    %c0_i32_0 = arith.constant 0 : i32
    return %arg0, %c0_i32 : i32, i32
  }
  func.func @transform_3(%arg0: i32) -> (i32, i32) {
    %c0_i32 = arith.constant 0 : i32
    %c0_i32_0 = arith.constant 0 : i32
    %c0_i32_1 = arith.constant 0 : i32
    return %c0_i32, %c0_i32_0 : i32, i32
  }
  func.func @transform_4(%arg0: i32) -> (i32, i32) {
    %c0_i32 = arith.constant 0 : i32
    %c0_i32_0 = arith.constant 0 : i32
    %c0_i32_1 = arith.constant 0 : i32
    return %c0_i32, %c0_i32_0 : i32, i32
  }
  func.func @transform_5(%arg0: i32) -> (i32, i32) {
    %c0_i32 = arith.constant 0 : i32
    %c0_i32_0 = arith.constant 0 : i32
    return %arg0, %c0_i32 : i32, i32
  }
}

module attributes {stable_mosaic.version = 14 : i64} {
  func.func @_tc_stage_out(%arg0: i32, %arg1: memref<2x320x128xf32, #tpu.memory_space<vmem>>, %arg2: memref<320x128xf32, #tpu.memory_space<vmem>>, %arg3: memref<320x128xf32, #tpu.memory_space<vmem>>, %arg4: memref<1x128xf32, #tpu.memory_space<vmem>>, %arg5: memref<320x128xf32, #tpu.memory_space<vmem>>) attributes {dimension_semantics = [#tpu.dimension_semantics<arbitrary>], iteration_bounds = array<i64: 8>, scalar_prefetch = 0 : i64, scratch_operands = 0 : i64, tpu.core_type = #tpu.core_type<tc>, window_params = [{transform_indices = @transform_0, window_bounds = array<i64: 2, 320, 128>}, {transform_indices = @transform_1, window_bounds = array<i64: 320, 128>}, {transform_indices = @transform_2, window_bounds = array<i64: 320, 128>}, {pipeline_mode = #tpu.pipeline_mode<synchronous>, transform_indices = @transform_3, window_bounds = array<i64: 1, 128>}, {transform_indices = @transform_4, window_bounds = array<i64: 320, 128>}]} {
    %get3A = arith.constant 0 : index
    %get3A_0 = arith.constant 0 : index
    %get3A_1 = arith.constant 0 : index
    %get3A_2 = vector.load %arg1[%get3A, %get3A_0, %get3A_1] : memref<2x320x128xf32, #tpu.memory_space<vmem>>, vector<1x320x128xf32>
    %get3A_3 = vector.shape_cast %get3A_2 : vector<1x320x128xf32> to vector<320x128xf32>
    %get3A_4 = arith.constant 1 : index
    %get3A_5 = arith.constant 0 : index
    %get3A_6 = arith.constant 0 : index
    %get3A_7 = vector.load %arg1[%get3A_4, %get3A_5, %get3A_6] : memref<2x320x128xf32, #tpu.memory_space<vmem>>, vector<1x320x128xf32>
    %get3A_8 = vector.shape_cast %get3A_7 : vector<1x320x128xf32> to vector<320x128xf32>
    %add3A = arith.addf %get3A_3, %get3A_8 : vector<320x128xf32>
    %get3A_9 = arith.constant 0 : index
    %get3A_10 = arith.constant 0 : index
    %get3A_11 = vector.load %arg2[%get3A_9, %get3A_10] : memref<320x128xf32, #tpu.memory_space<vmem>>, vector<320x128xf32>
    %add3A_12 = arith.addf %add3A, %get3A_11 : vector<320x128xf32>
    %get3A_13 = arith.constant 0 : index
    %get3A_14 = arith.constant 0 : index
    %get3A_15 = vector.load %arg3[%get3A_13, %get3A_14] : memref<320x128xf32, #tpu.memory_space<vmem>>, vector<320x128xf32>
    %mul3A = arith.mulf %get3A_15, %add3A_12 : vector<320x128xf32>
    %get3A_16 = arith.constant 0 : index
    %get3A_17 = arith.constant 0 : index
    %get3A_18 = vector.load %arg4[%get3A_16, %get3A_17] : memref<1x128xf32, #tpu.memory_space<vmem>>, vector<1x128xf32>
    %add3A_19 = vector.broadcast %get3A_18 : vector<1x128xf32> to vector<320x128xf32>
    %add3A_20 = arith.addf %mul3A, %add3A_19 : vector<320x128xf32>
    %swap3A = arith.constant 0 : index
    %swap3A_21 = arith.constant 0 : index
    %swap3A_22 = vector.load %arg5[%swap3A, %swap3A_21] : memref<320x128xf32, #tpu.memory_space<vmem>>, vector<320x128xf32>
    tpu.vector_store %arg5[%swap3A, %swap3A_21], %add3A_20 {strides = array<i32>} : memref<320x128xf32, #tpu.memory_space<vmem>>, vector<320x128xf32>,
    return
  }
  func.func @transform_0(%arg0: i32) -> (i32, i32, i32) {
    %c0_i32 = arith.constant 0 : i32
    %c0_i32_0 = arith.constant 0 : i32
    %c0_i32_1 = arith.constant 0 : i32
    return %c0_i32, %arg0, %c0_i32_0 : i32, i32, i32
  }
  func.func @transform_1(%arg0: i32) -> (i32, i32) {
    %c0_i32 = arith.constant 0 : i32
    %c0_i32_0 = arith.constant 0 : i32
    return %arg0, %c0_i32 : i32, i32
  }
  func.func @transform_2(%arg0: i32) -> (i32, i32) {
    %c0_i32 = arith.constant 0 : i32
    %c0_i32_0 = arith.constant 0 : i32
    return %arg0, %c0_i32 : i32, i32
  }
  func.func @transform_3(%arg0: i32) -> (i32, i32) {
    %c0_i32 = arith.constant 0 : i32
    %c0_i32_0 = arith.constant 0 : i32
    %c0_i32_1 = arith.constant 0 : i32
    return %c0_i32, %c0_i32_0 : i32, i32
  }
  func.func @transform_4(%arg0: i32) -> (i32, i32) {
    %c0_i32 = arith.constant 0 : i32
    %c0_i32_0 = arith.constant 0 : i32
    return %arg0, %c0_i32 : i32, i32
  }
}

</mosaic_0001>

<sc_bundles>
// kernel: kernel.10.cloned.1.call-start
scs
__scs_entry_jumppad:
0x0: {  	(pc) =	sbr.rel $0x88, $3  }
0x1: {  	(tag) =	ssettag $0x0;
	lr =	simm.s32 $0x1  }
0x2: {  	[smem:$0x3F99] =	sst lr;
	_ =	strace $0xD0000000  }
0x3: {  	_ = 	snop  }
0x4: {  	_ = 	snop  }
0x5: {  	_ = 	snop  }
0x6: {  	_ = 	snop  }
0x7: {  	_ = 	snop  }
__scs_overlays_trampoline_lowered:
0x8: {  	[smem:$0x3FA8] =	sst s0  }
0x9: {  	[smem:$0x3FA9] =	sst s1  }
0xa: {  	[smem:$0x3FAA] =	sst s2  }
0xb: {  	[smem:$0x3FAB] =	sst s3  }
0xc: {  	[smem:$0x3FAC] =	sst s4  }
0xd: {  	[smem:$0x3FAD] =	sst s5  }
0xe: {  	[smem:$0x3FAE] =	sst s6  }
0xf: {  	[smem:$0x3FAF] =	sst s7  }
0x10: {  	[smem:$0x3FB0] =	sst s8  }
0x11: {  	[smem:$0x3FB1] =	sst s9;
	s0 =	simm.s32 @!p0 $0x0  }
0x12: {  	s1 =	sld [smem:$0x3F97];
	s0 =	simm.s32 @p0 $0x1  }
0x13: {  	[smem:$0x3FB2] =	sst s0;
	s0 =	simm.s32 @!p1 $0x0  }
0x14: {  	s2 =	sld [smem:$0x3F96];
	s0 =	simm.s32 @p1 $0x1  }
0x15: {  	[smem:$0x3FB3] =	sst s0;
	s0 =	simm.s32 @!p2 $0x0  }
0x16: {  	s3 =	sld [smem:$0x3FDB];
	s0 =	simm.s32 @p2 $0x1  }
0x17: {  	s4 =	simm.s32 $0x1BF5;
	[smem:$0x3FB5] =	sst s0  }
0x18: {  	s0 =	sld [smem:$0x3F98];
	_ =	swait.ge [sflag:s4], $0x0  }
0x19: {  	s7 =	sld [smem:$0x3F99]  }
0x1a: {  	s8 =	sadd.s32 $0xFFFFE003, lr  }
0x1b: {  	s9 =	sadd.s32 $0xFFFFFEF7, lr;
	s5 =	simm.s32 $0xFFFFFFFF;
	p2 =	slt.u32 s8, $0xFFFFF086  }
0x1c: {  	p1 =	slt.u32 s9, $0xF7A;
	s5 =	simm.s32 @!p2 $0x0  }
0x1d: {  	s5 =	simm.s32 @p1 $0x1;
	p0 =	seq.s32 s7, s2  }
0x1e: {  	s7 =	smul.u32 @!p0 $0xF7A, s2;
	p2 =	seq.s32 @!p0 s5, $0x0  }
0x1f: {  	s9 =	smul.u32 $0xF7A, s1;
	s8 =	simm.s32 @!p0 $0x1BF5;
	p2 =	por !p2, p0  }
0x20: {  	[sflag:s8] =	ssyncset.s32 @!p0 $0xFFFFF086;
	s6 =	sadd.s32 @!p0 s3, s7;
	s7 =	simm.s32 @!p0 $0x108  }
0x21: {  	s3 =	sadd.s32 s3, s9;
	s6 =	sadd.s32 @!p0 $0x88, s6;
	s7 =	simm.s32 @p2 $0x1082  }
0x22: {  	[simem:s7], [sflag:s8] =	dma.local @!p0 [hbm:s6], $0xF7A  }
0x23: {  	s9 =	sor.u32 $0xD0000000, s2;
	s6 =	simm.s32 $0x108;
	_ =	swait.ge @!p0 [sflag:s8], $0x0  }
0x24: {  	s3 =	sadd.s32 $0x88, s3;
	s6 =	simm.s32 @!p1 $0x1082;
	[sflag:s4] =	ssyncset.s32 $0xFFFFF086  }
0x25: {  	[simem:s6], [sflag:s4] =	dma.local [hbm:s3], $0xF7A  }
0x26: {  	[smem:$0x3F99] =	sst s1;
	(tag) =	ssettag s2;
	_ =	strace s9  }
0x27: {  	s1 =	sld [smem:$0x3FA9]  }
0x28: {  	s2 =	sld [smem:$0x3FAA]  }
0x29: {  	s4 =	sld [smem:$0x3FAC]  }
0x2a: {  	p0 =	seq.s32 s5, $0x0;
	s5 =	sld [smem:$0x3FAD]  }
0x2b: {  	s6 =	sld [smem:$0x3FAE]  }
0x2c: {  	s7 =	sld [smem:$0x3FAF]  }
0x2d: {  	s3 =	simm.s32 $0x108;
	s8 =	sld [smem:$0x3FB0]  }
0x2e: {  	s3 =	simm.s32 @!p0 $0x1082;
	s9 =	sld [smem:$0x3FB1]  }
0x2f: {  	lr =	sadd.s32 s0, s3;
	s0 =	sld [smem:$0x3FA8]  }
0x30: {  	s3 =	sld [smem:$0x3FAB]  }
0x31: {  	[smem:$0x3FB4] =	sst s10  }
0x32: {  	s10 =	sld [smem:$0x3FB2];
	_ =	sdelay $0x3  }
0x33: {  	p0 =	seq.s32 s10, $0x1;
	s10 =	sld [smem:$0x3FB4];
	_ =	sdelay $0x3  }
0x34: {  	[smem:$0x3FB4] =	sst s10  }
0x35: {  	s10 =	sld [smem:$0x3FB3];
	_ =	sdelay $0x3  }
0x36: {  	p1 =	seq.s32 s10, $0x1;
	s10 =	sld [smem:$0x3FB4];
	_ =	sdelay $0x3  }
0x37: {  	[smem:$0x3FB4] =	sst s10  }
0x38: {  	s10 =	sld [smem:$0x3FB5]  }
0x39: {  	_ = 	snop;
	(pc) =	sbr.ind lr, $3  }
0x3a: {  	_ = 	snop  }
0x3b: {  	_ = 	snop  }
0x3c: {  	p2 =	seq.s32 s10, $0x1;
	s10 =	sld [smem:$0x3FB4]  }
0x3d: {  	_ =	shalt  }
0x3e: {  	_ =	shalt  }
0x3f: {  	_ =	shalt  }
0x40: {  	_ =	shalt  }
0x41: {  	_ =	shalt  }
0x42: {  	_ =	shalt  }
0x43: {  	_ =	shalt  }
0x44: {  	_ =	shalt  }
0x45: {  	_ =	shalt  }
0x46: {  	_ =	shalt  }
0x47: {  	_ =	shalt  }
0x48: {  	_ =	shalt  }
0x49: {  	_ =	shalt  }
0x4a: {  	_ =	shalt  }
0x4b: {  	_ =	shalt  }
0x4c: {  	_ =	shalt  }
0x4d: {  	_ =	shalt  }
0x4e: {  	_ =	shalt  }
0x4f: {  	_ =	shalt  }
0x50: {  	_ =	shalt  }
0x51: {  	_ =	shalt  }
0x52: {  	_ =	shalt  }
0x53: {  	_ =	shalt  }
0x54: {  	_ =	shalt  }
0x55: {  	_ =	shalt  }
0x56: {  	_ =	shalt  }
0x57: {  	_ =	shalt  }
0x58: {  	_ =	shalt  }
0x59: {  	_ =	shalt  }
0x5a: {  	_ =	shalt  }
0x5b: {  	_ =	shalt  }
0x5c: {  	_ =	shalt  }
0x5d: {  	_ =	shalt  }
0x5e: {  	_ =	shalt  }
0x5f: {  	_ =	shalt  }
0x60: {  	_ =	shalt  }
0x61: {  	_ =	shalt  }
0x62: {  	_ =	shalt  }
0x63: {  	_ =	shalt  }
0x64: {  	_ =	shalt  }
0x65: {  	_ =	shalt  }
0x66: {  	_ =	shalt  }
0x67: {  	_ =	shalt  }
0x68: {  	_ =	shalt  }
0x69: {  	_ =	shalt  }
0x6a: {  	_ =	shalt  }
0x6b: {  	_ =	shalt  }
0x6c: {  	_ =	shalt  }
0x6d: {  	_ =	shalt  }
0x6e: {  	_ =	shalt  }
0x6f: {  	_ =	shalt  }
0x70: {  	_ =	shalt  }
0x71: {  	_ =	shalt  }
0x72: {  	_ =	shalt  }
0x73: {  	_ =	shalt  }
0x74: {  	_ =	shalt  }
0x75: {  	_ =	shalt  }
0x76: {  	_ =	shalt  }
0x77: {  	_ =	shalt  }
0x78: {  	_ =	shalt  }
0x79: {  	_ =	shalt  }
0x7a: {  	_ =	shalt  }
0x7b: {  	_ =	shalt  }
0x7c: {  	_ =	shalt  }
0x7d: {  	_ =	shalt  }
0x7e: {  	_ =	shalt  }
0x7f: {  	_ =	shalt  }
0x80: {  	_ =	shalt  }
0x81: {  	_ =	shalt  }
0x82: {  	_ =	shalt  }
0x83: {  	_ =	shalt  }
0x84: {  	_ =	shalt  }
0x85: {  	_ =	shalt  }
0x86: {  	_ =	shalt  }
0x87: {  	_ =	shalt  }
.Lfunc_end0:
.L_simem_size_0:
called_computation_lowered:
.L_overlay_start_0:
0x88: {  	s2 =	sld [smem:$0x3FD9]  }
0x89: {  	s3 =	sld [smem:$0x3FFE];
	_ =	sdelay $0x1  }
0x8a: {  	s1 =	srdreg.scid  }
0x8b: {  	s0 =	sand.u32 $0x1, s1  }
0x8c: {  	s17 =	sshll.u32 s0, $0xA;
	s2 =	sadd.s32 s3, s2  }
0x8d: {  	s2 =	sadd.s32 s2, s17  }
0x8e: {  	[smem:$0x3FC0] =	sst s2  }
0x8f: {  	_ = 	snop  }
0x90: {  	s2 =	sld [smem:$0x3FD0];
	(tm) =	ssettm $0x1  }
0x91: {  	s18 =	sld [smem:$0x3FFB];
	_ =	sdelay $0x3  }
0x92: {  	_ =	strace s18  }
0x93: {  	s3 =	sld [smem:$0x3FFC];
	_ =	sdelay $0x3  }
0x94: {  	_ =	strace s3  }
0x95: {  	s3 =	sld [smem:$0x3FFD];
	_ =	sdelay $0x3  }
0x96: {  	_ =	strace s3  }
0x97: {  	_ =	strace $0x8FFFFFFF  }
0x98: {  	s19 =	sld [smem:$0x3FDB];
	_ =	sdelay $0x1  }
0x99: {  	s4 =	simm.s32 $_scs_section_size  }
0x9a: {  	s5 =	simm.s32 $_size__tile_overlayer_lowered;
	s6 =	simm.s32 $_tile_overlayer_lowered  }
0x9b: {  	s22 =	simm.s32 $0x1BFF;
	s21 =	sshll.u32 s6, $0x1;
	s3 =	sadd.s32 s4, s19  }
0x9c: {  	s7 =	simm.s32 $0x0;
	s20 =	sshll.u32 s5, $0x1;
	s5 =	sadd.s32 s21, s3  }
0x9d: {  	[timem:s7], [sflag:s22] =	dma.local [hbm:s5], s20  }
0x9e: {  	_ =	swait.ge [sflag:s22], s20  }
0x9f: {  	s4 =	ssub.s32 $0x0, s20;
	[sflag:s22] =	ssyncset.done $0x0  }
0xa0: {  	[sflag:s22] =	ssyncadd.s32 s4;
	_ =	sdelay $0x1  }
0xa1: {  	s23 =	simm.s32 $0x1B8B  }
0xa2: {  	_ =	swait.ge [sflag:s23], $0x1  }
0xa3: {  	[sflag:s23] =	ssyncset.done $0x0  }
0xa4: {  	s25 =	simm.s32 $0x1B8E;
	s24 =	sld [smem:$0x3FFE];
	[sflag:s23] =	ssyncadd.s32 $0xFFFFFFFF  }
0xa5: {  	s26 =	simm.s32 $execute0_lowered;
	[smem:$0x3FD2] =	sst s25  }
0xa6: {  	s5 =	sshll.u32 s26, $0x1;
	_ =	strace $0x80000046;
	[dreg:$0x1] =	wrdreg $0xFFFFFFFF  }
0xa7: {  	s28 =	simm.s32 $_size_execute0_lowered;
	s3 =	sadd.s32 s3, s5;
	[dreg:$0x0] =	wrdreg $0x0  }
0xa8: {  	s5 =	sshll.u32 s28, $0x1;
	[dreg:$0x2] =	wrdreg s3  }
0xa9: {  	[dreg:$0x3] =	wrdreg s5  }
0xaa: {  	[dreg:$0x4] =	wrdreg $0xC0  }
0xab: {  	_ =	task [dreg:s7], $0x5FFFF  }
0xac: {  	[dreg:$0x1] =	wrdreg $0xFFFFFFFF  }
0xad: {  	[dreg:$0x0] =	wrdreg $0x60  }
0xae: {  	[dreg:$0x2] =	wrdreg s24  }
0xaf: {  	[dreg:$0x3] =	wrdreg s2  }
0xb0: {  	[dreg:$0x4] =	wrdreg $0x90000  }
0xb1: {  	[dreg:$0x5] =	wrdreg $0x9  }
0xb2: {  	_ =	task.clear_ibuf [dreg:s7], $0x6FFFF;
	_ =	strace $0x90000046  }
0xb3: {  	s29 =	simm.s32 $0x9;
	_ =	strace $0x80000048  }
0xb4: {  	_ =	swait.ge [sflag:s29], $0x1  }
0xb5: {  	[sflag:s29] =	ssyncadd.s32 $0xFFFFFFFF  }
0xb6: {  	_ =	strace $0x90000048  }
0xb7: {  	_ =	sfence  }
0xb8: {  	s30 =	sld [smem:$0x0];
	_ =	sdelay $0x2  }
0xb9: {  	s31 =	sshll.u32 s1, $0xD;
	s1 =	sshrl.u32 s1, $0x2  }
0xba: {  	s3 =	sand.u32 $0x4000, s31;
	s1 =	sadd.s32 s1, s30  }
0xbb: {  	s0 =	sor.u32 s3, s0;
	s1 =	sshll.u32 s1, $0x11  }
0xbc: {  	s0 =	sor.u32 s1, s0  }
0xbd: {  	s0 =	sadd.s32 $0x8F2B, s0  }
0xbe: {  	[sflag:s0] =	ssyncadd.remote.s32 $0x1  }
0xbf: {  	_ =	sfence.sel $0xFFFF  }
0xc0: {  	[dreg:$0x0] =	wrdreg $0xFFFFFFFF;
	(pc) =	sbr.abs _section_cstart, $3  }
0xc1: {  	[dreg:$0x1] =	wrdreg $0xFFFFFFFF  }
0xc2: {  	_ =	task.clear_ibuf [dreg:s7], $0x2FFFF;
	_ =	strace $0x9FFFFFFF  }
0xc3: {  	(tm) =	ssettm $0x7FFFFFFF  }
tec
execute0_lowered:
.L_overlay_start_1:
0x0: {  	(tag) =	ssettag $0x1  }
0x1: {  	s8 =	rddreg [dreg:$0x0]  }
0x2: {  	s6 =	rddreg [dreg:$0x1]  }
0x3: {  	s1 =	rddreg [dreg:$0x2]  }
0x4: {  	s2 =	srdreg.scid;
	s0 =	rddreg [dreg:$0x3];
	s3 =	simm.s32 $0x0  }
0x5: {  	s14 =	simm.s32 $0x80;
	s15 =	simm.s32 $0x1;
	s16 =	simm.s32 $0x2  }
0x6: {  	s17 =	simm.s32 $0x4;
	s18 =	simm.s32 $0x5;
	s19 =	simm.s32 $0x6  }
0x7: {  	s20 =	simm.s32 $0x2C00;
	s21 =	simm.s32 $0x4000;
	s5 =	sand.u32 $0x1, s2  }
0x8: {  	s22 =	simm.s32 $0x0;
	s2 =	stileid.u32;
	s7 =	smul.u32 $0x50000, s5  }
0x9: {  	[smem:$0x7FF] =	sst s3;
	s4 =	sadd.s32 $0x17C00, s8;
	s9 =	smul.u32 $0x5000, s2  }
0xa: {  	_ =	strace $0x80000047;
	s26 =	sshll.u32 s2, $0x1;
	s10 =	ssub.s32 $0x2, s5  }
0xb: {  	s11 =	smul.u32 $0x1400, s2;
	s30 =	sshll.u32 s2, $0x6;
	s5 =	sor.u32 s5, s26  }
0xc: {  	s28 =	sshrl.u32 s10, $0x1;
	s7 =	sadd.s32 s9, s7;
	s12 =	smul.u32 $0x2800, s5  }
0xd: {  	s10 =	ssub.s32 s10, s28;
	s5 =	sadd.s32 s11, s1;
	s29 =	sshrl.u32 s11, $0x3  }
0xe: {  	s7 =	sshrl.u32 s7, $0x3;
	s6 =	sadd.s32 s6, s29;
	s10 =	smax.u32 s10, $0x1  }
0xf: {  	s11 =	sshrl.u32 s5, $0x3;
	s13 =	sadd.s32 s7, s8;
	s31 =	sshrl.u32 s12, $0x3  }
0x10: {  	s7 =	sor.u32 $0x1C07, s30;
	s12 =	simm.s32 $0x7;
	s8 =	sadd.s32 s8, s31  }
0x11: {  	s9 =	sadd.s32 $0x17E00, s13;
	s13 =	simm.s32 $0x2800;
	s8 =	sadd.s32 $0xDC00, s8  }
.LBB2_1:
0x12: {  	[spmem:s11], [sflag:s7] =	dma.local [hbm:s6], $0x280  }
0x13: {  	_ =	swait.ge [sflag:s12], $0x280  }
0x14: {  	p0 =	por $0x1, $0x1;
	[sflag:s12] =	ssyncset.done $0x0  }
0x15: {  	s23 =	smul.u32 @!p0 $0xAB, s3;
	[sflag:s12] =	ssyncadd.s32 $0xFFFFFD80  }
0x16: {  	[tilespmem:s13], [sflag:$0x7] =	stream.linear.gather [hbm4b:s4+s3], $0x400, $0x38;
	[tilespmem:$0xA400] =	vst v63  }
0x17: {  	s23 =	sshrl.u32 @!p0 s23, $0xA;
	_ =	swait.ge [sflag:s12], $0x400  }
0x18: {  	s23 =	sand.u32 @!p0 $0x3F, s23;
	[sflag:s12] =	ssyncset.done $0x0  }
0x19: {  	s23 =	smul.u32 @!p0 $0x6, s23;
	[sflag:s12] =	ssyncadd.s32 $0xFFFFFC00  }
0x1a: {  	[tilespmem:s3], [sflag:$0x7] =	stream.linear.gather [hbm4b:s8+s3], $0x2800, $0x38;
	[tilespmem:$0xA400] =	vst v63  }
0x1b: {  	p1 =	por p0, p0;
	p0 =	por $0x1, $0x1;
	_ =	swait.ge [sflag:s12], $0x2800  }
0x1c: {  	s24 =	ssub.s32 @!p1 $0x0, s23;
	s23 =	simm.s32 $0x1;
	[sflag:s12] =	ssyncset.done $0x0  }
0x1d: {  	s24 =	sand.u32 @!p1 $0xFF, s24;
	s26 =	smul.u32 @!p0 $0xAB, s23;
	[sflag:s12] =	ssyncadd.s32 $0xFFFFD800  }
0x1e: {  	s25 =	simm.s32 $0x2;
	s28 =	sadd.s32 @!p1 $0x1, s24;
	[bflag:$0x0] =	sbarrier.arrive $0xFFFF  }
0x1f: {  	s24 =	smov.u32 @p1 s3;
	s26 =	sshrl.u32 @!p0 s26, $0xA;
	_ =	swait.ge @!p1 [sflag:s28], $0x400  }
0x20: {  	s29 =	sand.u32 @!p0 $0x3F, s26;
	s26 =	simm.s32 $0x0;
	[sflag:s28] =	ssyncset.done @!p1 $0x0  }
0x21: {  	[sflag:s28] =	ssyncadd.s32 @!p1 $0xFFFFFC00;
	s28 =	sadd.s32 $0x1, s24;
	s24 =	simm.s32 $0x0  }
.LBB2_2:
0x22: {  	s29 =	smul.u32 @!p0 $0x6, s29;
	s24 =	sadd.s32 $0x80, s24  }
0x23: {  	s30 =	smov.u32 s25;
	s25 =	sadd.s32 $0x1, s25;
	p1 =	por p0, p0  }
0x24: {  	[spmem:s1] =	stream.indirect.scatter.add.f32 [tilespmem:s13], [sflag:s28], $0x8, s26, s14, $0xb8;
	[tilespmem:$0xA400] =	vst v63  }
0x25: {  	p2 =	sne.s32 s25, $0x50;
	s26 =	smov.u32 s24;
	s28 =	ssub.s32 @!p1 s23, s29  }
.Ltmp0:
0x26: {  	p0 =	slt.u32 s30, $0x6;
	s28 =	sand.u32 @!p1 $0xFF, s28;
	(pc) =	sbr.rel @p2 .LBB2_2-.Ltmp0, $4  }
0x27: {  	s29 =	smul.u32 @!p0 $0xAB, s30;
	s31 =	sadd.s32 @!p1 $0x1, s28;
	s28 =	smov.u32 @p1 s23  }
0x28: {  	s23 =	smov.u32 s30;
	_ =	swait.ge @!p1 [sflag:s31], $0x400  }
0x29: {  	s29 =	sshrl.u32 @!p0 s29, $0xA;
	[sflag:s31] =	ssyncset.done @!p1 $0x0  }
0x2a: {  	s29 =	sand.u32 @!p0 $0x3F, s29;
	s28 =	sadd.s32 $0x1, s28;
	[sflag:s31] =	ssyncadd.s32 @!p1 $0xFFFFFC00  }
0x2b: {  	s25 =	smul.u32 @!p0 $0x6, s29;
	p0 =	por p0, p0  }
0x2c: {  	[spmem:s1] =	stream.indirect.scatter.add.f32 [tilespmem:s13], [sflag:s28], $0x8, s26, s14, $0xb8;
	[tilespmem:$0xA400] =	vst v63  }
0x2d: {  	s25 =	ssub.s32 @!p0 s23, s25  }
0x2e: {  	s25 =	sand.u32 @!p0 $0xFF, s25  }
0x2f: {  	s26 =	sadd.s32 @!p0 $0x1, s25  }
0x30: {  	_ =	swait.ge @!p0 [sflag:s26], $0x400  }
0x31: {  	s25 =	smov.u32 @p0 s23;
	[sflag:s26] =	ssyncset.done @!p0 $0x0  }
0x32: {  	s24 =	sadd.s32 $0x80, s24;
	s25 =	sadd.s32 $0x1, s25;
	[sflag:s26] =	ssyncadd.s32 @!p0 $0xFFFFFC00  }
0x33: {  	[spmem:s1] =	stream.indirect.scatter.add.f32 [tilespmem:s13], [sflag:s25], $0x8, s24, s14, $0xb8;
	[tilespmem:$0xA400] =	vst v63  }
0x34: {  	_ =	swait.ge [sflag:s15], $0x400  }
0x35: {  	[sflag:s15] =	ssyncset.done $0x0  }
0x36: {  	[sflag:s15] =	ssyncadd.s32 $0xFFFFFC00  }
0x37: {  	_ =	swait.ge [sflag:s16], $0x400  }
0x38: {  	[sflag:s16] =	ssyncset.done $0x0  }
0x39: {  	s26 =	simm.s32 $0x3;
	[sflag:s16] =	ssyncadd.s32 $0xFFFFFC00  }
0x3a: {  	_ =	swait.ge [sflag:s26], $0x400  }
0x3b: {  	[sflag:s26] =	ssyncset.done $0x0  }
0x3c: {  	[sflag:s26] =	ssyncadd.s32 $0xFFFFFC00  }
0x3d: {  	_ =	swait.ge [sflag:s17], $0x400  }
0x3e: {  	[sflag:s17] =	ssyncset.done $0x0  }
0x3f: {  	[sflag:s17] =	ssyncadd.s32 $0xFFFFFC00  }
0x40: {  	_ =	swait.ge [sflag:s18], $0x400  }
0x41: {  	[sflag:s18] =	ssyncset.done $0x0  }
0x42: {  	[sflag:s18] =	ssyncadd.s32 $0xFFFFFC00  }
0x43: {  	_ =	swait.ge [sflag:s19], $0x400  }
0x44: {  	[sflag:s19] =	ssyncset.done $0x0  }
0x45: {  	s28 =	simm.s32 $0x0;
	[sflag:s19] =	ssyncadd.s32 $0xFFFFFC00  }
0x46: {  	v0 =	vmov s28;
	[bflag:$0x0] =	sbarrier.arrive $0xFFFF  }
0x47: {  	[tilespmem:s20], [sflag:$0x7] =	stream.linear.gather [spmem:s5], $0x1400, $0x38;
	[tilespmem:$0xA400] =	vst v63  }
0x48: {  	_ =	swait.ge [sflag:s12], $0x1400  }
0x49: {  	[sflag:s12] =	ssyncset.done $0x0  }
0x4a: {  	[sflag:s12] =	ssyncadd.s32 $0xFFFFEC00  }
0x4b: {  	v1 =	vld.idx.msk [tilespmem:v0+s20+$0x0], $0xffff;
	_ =	sdelay $0x3  }
0x4c: {  	s23 =	simm.s32 $0x4040  }
0x4d: {  	[tilespmem:s23+$0xFFFFFFC0] =	vst v1  }
0x4e: {  	s29 =	simm.s32 $0x8;
	v0 =	vld.idx.msk [tilespmem:v0+s20+$0x0], $0xffff  }
0x4f: {  	v1 =	vmov s29;
	_ =	sdelay $0x3  }
0x50: {  	[tilespmem:s23+$0xFFFFFFD0] =	vst v0  }
0x51: {  	v0 =	vld.idx.msk [tilespmem:v1+s20+$0x0], $0xffff;
	_ =	sdelay $0x4  }
0x52: {  	[tilespmem:s23+$0xFFFFFFE0] =	vst v0  }
0x53: {  	s30 =	simm.s32 $0x10;
	v0 =	vld.idx.msk [tilespmem:v1+s20+$0x0], $0xffff  }
0x54: {  	v1 =	vmov s30;
	_ =	sdelay $0x3  }
0x55: {  	[tilespmem:s23+$0xFFFFFFF0] =	vst v0  }
0x56: {  	v0 =	vld.idx.msk [tilespmem:v1+s20+$0x0], $0xffff;
	_ =	sdelay $0x4  }
0x57: {  	[tilespmem:s23+$0x0] =	vst v0  }
0x58: {  	s31 =	simm.s32 $0x18;
	v0 =	vld.idx.msk [tilespmem:v1+s20+$0x0], $0xffff  }
0x59: {  	v1 =	vmov s31;
	_ =	sdelay $0x3  }
0x5a: {  	[tilespmem:s23+$0x10] =	vst v0  }
0x5b: {  	v0 =	vld.idx.msk [tilespmem:v1+s20+$0x0], $0xffff;
	_ =	sdelay $0x4  }
0x5c: {  	[tilespmem:s23+$0x20] =	vst v0  }
0x5d: {  	s24 =	simm.s32 $0x38;
	s25 =	simm.s32 $0xB;
	v0 =	vld.idx.msk [tilespmem:v1+s20+$0x0], $0xffff  }
.LBB2_4:
0x5e: {  	p0 =	sne.s32 s25, $0x27F;
	s26 =	sadd.s32 $0xFFFFFFE8, s24  }
0x5f: {  	v1 =	vmov s26;
	_ =	sdelay $0x3  }
0x60: {  	[tilespmem:s23+$0x30] =	vst v0  }
0x61: {  	v0 =	vld.idx.msk [tilespmem:v1+s20+$0x0], $0xffff;
	_ =	sdelay $0x4  }
0x62: {  	s23 =	sadd.s32 $0x80, s23  }
0x63: {  	[tilespmem:s23+$0xFFFFFFC0] =	vst v0  }
0x64: {  	v0 =	vld.idx.msk [tilespmem:v1+s20+$0x0], $0xffff  }
0x65: {  	s26 =	sadd.s32 $0xFFFFFFF0, s24  }
0x66: {  	v1 =	vmov s26;
	_ =	sdelay $0x3  }
0x67: {  	[tilespmem:s23+$0xFFFFFFD0] =	vst v0  }
0x68: {  	v0 =	vld.idx.msk [tilespmem:v1+s20+$0x0], $0xffff;
	_ =	sdelay $0x5  }
0x69: {  	[tilespmem:s23+$0xFFFFFFE0] =	vst v0  }
0x6a: {  	v0 =	vld.idx.msk [tilespmem:v1+s20+$0x0], $0xffff  }
0x6b: {  	s26 =	sadd.s32 $0xFFFFFFF8, s24  }
0x6c: {  	v1 =	vmov s26;
	_ =	sdelay $0x3  }
0x6d: {  	[tilespmem:s23+$0xFFFFFFF0] =	vst v0  }
0x6e: {  	v0 =	vld.idx.msk [tilespmem:v1+s20+$0x0], $0xffff;
	_ =	sdelay $0x5  }
0x6f: {  	[tilespmem:s23+$0x0] =	vst v0  }
0x70: {  	v0 =	vld.idx.msk [tilespmem:v1+s20+$0x0], $0xffff;
	_ =	sdelay $0x1  }
0x71: {  	v1 =	vmov s24;
	_ =	sdelay $0x3  }
0x72: {  	[tilespmem:s23+$0x10] =	vst v0  }
0x73: {  	v0 =	vld.idx.msk [tilespmem:v1+s20+$0x0], $0xffff;
	_ =	sdelay $0x2  }
.Ltmp1:
0x74: {  	(pc) =	sbr.rel @p0 .LBB2_4-.Ltmp1, $3  }
0x75: {  	_ =	sdelay $0x1  }
0x76: {  	[tilespmem:s23+$0x20] =	vst v0  }
0x77: {  	s24 =	sshll.u32 s25, $0x3;
	s25 =	sadd.s32 $0x4, s25;
	v0 =	vld.idx.msk [tilespmem:v1+s20+$0x0], $0xffff  }
0x78: {  	s25 =	sadd.s32 $0xFFFFFFE8, s24  }
0x79: {  	v1 =	vmov s25;
	_ =	sdelay $0x3  }
0x7a: {  	[tilespmem:s23+$0x30] =	vst v0  }
0x7b: {  	v0 =	vld.idx.msk [tilespmem:v1+s20+$0x0], $0xffff;
	_ =	sdelay $0x3  }
0x7c: {  	s29 =	sadd.s32 $0x80, s23  }
0x7d: {  	[tilespmem:s29+$0xFFFFFFC0] =	vst v0  }
0x7e: {  	s30 =	sadd.s32 $0xFFFFFFF0, s24;
	v0 =	vld.idx.msk [tilespmem:v1+s20+$0x0], $0xffff  }
0x7f: {  	v61 =	vmov s30;
	_ =	sdelay $0x3  }
0x80: {  	[tilespmem:s29+$0xFFFFFFD0] =	vst v0  }
0x81: {  	v0 =	vld.idx.msk [tilespmem:v61+s20+$0x0], $0xffff;
	_ =	sdelay $0x4  }
0x82: {  	[tilespmem:s29+$0xFFFFFFE0] =	vst v0  }
0x83: {  	s31 =	sadd.s32 $0xFFFFFFF8, s24;
	v0 =	vld.idx.msk [tilespmem:v61+s20+$0x0], $0xffff  }
0x84: {  	v62 =	vmov s31;
	_ =	sdelay $0x3  }
0x85: {  	[tilespmem:s29+$0xFFFFFFF0] =	vst v0  }
0x86: {  	v0 =	vld.idx.msk [tilespmem:v62+s20+$0x0], $0xffff;
	_ =	sdelay $0x4  }
0x87: {  	[tilespmem:s29+$0x0] =	vst v0  }
0x88: {  	v0 =	vld.idx.msk [tilespmem:v62+s20+$0x0], $0xffff  }
0x89: {  	v63 =	vmov s24;
	_ =	sdelay $0x3  }
0x8a: {  	[tilespmem:s29+$0x10] =	vst v0  }
0x8b: {  	v0 =	vld.idx.msk [tilespmem:v63+s20+$0x0], $0xffff;
	_ =	sdelay $0x4  }
0x8c: {  	[tilespmem:s29+$0x20] =	vst v0  }
0x8d: {  	v0 =	vld.idx.msk [tilespmem:v63+s20+$0x0], $0xffff;
	_ =	sdelay $0x2  }
0x8e: {  	s22 =	sadd.s32 $0x1, s22  }
0x8f: {  	p0 =	sne.s32 s22, s10  }
.Ltmp2:
0x90: {  	[tilespmem:s29+$0x30] =	vst v0;
	(pc) =	sbr.rel @p0 .LBB2_1-.Ltmp2, $4  }
0x91: {  	[hbm4b:s9+s3] =	stream.linear.scatter [tilespmem:s21], [sflag:$0x7], $0x5000, $0x38;
	[tilespmem:$0xA400] =	vst v63  }
0x92: {  	_ =	swait.ge [sflag:s12], $0x5000  }
0x93: {  	[sflag:s12] =	ssyncset.done $0x0  }
0x94: {  	[sflag:s12] =	ssyncadd.s32 $0xFFFFB000  }
0x95: {  	_ =	sfence.sel $0x180000  }
0x96: {  	[bflag:$0x0] =	sbarrier.arrive $0xFFFF  }
0x97: {  	p0 =	sne.s32 s2, $0x0;
	_ =	strace $0x90000047  }
0x98: {  	s0 =	sadd.s32 @!p0 $0x100000, s0;
	[bflag:$0x2] =	sbarrier.arrive $0xFFFF  }
0x99: {  	[sflag:s0] =	ssyncadd.tile.s32 @!p0 $0x1;
	_ =	shalt  }
.Lfunc_end2:
_tile_overlayer_lowered:
.L_overlay_start_2:
0x9a: {  	(tag) =	ssettag $0x2  }
0x9b: {  	s0 =	rddreg [dreg:$0x0];
	s2 =	stileid.u32  }
0x9c: {  	s1 =	rddreg [dreg:$0x1];
	p0 =	sne.s32 s2, $0x0  }
0x9d: {  	s3 =	rddreg [dreg:$0x2];
	[bflag:$0x3] =	sbarrier.arrive $0xFFFF;
	s2 =	simm.s32 @!p0 $0x1C07  }
0x9e: {  	[timem:s3], [sflag:s2] =	dma.local @!p0 [hbm:s0], s1  }
0x9f: {  	s0 =	simm.s32 @!p0 $0x7  }
0xa0: {  	_ =	swait.ge @!p0 [sflag:s0], s1  }
0xa1: {  	s1 =	ssub.s32 @!p0 $0x0, s1;
	[sflag:s0] =	ssyncset.done @!p0 $0x0  }
0xa2: {  	[sflag:s0] =	ssyncadd.s32 @!p0 s1  }
0xa3: {  	[bflag:$0x3] =	sbarrier.arrive $0xFFFF  }
0xa4: {  	_ =	shalt  }

// kernel: kernel.13.cloned.1.call-start
scs
__scs_entry_jumppad:
0x0: {  	(pc) =	sbr.rel $0x88, $3  }
0x1: {  	(tag) =	ssettag $0x0;
	lr =	simm.s32 $0x1  }
0x2: {  	[smem:$0x3F99] =	sst lr;
	_ =	strace $0xD0000000  }
0x3: {  	_ = 	snop  }
0x4: {  	_ = 	snop  }
0x5: {  	_ = 	snop  }
0x6: {  	_ = 	snop  }
0x7: {  	_ = 	snop  }
__scs_overlays_trampoline_lowered:
0x8: {  	[smem:$0x3FA8] =	sst s0  }
0x9: {  	[smem:$0x3FA9] =	sst s1  }
0xa: {  	[smem:$0x3FAA] =	sst s2  }
0xb: {  	[smem:$0x3FAB] =	sst s3  }
0xc: {  	[smem:$0x3FAC] =	sst s4  }
0xd: {  	[smem:$0x3FAD] =	sst s5  }
0xe: {  	[smem:$0x3FAE] =	sst s6  }
0xf: {  	[smem:$0x3FAF] =	sst s7  }
0x10: {  	[smem:$0x3FB0] =	sst s8  }
0x11: {  	[smem:$0x3FB1] =	sst s9;
	s0 =	simm.s32 @!p0 $0x0  }
0x12: {  	s1 =	sld [smem:$0x3F97];
	s0 =	simm.s32 @p0 $0x1  }
0x13: {  	[smem:$0x3FB2] =	sst s0;
	s0 =	simm.s32 @!p1 $0x0  }
0x14: {  	s2 =	sld [smem:$0x3F96];
	s0 =	simm.s32 @p1 $0x1  }
0x15: {  	[smem:$0x3FB3] =	sst s0;
	s0 =	simm.s32 @!p2 $0x0  }
0x16: {  	s3 =	sld [smem:$0x3FDB];
	s0 =	simm.s32 @p2 $0x1  }
0x17: {  	s4 =	simm.s32 $0x1BF5;
	[smem:$0x3FB5] =	sst s0  }
0x18: {  	s0 =	sld [smem:$0x3F98];
	_ =	swait.ge [sflag:s4], $0x0  }
0x19: {  	s7 =	sld [smem:$0x3F99]  }
0x1a: {  	s8 =	sadd.s32 $0xFFFFE003, lr  }
0x1b: {  	s9 =	sadd.s32 $0xFFFFFEF7, lr;
	s5 =	simm.s32 $0xFFFFFFFF;
	p2 =	slt.u32 s8, $0xFFFFF086  }
0x1c: {  	p1 =	slt.u32 s9, $0xF7A;
	s5 =	simm.s32 @!p2 $0x0  }
0x1d: {  	s5 =	simm.s32 @p1 $0x1;
	p0 =	seq.s32 s7, s2  }
0x1e: {  	s7 =	smul.u32 @!p0 $0xF7A, s2;
	p2 =	seq.s32 @!p0 s5, $0x0  }
0x1f: {  	s9 =	smul.u32 $0xF7A, s1;
	s8 =	simm.s32 @!p0 $0x1BF5;
	p2 =	por !p2, p0  }
0x20: {  	[sflag:s8] =	ssyncset.s32 @!p0 $0xFFFFF086;
	s6 =	sadd.s32 @!p0 s3, s7;
	s7 =	simm.s32 @!p0 $0x108  }
0x21: {  	s3 =	sadd.s32 s3, s9;
	s6 =	sadd.s32 @!p0 $0x88, s6;
	s7 =	simm.s32 @p2 $0x1082  }
0x22: {  	[simem:s7], [sflag:s8] =	dma.local @!p0 [hbm:s6], $0xF7A  }
0x23: {  	s9 =	sor.u32 $0xD0000000, s2;
	s6 =	simm.s32 $0x108;
	_ =	swait.ge @!p0 [sflag:s8], $0x0  }
0x24: {  	s3 =	sadd.s32 $0x88, s3;
	s6 =	simm.s32 @!p1 $0x1082;
	[sflag:s4] =	ssyncset.s32 $0xFFFFF086  }
0x25: {  	[simem:s6], [sflag:s4] =	dma.local [hbm:s3], $0xF7A  }
0x26: {  	[smem:$0x3F99] =	sst s1;
	(tag) =	ssettag s2;
	_ =	strace s9  }
0x27: {  	s1 =	sld [smem:$0x3FA9]  }
0x28: {  	s2 =	sld [smem:$0x3FAA]  }
0x29: {  	s4 =	sld [smem:$0x3FAC]  }
0x2a: {  	p0 =	seq.s32 s5, $0x0;
	s5 =	sld [smem:$0x3FAD]  }
0x2b: {  	s6 =	sld [smem:$0x3FAE]  }
0x2c: {  	s7 =	sld [smem:$0x3FAF]  }
0x2d: {  	s3 =	simm.s32 $0x108;
	s8 =	sld [smem:$0x3FB0]  }
0x2e: {  	s3 =	simm.s32 @!p0 $0x1082;
	s9 =	sld [smem:$0x3FB1]  }
0x2f: {  	lr =	sadd.s32 s0, s3;
	s0 =	sld [smem:$0x3FA8]  }
0x30: {  	s3 =	sld [smem:$0x3FAB]  }
0x31: {  	[smem:$0x3FB4] =	sst s10  }
0x32: {  	s10 =	sld [smem:$0x3FB2];
	_ =	sdelay $0x3  }
0x33: {  	p0 =	seq.s32 s10, $0x1;
	s10 =	sld [smem:$0x3FB4];
	_ =	sdelay $0x3  }
0x34: {  	[smem:$0x3FB4] =	sst s10  }
0x35: {  	s10 =	sld [smem:$0x3FB3];
	_ =	sdelay $0x3  }
0x36: {  	p1 =	seq.s32 s10, $0x1;
	s10 =	sld [smem:$0x3FB4];
	_ =	sdelay $0x3  }
0x37: {  	[smem:$0x3FB4] =	sst s10  }
0x38: {  	s10 =	sld [smem:$0x3FB5]  }
0x39: {  	_ = 	snop;
	(pc) =	sbr.ind lr, $3  }
0x3a: {  	_ = 	snop  }
0x3b: {  	_ = 	snop  }
0x3c: {  	p2 =	seq.s32 s10, $0x1;
	s10 =	sld [smem:$0x3FB4]  }
0x3d: {  	_ =	shalt  }
0x3e: {  	_ =	shalt  }
0x3f: {  	_ =	shalt  }
0x40: {  	_ =	shalt  }
0x41: {  	_ =	shalt  }
0x42: {  	_ =	shalt  }
0x43: {  	_ =	shalt  }
0x44: {  	_ =	shalt  }
0x45: {  	_ =	shalt  }
0x46: {  	_ =	shalt  }
0x47: {  	_ =	shalt  }
0x48: {  	_ =	shalt  }
0x49: {  	_ =	shalt  }
0x4a: {  	_ =	shalt  }
0x4b: {  	_ =	shalt  }
0x4c: {  	_ =	shalt  }
0x4d: {  	_ =	shalt  }
0x4e: {  	_ =	shalt  }
0x4f: {  	_ =	shalt  }
0x50: {  	_ =	shalt  }
0x51: {  	_ =	shalt  }
0x52: {  	_ =	shalt  }
0x53: {  	_ =	shalt  }
0x54: {  	_ =	shalt  }
0x55: {  	_ =	shalt  }
0x56: {  	_ =	shalt  }
0x57: {  	_ =	shalt  }
0x58: {  	_ =	shalt  }
0x59: {  	_ =	shalt  }
0x5a: {  	_ =	shalt  }
0x5b: {  	_ =	shalt  }
0x5c: {  	_ =	shalt  }
0x5d: {  	_ =	shalt  }
0x5e: {  	_ =	shalt  }
0x5f: {  	_ =	shalt  }
0x60: {  	_ =	shalt  }
0x61: {  	_ =	shalt  }
0x62: {  	_ =	shalt  }
0x63: {  	_ =	shalt  }
0x64: {  	_ =	shalt  }
0x65: {  	_ =	shalt  }
0x66: {  	_ =	shalt  }
0x67: {  	_ =	shalt  }
0x68: {  	_ =	shalt  }
0x69: {  	_ =	shalt  }
0x6a: {  	_ =	shalt  }
0x6b: {  	_ =	shalt  }
0x6c: {  	_ =	shalt  }
0x6d: {  	_ =	shalt  }
0x6e: {  	_ =	shalt  }
0x6f: {  	_ =	shalt  }
0x70: {  	_ =	shalt  }
0x71: {  	_ =	shalt  }
0x72: {  	_ =	shalt  }
0x73: {  	_ =	shalt  }
0x74: {  	_ =	shalt  }
0x75: {  	_ =	shalt  }
0x76: {  	_ =	shalt  }
0x77: {  	_ =	shalt  }
0x78: {  	_ =	shalt  }
0x79: {  	_ =	shalt  }
0x7a: {  	_ =	shalt  }
0x7b: {  	_ =	shalt  }
0x7c: {  	_ =	shalt  }
0x7d: {  	_ =	shalt  }
0x7e: {  	_ =	shalt  }
0x7f: {  	_ =	shalt  }
0x80: {  	_ =	shalt  }
0x81: {  	_ =	shalt  }
0x82: {  	_ =	shalt  }
0x83: {  	_ =	shalt  }
0x84: {  	_ =	shalt  }
0x85: {  	_ =	shalt  }
0x86: {  	_ =	shalt  }
0x87: {  	_ =	shalt  }
.Lfunc_end0:
.L_simem_size_0:
called_computation.1_lowered:
.L_overlay_start_0:
0x88: {  	s2 =	sld [smem:$0x3FD9]  }
0x89: {  	s3 =	sld [smem:$0x3FFE];
	_ =	sdelay $0x1  }
0x8a: {  	s1 =	srdreg.scid  }
0x8b: {  	s0 =	sand.u32 $0x1, s1  }
0x8c: {  	s16 =	sshll.u32 s0, $0xA;
	s2 =	sadd.s32 s3, s2  }
0x8d: {  	s2 =	sadd.s32 s2, s16  }
0x8e: {  	[smem:$0x3FC0] =	sst s2  }
0x8f: {  	_ = 	snop  }
0x90: {  	(tm) =	ssettm $0x1  }
0x91: {  	s17 =	sld [smem:$0x3FFB];
	_ =	sdelay $0x3  }
0x92: {  	_ =	strace s17  }
0x93: {  	s2 =	sld [smem:$0x3FFC];
	_ =	sdelay $0x3  }
0x94: {  	_ =	strace s2  }
0x95: {  	s2 =	sld [smem:$0x3FFD];
	_ =	sdelay $0x3  }
0x96: {  	_ =	strace s2  }
0x97: {  	_ =	strace $0x8FFFFFFF  }
0x98: {  	s18 =	sld [smem:$0x3FDB];
	_ =	sdelay $0x1  }
0x99: {  	s19 =	simm.s32 $_scs_section_size  }
0x9a: {  	s4 =	simm.s32 $_size__tile_overlayer_lowered;
	s5 =	simm.s32 $_tile_overlayer_lowered  }
0x9b: {  	s22 =	simm.s32 $0x1BFF;
	s21 =	sshll.u32 s5, $0x1;
	s2 =	sadd.s32 s19, s18  }
0x9c: {  	s6 =	simm.s32 $0x0;
	s20 =	sshll.u32 s4, $0x1;
	s4 =	sadd.s32 s21, s2  }
0x9d: {  	[timem:s6], [sflag:s22] =	dma.local [hbm:s4], s20  }
0x9e: {  	_ =	swait.ge [sflag:s22], s20  }
0x9f: {  	s3 =	ssub.s32 $0x0, s20;
	[sflag:s22] =	ssyncset.done $0x0  }
0xa0: {  	[sflag:s22] =	ssyncadd.s32 s3;
	_ =	sdelay $0x1  }
0xa1: {  	s23 =	simm.s32 $0x1B8B  }
0xa2: {  	_ =	swait.ge [sflag:s23], $0x1  }
0xa3: {  	[sflag:s23] =	ssyncset.done $0x0  }
0xa4: {  	s25 =	simm.s32 $0x1B8E;
	s24 =	sld [smem:$0x3FFE];
	[sflag:s23] =	ssyncadd.s32 $0xFFFFFFFF  }
0xa5: {  	s26 =	simm.s32 $execute0_lowered;
	[smem:$0x3FD2] =	sst s25  }
0xa6: {  	s4 =	sshll.u32 s26, $0x1;
	_ =	strace $0x80000049;
	[dreg:$0x1] =	wrdreg $0xFFFFFFFF  }
0xa7: {  	s28 =	simm.s32 $_size_execute0_lowered;
	s2 =	sadd.s32 s2, s4;
	[dreg:$0x0] =	wrdreg $0x0  }
0xa8: {  	s4 =	sshll.u32 s28, $0x1;
	[dreg:$0x2] =	wrdreg s2  }
0xa9: {  	[dreg:$0x3] =	wrdreg s4  }
0xaa: {  	[dreg:$0x4] =	wrdreg $0xC0  }
0xab: {  	_ =	task [dreg:s6], $0x5FFFF  }
0xac: {  	[dreg:$0x1] =	wrdreg $0xFFFFFFFF  }
0xad: {  	[dreg:$0x0] =	wrdreg $0x60  }
0xae: {  	[dreg:$0x2] =	wrdreg s24  }
0xaf: {  	[dreg:$0x3] =	wrdreg $0xB0000  }
0xb0: {  	[dreg:$0x4] =	wrdreg $0x9  }
0xb1: {  	_ =	task.clear_ibuf [dreg:s6], $0x5FFFF;
	_ =	strace $0x90000049  }
0xb2: {  	s29 =	simm.s32 $0x9;
	_ =	strace $0x8000004B  }
0xb3: {  	_ =	swait.ge [sflag:s29], $0x1  }
0xb4: {  	[sflag:s29] =	ssyncadd.s32 $0xFFFFFFFF  }
0xb5: {  	_ =	strace $0x9000004B  }
0xb6: {  	_ =	sfence  }
0xb7: {  	s30 =	sld [smem:$0x0];
	_ =	sdelay $0x2  }
0xb8: {  	s31 =	sshll.u32 s1, $0xD;
	s1 =	sshrl.u32 s1, $0x2  }
0xb9: {  	s3 =	sand.u32 $0x4000, s31;
	s1 =	sadd.s32 s1, s30  }
0xba: {  	s0 =	sor.u32 s3, s0;
	s1 =	sshll.u32 s1, $0x11  }
0xbb: {  	s0 =	sor.u32 s1, s0  }
0xbc: {  	s0 =	sadd.s32 $0x8F2B, s0  }
0xbd: {  	[sflag:s0] =	ssyncadd.remote.s32 $0x1  }
0xbe: {  	_ =	sfence.sel $0xFFFF  }
0xbf: {  	[dreg:$0x0] =	wrdreg $0xFFFFFFFF;
	(pc) =	sbr.abs _section_cstart, $3  }
0xc0: {  	[dreg:$0x1] =	wrdreg $0xFFFFFFFF  }
0xc1: {  	_ =	task.clear_ibuf [dreg:s6], $0x2FFFF;
	_ =	strace $0x9FFFFFFF  }
0xc2: {  	(tm) =	ssettm $0x7FFFFFFF  }
0xc3: {  	_ =	shalt  }
tec
execute0_lowered:
.L_overlay_start_1:
0x0: {  	(tag) =	ssettag $0x1  }
0x1: {  	s0 =	srdreg.scid  }
0x2: {  	s11 =	stileid.u32;
	s5 =	rddreg [dreg:$0x0]  }
0x3: {  	s2 =	rddreg [dreg:$0x1];
	s3 =	simm.s32 $0x0;
	s12 =	simm.s32 $0xD  }
0x4: {  	s13 =	simm.s32 $0x80;
	s18 =	simm.s32 $0x7;
	s19 =	simm.s32 $0x8  }
0x5: {  	s20 =	simm.s32 $0x9;
	s21 =	simm.s32 $0xA;
	s22 =	simm.s32 $0xB  }
0x6: {  	s23 =	simm.s32 $0xC;
	s24 =	simm.s32 $0x0;
	s0 =	sand.u32 $0x1, s0  }
0x7: {  	s1 =	sshll.u32 s11, $0x1;
	s6 =	smul.u32 $0x5000, s11;
	[smem:$0x7FF] =	sst s3  }
0x8: {  	s4 =	sadd.s32 $0x17C00, s5;
	s30 =	sshll.u32 s11, $0x6;
	s1 =	sor.u32 s0, s1  }
0x9: {  	s7 =	smul.u32 $0x50000, s0;
	_ =	strace $0x8000004A;
	s0 =	ssub.s32 $0x2, s0  }
0xa: {  	s1 =	smul.u32 $0x2800, s1;
	s8 =	sshrl.u32 s6, $0x3;
	s9 =	sshrl.u32 s0, $0x1  }
0xb: {  	s31 =	sadd.s32 s6, s2;
	s7 =	sadd.s32 s6, s7;
	s8 =	sadd.s32 s8, s5  }
0xc: {  	s0 =	ssub.s32 s0, s9;
	s6 =	sor.u32 $0x1C0D, s30;
	s1 =	sshrl.u32 s1, $0x3  }
0xd: {  	s11 =	sshrl.u32 s31, $0x3;
	s7 =	sshrl.u32 s7, $0x3;
	s1 =	sadd.s32 s1, s5  }
0xe: {  	s10 =	sadd.s32 s7, s5;
	s5 =	sadd.s32 $0x21C00, s8;
	s7 =	sadd.s32 $0x3C00, s1  }
0xf: {  	s8 =	sadd.s32 $0xDC00, s1;
	s9 =	sadd.s32 $0x2BC00, s10;
	s10 =	smax.u32 s0, $0x1  }
.LBB2_1:
0x10: {  	[spmem:s11], [sflag:s6] =	dma.local [hbm:s5], $0xA00  }
0x11: {  	_ =	swait.ge [sflag:s12], $0xA00  }
0x12: {  	[sflag:s12] =	ssyncset.done $0x0  }
0x13: {  	[sflag:s12] =	ssyncadd.s32 $0xFFFFF600  }
0x14: {  	[tilespmem:s3], [sflag:$0xD] =	stream.linear.gather [hbm4b:s7+s3], $0x2800, $0x38;
	[tilespmem:$0x10000] =	vst v63  }
0x15: {  	_ =	swait.ge [sflag:s12], $0x2800  }
0x16: {  	[sflag:s12] =	ssyncset.done $0x0  }
0x17: {  	s26 =	simm.s32 $0x2800;
	[sflag:s12] =	ssyncadd.s32 $0xFFFFD800  }
0x18: {  	[tilespmem:s26], [sflag:$0xD] =	stream.linear.gather [hbm4b:s8+s3], $0x2800, $0x38;
	[tilespmem:$0x10000] =	vst v63  }
0x19: {  	_ =	swait.ge [sflag:s12], $0x2800  }
0x1a: {  	[sflag:s12] =	ssyncset.done $0x0  }
0x1b: {  	[sflag:s12] =	ssyncadd.s32 $0xFFFFD800  }
0x1c: {  	s0 =	simm.s32 $0x5000;
	s15 =	simm.s32 $0x3;
	[bflag:$0x0] =	sbarrier.arrive $0xFFFF  }
0x1d: {  	[tilespmem:s0], [sflag:$0x1] =	stream.indirect.gather [hbm4b:s4+s13], $0x20, s3, s13, $0xb8;
	[tilespmem:$0x10000] =	vst v63  }
0x1e: {  	s14 =	simm.s32 $0x6000;
	s0 =	smul.u32 $0xAB, s15  }
0x1f: {  	[tilespmem:s14], [sflag:$0x2] =	stream.indirect.gather [hbm4b:s4+s13], $0x20, s13, s13, $0xb8;
	[tilespmem:$0x10000] =	vst v63  }
0x20: {  	s1 =	simm.s32 $0x100;
	s0 =	sshrl.u32 s0, $0xA  }
0x21: {  	s16 =	smul.u32 $0xAB, s3;
	s14 =	simm.s32 $0x7000;
	s0 =	sand.u32 $0x3F, s0  }
0x22: {  	[tilespmem:s14], [sflag:$0x3] =	stream.indirect.gather [hbm4b:s4+s13], $0x20, s1, s13, $0xb8;
	[tilespmem:$0x10000] =	vst v63  }
0x23: {  	s25 =	simm.s32 $0x1;
	s30 =	simm.s32 $0x2;
	s0 =	smul.u32 $0x6, s0  }
0x24: {  	p0 =	por $0x0, $0x0;
	s28 =	simm.s32 $0x200;
	s1 =	sshrl.u32 s16, $0xA  }
0x25: {  	p1 =	por @!p0 $0x1, $0x1;
	s1 =	sand.u32 $0x3F, s1;
	s0 =	ssub.s32 $0x3, s0  }
0x26: {  	p1 =	por p1, p0;
	s1 =	smul.u32 $0x6, s1;
	s0 =	sand.u32 $0xFF, s0  }
0x27: {  	s15 =	simm.s32 @!p0 $0x80;
	s14 =	simm.s32 $0x180;
	s29 =	sadd.s32 @!p1 $0x7, s0  }
0x28: {  	s31 =	sshll.u32 @!p0 s0, $0xC;
	s1 =	ssub.s32 $0x0, s1;
	_ =	swait.ge @!p1 [sflag:s29], $0x1000  }
0x29: {  	s0 =	sadd.s32 @!p0 $0x1, s0;
	s1 =	sand.u32 $0xFF, s1;
	[sflag:s29] =	ssyncset.done @!p1 $0x0  }
0x2a: {  	s16 =	sadd.s32 $0x1, s1;
	[sflag:s29] =	ssyncadd.s32 @!p1 $0xFFFFF000;
	s29 =	sadd.s32 @!p0 $0x5000, s31  }
0x2b: {  	[tilespmem:s29], [sflag:s0] =	stream.indirect.gather @!p0 [hbm4b:s4+s15], $0x20, s14, s15, $0xb8;
	[tilespmem:$0x10000] =	vst v63  }
0x2c: {  	s17 =	sshll.u32 s1, $0xC;
	s31 =	simm.s32 $0x4;
	_ =	swait.ge [sflag:s16], $0x1000  }
0x2d: {  	s29 =	simm.s32 $0x2880;
	s0 =	sadd.s32 $0x7, s1;
	[sflag:s16] =	ssyncset.done $0x0  }
0x2e: {  	s1 =	smul.u32 $0xAB, s31;
	s14 =	sadd.s32 $0x5000, s17;
	[sflag:s16] =	ssyncadd.s32 $0xFFFFF000  }
.LBB2_2:
0x2f: {  	[spmem:s2] =	stream.indirect.scatter.add.f32 [tilespmem:s14], [sflag:s0], $0x20, s26, s13, $0xb8;
	[tilespmem:$0x10000] =	vst v63  }
0x30: {  	s0 =	smov.u32 s25;
	s25 =	smov.u32 s30  }
0x31: {  	s14 =	smov.u32 s28;
	s30 =	sadd.s32 $0x1, s30;
	s1 =	sshrl.u32 s1, $0xA  }
0x32: {  	s26 =	smov.u32 s29;
	s15 =	smul.u32 $0xAB, s0;
	s1 =	sand.u32 $0x3F, s1  }
0x33: {  	p0 =	sne.s32 s30, $0x50;
	s1 =	smul.u32 $0x6, s1  }
0x34: {  	p1 =	sgt.u32 s0, $0x4C;
	s15 =	sshrl.u32 s15, $0xA  }
0x35: {  	p2 =	slt.u32 @!p1 s0, $0x3;
	s15 =	sand.u32 $0x3F, s15;
	s1 =	ssub.s32 s31, s1  }
0x36: {  	p2 =	por p2, p1;
	s15 =	smul.u32 $0x6, s15;
	s1 =	sand.u32 $0xFF, s1  }
0x37: {  	s16 =	sadd.s32 @!p2 $0x7, s1  }
0x38: {  	s31 =	sshll.u32 @!p1 s1, $0xC;
	s1 =	sadd.s32 @!p1 $0x1, s1;
	s0 =	ssub.s32 s0, s15  }
0x39: {  	s28 =	sadd.s32 $0x80, s28;
	_ =	swait.ge @!p2 [sflag:s16], $0x1000;
	s0 =	sand.u32 $0xFF, s0  }
0x3a: {  	s15 =	simm.s32 @!p1 $0x80;
	[sflag:s16] =	ssyncset.done @!p2 $0x0;
	s17 =	sadd.s32 $0x1, s0  }
.Ltmp0:
0x3b: {  	[sflag:s16] =	ssyncadd.s32 @!p2 $0xFFFFF000;
	s16 =	sadd.s32 @!p1 $0x5000, s31;
	(pc) =	sbr.rel @p0 .LBB2_2-.Ltmp0, $4  }
0x3c: {  	[tilespmem:s16], [sflag:s1] =	stream.indirect.gather @!p1 [hbm4b:s4+s15], $0x20, s14, s15, $0xb8;
	[tilespmem:$0x10000] =	vst v63  }
0x3d: {  	s29 =	sadd.s32 $0x80, s29;
	s14 =	sshll.u32 s0, $0xC;
	_ =	swait.ge [sflag:s17], $0x1000  }
0x3e: {  	s31 =	sadd.s32 $0x3, s25;
	s0 =	sadd.s32 $0x7, s0;
	[sflag:s17] =	ssyncset.done $0x0  }
0x3f: {  	s1 =	smul.u32 $0xAB, s31;
	s14 =	sadd.s32 $0x5000, s14;
	[sflag:s17] =	ssyncadd.s32 $0xFFFFF000  }
0x40: {  	[spmem:s2] =	stream.indirect.scatter.add.f32 [tilespmem:s14], [sflag:s0], $0x20, s26, s13, $0xb8;
	[tilespmem:$0x10000] =	vst v63  }
0x41: {  	s17 =	sshrl.u32 s1, $0xA  }
0x42: {  	s26 =	smul.u32 $0xAB, s25;
	s0 =	sand.u32 $0x3F, s17  }
0x43: {  	s0 =	smul.u32 $0x6, s0  }
0x44: {  	p0 =	sgt.u32 s25, $0x4C;
	s1 =	sshrl.u32 s26, $0xA  }
0x45: {  	p1 =	slt.u32 @!p0 s25, $0x3;
	s1 =	sand.u32 $0x3F, s1;
	s0 =	ssub.s32 s31, s0  }
0x46: {  	p1 =	por p1, p0;
	s1 =	smul.u32 $0x6, s1;
	s0 =	sand.u32 $0xFF, s0  }
0x47: {  	s16 =	simm.s32 @!p0 $0x80;
	s14 =	sadd.s32 @!p1 $0x7, s0  }
0x48: {  	s1 =	ssub.s32 s25, s1;
	s15 =	sshll.u32 @!p0 s0, $0xC;
	_ =	swait.ge @!p1 [sflag:s14], $0x1000  }
0x49: {  	s0 =	sadd.s32 @!p0 $0x1, s0;
	s1 =	sand.u32 $0xFF, s1;
	[sflag:s14] =	ssyncset.done @!p1 $0x0  }
0x4a: {  	s30 =	sadd.s32 $0x1, s1;
	[sflag:s14] =	ssyncadd.s32 @!p1 $0xFFFFF000;
	s14 =	sadd.s32 @!p0 $0x5000, s15  }
0x4b: {  	[tilespmem:s14], [sflag:s0] =	stream.indirect.gather @!p0 [hbm4b:s4+s16], $0x20, s28, s16, $0xb8;
	[tilespmem:$0x10000] =	vst v63  }
0x4c: {  	_ =	swait.ge [sflag:s30], $0x1000  }
0x4d: {  	s31 =	sshll.u32 s1, $0xC;
	[sflag:s30] =	ssyncset.done $0x0  }
0x4e: {  	s1 =	sadd.s32 $0x7, s1;
	s0 =	sadd.s32 $0x5000, s31;
	[sflag:s30] =	ssyncadd.s32 $0xFFFFF000  }
0x4f: {  	[spmem:s2] =	stream.indirect.scatter.add.f32 [tilespmem:s0], [sflag:s1], $0x20, s29, s13, $0xb8;
	[tilespmem:$0x10000] =	vst v63  }
0x50: {  	_ =	swait.ge [sflag:s18], $0x1000  }
0x51: {  	[sflag:s18] =	ssyncset.done $0x0  }
0x52: {  	[sflag:s18] =	ssyncadd.s32 $0xFFFFF000  }
0x53: {  	_ =	swait.ge [sflag:s19], $0x1000  }
0x54: {  	[sflag:s19] =	ssyncset.done $0x0  }
0x55: {  	[sflag:s19] =	ssyncadd.s32 $0xFFFFF000  }
0x56: {  	_ =	swait.ge [sflag:s20], $0x1000  }
0x57: {  	[sflag:s20] =	ssyncset.done $0x0  }
0x58: {  	[sflag:s20] =	ssyncadd.s32 $0xFFFFF000  }
0x59: {  	_ =	swait.ge [sflag:s21], $0x1000  }
0x5a: {  	[sflag:s21] =	ssyncset.done $0x0  }
0x5b: {  	[sflag:s21] =	ssyncadd.s32 $0xFFFFF000  }
0x5c: {  	_ =	swait.ge [sflag:s22], $0x1000  }
0x5d: {  	[sflag:s22] =	ssyncset.done $0x0  }
0x5e: {  	[sflag:s22] =	ssyncadd.s32 $0xFFFFF000  }
0x5f: {  	_ =	swait.ge [sflag:s23], $0x1000  }
0x60: {  	s24 =	sadd.s32 $0x1, s24;
	[sflag:s23] =	ssyncset.done $0x0  }
0x61: {  	p0 =	sne.s32 s24, s10;
	[sflag:s23] =	ssyncadd.s32 $0xFFFFF000  }
.Ltmp1:
0x62: {  	[bflag:$0x0] =	sbarrier.arrive $0xFFFF;
	(pc) =	sbr.rel @p0 .LBB2_1-.Ltmp1, $4  }
0x63: {  	[hbm:s9], [sflag:s6] =	dma.local [spmem:s11], $0xA00  }
0x64: {  	_ =	swait.ge [sflag:s12], $0xA00  }
0x65: {  	[sflag:s12] =	ssyncset.done $0x0  }
0x66: {  	[sflag:s12] =	ssyncadd.s32 $0xFFFFF600  }
0x67: {  	_ =	sfence.sel $0x180000  }
0x68: {  	[bflag:$0x0] =	sbarrier.arrive $0xFFFF  }
0x69: {  	_ =	strace $0x9000004A  }
0x6a: {  	s0 =	stileid.u32;
	[bflag:$0x2] =	sbarrier.arrive $0xFFFF  }
0x6b: {  	p0 =	sne.s32 s0, $0x0;
	s0 =	rddreg [dreg:$0x2]  }
0x6c: {  	s0 =	sadd.s32 @!p0 $0x100000, s0  }
0x6d: {  	[sflag:s0] =	ssyncadd.tile.s32 @!p0 $0x1;
	_ =	shalt  }
.Lfunc_end2:
_tile_overlayer_lowered:
.L_overlay_start_2:
0x6e: {  	(tag) =	ssettag $0x2  }
0x6f: {  	s0 =	rddreg [dreg:$0x0];
	s2 =	stileid.u32  }
0x70: {  	s1 =	rddreg [dreg:$0x1];
	p0 =	sne.s32 s2, $0x0  }
0x71: {  	s3 =	rddreg [dreg:$0x2];
	[bflag:$0x3] =	sbarrier.arrive $0xFFFF;
	s2 =	simm.s32 @!p0 $0x1C0D  }
0x72: {  	[timem:s3], [sflag:s2] =	dma.local @!p0 [hbm:s0], s1  }
0x73: {  	s0 =	simm.s32 @!p0 $0xD  }
0x74: {  	_ =	swait.ge @!p0 [sflag:s0], s1  }
0x75: {  	s1 =	ssub.s32 @!p0 $0x0, s1;
	[sflag:s0] =	ssyncset.done @!p0 $0x0  }
0x76: {  	[sflag:s0] =	ssyncadd.s32 @!p0 s1  }
0x77: {  	[bflag:$0x3] =	sbarrier.arrive $0xFFFF  }
0x78: {  	_ =	shalt  }

// kernel: kernel.16.cloned.1.call-start
scs
__scs_entry_jumppad:
0x0: {  	(pc) =	sbr.rel $0x88, $3  }
0x1: {  	(tag) =	ssettag $0x0;
	lr =	simm.s32 $0x1  }
0x2: {  	[smem:$0x3F99] =	sst lr;
	_ =	strace $0xD0000000  }
0x3: {  	_ = 	snop  }
0x4: {  	_ = 	snop  }
0x5: {  	_ = 	snop  }
0x6: {  	_ = 	snop  }
0x7: {  	_ = 	snop  }
__scs_overlays_trampoline_lowered:
0x8: {  	[smem:$0x3FA8] =	sst s0  }
0x9: {  	[smem:$0x3FA9] =	sst s1  }
0xa: {  	[smem:$0x3FAA] =	sst s2  }
0xb: {  	[smem:$0x3FAB] =	sst s3  }
0xc: {  	[smem:$0x3FAC] =	sst s4  }
0xd: {  	[smem:$0x3FAD] =	sst s5  }
0xe: {  	[smem:$0x3FAE] =	sst s6  }
0xf: {  	[smem:$0x3FAF] =	sst s7  }
0x10: {  	[smem:$0x3FB0] =	sst s8  }
0x11: {  	[smem:$0x3FB1] =	sst s9;
	s0 =	simm.s32 @!p0 $0x0  }
0x12: {  	s1 =	sld [smem:$0x3F97];
	s0 =	simm.s32 @p0 $0x1  }
0x13: {  	[smem:$0x3FB2] =	sst s0;
	s0 =	simm.s32 @!p1 $0x0  }
0x14: {  	s2 =	sld [smem:$0x3F96];
	s0 =	simm.s32 @p1 $0x1  }
0x15: {  	[smem:$0x3FB3] =	sst s0;
	s0 =	simm.s32 @!p2 $0x0  }
0x16: {  	s3 =	sld [smem:$0x3FDB];
	s0 =	simm.s32 @p2 $0x1  }
0x17: {  	s4 =	simm.s32 $0x1BF5;
	[smem:$0x3FB5] =	sst s0  }
0x18: {  	s0 =	sld [smem:$0x3F98];
	_ =	swait.ge [sflag:s4], $0x0  }
0x19: {  	s7 =	sld [smem:$0x3F99]  }
0x1a: {  	s8 =	sadd.s32 $0xFFFFE003, lr  }
0x1b: {  	s9 =	sadd.s32 $0xFFFFFEF7, lr;
	s5 =	simm.s32 $0xFFFFFFFF;
	p2 =	slt.u32 s8, $0xFFFFF086  }
0x1c: {  	p1 =	slt.u32 s9, $0xF7A;
	s5 =	simm.s32 @!p2 $0x0  }
0x1d: {  	s5 =	simm.s32 @p1 $0x1;
	p0 =	seq.s32 s7, s2  }
0x1e: {  	s7 =	smul.u32 @!p0 $0xF7A, s2;
	p2 =	seq.s32 @!p0 s5, $0x0  }
0x1f: {  	s9 =	smul.u32 $0xF7A, s1;
	s8 =	simm.s32 @!p0 $0x1BF5;
	p2 =	por !p2, p0  }
0x20: {  	[sflag:s8] =	ssyncset.s32 @!p0 $0xFFFFF086;
	s6 =	sadd.s32 @!p0 s3, s7;
	s7 =	simm.s32 @!p0 $0x108  }
0x21: {  	s3 =	sadd.s32 s3, s9;
	s6 =	sadd.s32 @!p0 $0x88, s6;
	s7 =	simm.s32 @p2 $0x1082  }
0x22: {  	[simem:s7], [sflag:s8] =	dma.local @!p0 [hbm:s6], $0xF7A  }
0x23: {  	s9 =	sor.u32 $0xD0000000, s2;
	s6 =	simm.s32 $0x108;
	_ =	swait.ge @!p0 [sflag:s8], $0x0  }
0x24: {  	s3 =	sadd.s32 $0x88, s3;
	s6 =	simm.s32 @!p1 $0x1082;
	[sflag:s4] =	ssyncset.s32 $0xFFFFF086  }
0x25: {  	[simem:s6], [sflag:s4] =	dma.local [hbm:s3], $0xF7A  }
0x26: {  	[smem:$0x3F99] =	sst s1;
	(tag) =	ssettag s2;
	_ =	strace s9  }
0x27: {  	s1 =	sld [smem:$0x3FA9]  }
0x28: {  	s2 =	sld [smem:$0x3FAA]  }
0x29: {  	s4 =	sld [smem:$0x3FAC]  }
0x2a: {  	p0 =	seq.s32 s5, $0x0;
	s5 =	sld [smem:$0x3FAD]  }
0x2b: {  	s6 =	sld [smem:$0x3FAE]  }
0x2c: {  	s7 =	sld [smem:$0x3FAF]  }
0x2d: {  	s3 =	simm.s32 $0x108;
	s8 =	sld [smem:$0x3FB0]  }
0x2e: {  	s3 =	simm.s32 @!p0 $0x1082;
	s9 =	sld [smem:$0x3FB1]  }
0x2f: {  	lr =	sadd.s32 s0, s3;
	s0 =	sld [smem:$0x3FA8]  }
0x30: {  	s3 =	sld [smem:$0x3FAB]  }
0x31: {  	[smem:$0x3FB4] =	sst s10  }
0x32: {  	s10 =	sld [smem:$0x3FB2];
	_ =	sdelay $0x3  }
0x33: {  	p0 =	seq.s32 s10, $0x1;
	s10 =	sld [smem:$0x3FB4];
	_ =	sdelay $0x3  }
0x34: {  	[smem:$0x3FB4] =	sst s10  }
0x35: {  	s10 =	sld [smem:$0x3FB3];
	_ =	sdelay $0x3  }
0x36: {  	p1 =	seq.s32 s10, $0x1;
	s10 =	sld [smem:$0x3FB4];
	_ =	sdelay $0x3  }
0x37: {  	[smem:$0x3FB4] =	sst s10  }
0x38: {  	s10 =	sld [smem:$0x3FB5]  }
0x39: {  	_ = 	snop;
	(pc) =	sbr.ind lr, $3  }
0x3a: {  	_ = 	snop  }
0x3b: {  	_ = 	snop  }
0x3c: {  	p2 =	seq.s32 s10, $0x1;
	s10 =	sld [smem:$0x3FB4]  }
0x3d: {  	_ =	shalt  }
0x3e: {  	_ =	shalt  }
0x3f: {  	_ =	shalt  }
0x40: {  	_ =	shalt  }
0x41: {  	_ =	shalt  }
0x42: {  	_ =	shalt  }
0x43: {  	_ =	shalt  }
0x44: {  	_ =	shalt  }
0x45: {  	_ =	shalt  }
0x46: {  	_ =	shalt  }
0x47: {  	_ =	shalt  }
0x48: {  	_ =	shalt  }
0x49: {  	_ =	shalt  }
0x4a: {  	_ =	shalt  }
0x4b: {  	_ =	shalt  }
0x4c: {  	_ =	shalt  }
0x4d: {  	_ =	shalt  }
0x4e: {  	_ =	shalt  }
0x4f: {  	_ =	shalt  }
0x50: {  	_ =	shalt  }
0x51: {  	_ =	shalt  }
0x52: {  	_ =	shalt  }
0x53: {  	_ =	shalt  }
0x54: {  	_ =	shalt  }
0x55: {  	_ =	shalt  }
0x56: {  	_ =	shalt  }
0x57: {  	_ =	shalt  }
0x58: {  	_ =	shalt  }
0x59: {  	_ =	shalt  }
0x5a: {  	_ =	shalt  }
0x5b: {  	_ =	shalt  }
0x5c: {  	_ =	shalt  }
0x5d: {  	_ =	shalt  }
0x5e: {  	_ =	shalt  }
0x5f: {  	_ =	shalt  }
0x60: {  	_ =	shalt  }
0x61: {  	_ =	shalt  }
0x62: {  	_ =	shalt  }
0x63: {  	_ =	shalt  }
0x64: {  	_ =	shalt  }
0x65: {  	_ =	shalt  }
0x66: {  	_ =	shalt  }
0x67: {  	_ =	shalt  }
0x68: {  	_ =	shalt  }
0x69: {  	_ =	shalt  }
0x6a: {  	_ =	shalt  }
0x6b: {  	_ =	shalt  }
0x6c: {  	_ =	shalt  }
0x6d: {  	_ =	shalt  }
0x6e: {  	_ =	shalt  }
0x6f: {  	_ =	shalt  }
0x70: {  	_ =	shalt  }
0x71: {  	_ =	shalt  }
0x72: {  	_ =	shalt  }
0x73: {  	_ =	shalt  }
0x74: {  	_ =	shalt  }
0x75: {  	_ =	shalt  }
0x76: {  	_ =	shalt  }
0x77: {  	_ =	shalt  }
0x78: {  	_ =	shalt  }
0x79: {  	_ =	shalt  }
0x7a: {  	_ =	shalt  }
0x7b: {  	_ =	shalt  }
0x7c: {  	_ =	shalt  }
0x7d: {  	_ =	shalt  }
0x7e: {  	_ =	shalt  }
0x7f: {  	_ =	shalt  }
0x80: {  	_ =	shalt  }
0x81: {  	_ =	shalt  }
0x82: {  	_ =	shalt  }
0x83: {  	_ =	shalt  }
0x84: {  	_ =	shalt  }
0x85: {  	_ =	shalt  }
0x86: {  	_ =	shalt  }
0x87: {  	_ =	shalt  }
.Lfunc_end0:
.L_simem_size_0:
called_computation.2_lowered:
.L_overlay_start_0:
0x88: {  	s2 =	sld [smem:$0x3FD9]  }
0x89: {  	s3 =	sld [smem:$0x3FFE];
	_ =	sdelay $0x1  }
0x8a: {  	s1 =	srdreg.scid  }
0x8b: {  	s0 =	sand.u32 $0x1, s1  }
0x8c: {  	s16 =	sshll.u32 s0, $0xA;
	s2 =	sadd.s32 s3, s2  }
0x8d: {  	s2 =	sadd.s32 s2, s16  }
0x8e: {  	[smem:$0x3FC0] =	sst s2  }
0x8f: {  	_ = 	snop  }
0x90: {  	(tm) =	ssettm $0x1  }
0x91: {  	s17 =	sld [smem:$0x3FFB];
	_ =	sdelay $0x3  }
0x92: {  	_ =	strace s17  }
0x93: {  	s2 =	sld [smem:$0x3FFC];
	_ =	sdelay $0x3  }
0x94: {  	_ =	strace s2  }
0x95: {  	s2 =	sld [smem:$0x3FFD];
	_ =	sdelay $0x3  }
0x96: {  	_ =	strace s2  }
0x97: {  	_ =	strace $0x8FFFFFFF  }
0x98: {  	s18 =	sld [smem:$0x3FDB];
	_ =	sdelay $0x1  }
0x99: {  	s19 =	simm.s32 $_scs_section_size  }
0x9a: {  	s4 =	simm.s32 $_size__tile_overlayer_lowered;
	s5 =	simm.s32 $_tile_overlayer_lowered  }
0x9b: {  	s22 =	simm.s32 $0x1BFF;
	s21 =	sshll.u32 s5, $0x1;
	s2 =	sadd.s32 s19, s18  }
0x9c: {  	s6 =	simm.s32 $0x0;
	s20 =	sshll.u32 s4, $0x1;
	s4 =	sadd.s32 s21, s2  }
0x9d: {  	[timem:s6], [sflag:s22] =	dma.local [hbm:s4], s20  }
0x9e: {  	_ =	swait.ge [sflag:s22], s20  }
0x9f: {  	s3 =	ssub.s32 $0x0, s20;
	[sflag:s22] =	ssyncset.done $0x0  }
0xa0: {  	[sflag:s22] =	ssyncadd.s32 s3;
	_ =	sdelay $0x1  }
0xa1: {  	s23 =	simm.s32 $0x1B8B  }
0xa2: {  	_ =	swait.ge [sflag:s23], $0x1  }
0xa3: {  	[sflag:s23] =	ssyncset.done $0x0  }
0xa4: {  	s25 =	simm.s32 $0x1B8E;
	s24 =	sld [smem:$0x3FFE];
	[sflag:s23] =	ssyncadd.s32 $0xFFFFFFFF  }
0xa5: {  	s26 =	simm.s32 $execute0_lowered;
	[smem:$0x3FD2] =	sst s25  }
0xa6: {  	s4 =	sshll.u32 s26, $0x1;
	_ =	strace $0x8000004C;
	[dreg:$0x1] =	wrdreg $0xFFFFFFFF  }
0xa7: {  	s28 =	simm.s32 $_size_execute0_lowered;
	s2 =	sadd.s32 s2, s4;
	[dreg:$0x0] =	wrdreg $0x0  }
0xa8: {  	s4 =	sshll.u32 s28, $0x1;
	[dreg:$0x2] =	wrdreg s2  }
0xa9: {  	[dreg:$0x3] =	wrdreg s4  }
0xaa: {  	[dreg:$0x4] =	wrdreg $0xC0  }
0xab: {  	_ =	task [dreg:s6], $0x5FFFF  }
0xac: {  	[dreg:$0x1] =	wrdreg $0xFFFFFFFF  }
0xad: {  	[dreg:$0x0] =	wrdreg $0x60  }
0xae: {  	[dreg:$0x2] =	wrdreg s24  }
0xaf: {  	[dreg:$0x3] =	wrdreg $0xB0000  }
0xb0: {  	[dreg:$0x4] =	wrdreg $0x9  }
0xb1: {  	_ =	task.clear_ibuf [dreg:s6], $0x5FFFF;
	_ =	strace $0x9000004C  }
0xb2: {  	s29 =	simm.s32 $0x9;
	_ =	strace $0x8000004E  }
0xb3: {  	_ =	swait.ge [sflag:s29], $0x1  }
0xb4: {  	[sflag:s29] =	ssyncadd.s32 $0xFFFFFFFF  }
0xb5: {  	_ =	strace $0x9000004E  }
0xb6: {  	_ =	sfence  }
0xb7: {  	s30 =	sld [smem:$0x0];
	_ =	sdelay $0x2  }
0xb8: {  	s31 =	sshll.u32 s1, $0xD;
	s1 =	sshrl.u32 s1, $0x2  }
0xb9: {  	s3 =	sand.u32 $0x4000, s31;
	s1 =	sadd.s32 s1, s30  }
0xba: {  	s0 =	sor.u32 s3, s0;
	s1 =	sshll.u32 s1, $0x11  }
0xbb: {  	s0 =	sor.u32 s1, s0  }
0xbc: {  	s0 =	sadd.s32 $0x8F2B, s0  }
0xbd: {  	[sflag:s0] =	ssyncadd.remote.s32 $0x1  }
0xbe: {  	_ =	sfence.sel $0xFFFF  }
0xbf: {  	[dreg:$0x0] =	wrdreg $0xFFFFFFFF;
	(pc) =	sbr.abs _section_cstart, $3  }
0xc0: {  	[dreg:$0x1] =	wrdreg $0xFFFFFFFF  }
0xc1: {  	_ =	task.clear_ibuf [dreg:s6], $0x2FFFF;
	_ =	strace $0x9FFFFFFF  }
0xc2: {  	(tm) =	ssettm $0x7FFFFFFF  }
0xc3: {  	_ =	shalt  }
tec
execute0_lowered:
.L_overlay_start_1:
0x0: {  	(tag) =	ssettag $0x1  }
0x1: {  	s0 =	srdreg.scid  }
0x2: {  	s11 =	stileid.u32;
	s5 =	rddreg [dreg:$0x0]  }
0x3: {  	s2 =	rddreg [dreg:$0x1];
	s3 =	simm.s32 $0x0;
	s12 =	simm.s32 $0xD  }
0x4: {  	s13 =	simm.s32 $0x80;
	s18 =	simm.s32 $0x7;
	s19 =	simm.s32 $0x8  }
0x5: {  	s20 =	simm.s32 $0x9;
	s21 =	simm.s32 $0xA;
	s22 =	simm.s32 $0xB  }
0x6: {  	s23 =	simm.s32 $0xC;
	s24 =	simm.s32 $0x0;
	s0 =	sand.u32 $0x1, s0  }
0x7: {  	s1 =	sshll.u32 s11, $0x1;
	s6 =	smul.u32 $0x5000, s11;
	[smem:$0x7FF] =	sst s3  }
0x8: {  	s4 =	sadd.s32 $0x17C00, s5;
	s30 =	sshll.u32 s11, $0x6;
	s1 =	sor.u32 s0, s1  }
0x9: {  	s7 =	smul.u32 $0x50000, s0;
	_ =	strace $0x8000004D;
	s0 =	ssub.s32 $0x2, s0  }
0xa: {  	s1 =	smul.u32 $0x2800, s1;
	s8 =	sshrl.u32 s6, $0x3;
	s9 =	sshrl.u32 s0, $0x1  }
0xb: {  	s31 =	sadd.s32 s6, s2;
	s7 =	sadd.s32 s6, s7;
	s8 =	sadd.s32 s8, s5  }
0xc: {  	s0 =	ssub.s32 s0, s9;
	s6 =	sor.u32 $0x1C0D, s30;
	s1 =	sshrl.u32 s1, $0x3  }
0xd: {  	s11 =	sshrl.u32 s31, $0x3;
	s7 =	sshrl.u32 s7, $0x3;
	s1 =	sadd.s32 s1, s5  }
0xe: {  	s10 =	sadd.s32 s7, s5;
	s5 =	sadd.s32 $0x21C00, s8;
	s7 =	sadd.s32 $0x3C00, s1  }
0xf: {  	s8 =	sadd.s32 $0xDC00, s1;
	s9 =	sadd.s32 $0x2BC00, s10;
	s10 =	smax.u32 s0, $0x1  }
.LBB2_1:
0x10: {  	[spmem:s11], [sflag:s6] =	dma.local [hbm:s5], $0xA00  }
0x11: {  	_ =	swait.ge [sflag:s12], $0xA00  }
0x12: {  	[sflag:s12] =	ssyncset.done $0x0  }
0x13: {  	[sflag:s12] =	ssyncadd.s32 $0xFFFFF600  }
0x14: {  	[tilespmem:s3], [sflag:$0xD] =	stream.linear.gather [hbm4b:s7+s3], $0x2800, $0x38;
	[tilespmem:$0x10000] =	vst v63  }
0x15: {  	_ =	swait.ge [sflag:s12], $0x2800  }
0x16: {  	[sflag:s12] =	ssyncset.done $0x0  }
0x17: {  	s26 =	simm.s32 $0x2800;
	[sflag:s12] =	ssyncadd.s32 $0xFFFFD800  }
0x18: {  	[tilespmem:s26], [sflag:$0xD] =	stream.linear.gather [hbm4b:s8+s3], $0x2800, $0x38;
	[tilespmem:$0x10000] =	vst v63  }
0x19: {  	_ =	swait.ge [sflag:s12], $0x2800  }
0x1a: {  	[sflag:s12] =	ssyncset.done $0x0  }
0x1b: {  	[sflag:s12] =	ssyncadd.s32 $0xFFFFD800  }
0x1c: {  	s0 =	simm.s32 $0x5000;
	s15 =	simm.s32 $0x3;
	[bflag:$0x0] =	sbarrier.arrive $0xFFFF  }
0x1d: {  	[tilespmem:s0], [sflag:$0x1] =	stream.indirect.gather [hbm4b:s4+s13], $0x20, s3, s13, $0xb8;
	[tilespmem:$0x10000] =	vst v63  }
0x1e: {  	s14 =	simm.s32 $0x6000;
	s0 =	smul.u32 $0xAB, s15  }
0x1f: {  	[tilespmem:s14], [sflag:$0x2] =	stream.indirect.gather [hbm4b:s4+s13], $0x20, s13, s13, $0xb8;
	[tilespmem:$0x10000] =	vst v63  }
0x20: {  	s1 =	simm.s32 $0x100;
	s0 =	sshrl.u32 s0, $0xA  }
0x21: {  	s16 =	smul.u32 $0xAB, s3;
	s14 =	simm.s32 $0x7000;
	s0 =	sand.u32 $0x3F, s0  }
0x22: {  	[tilespmem:s14], [sflag:$0x3] =	stream.indirect.gather [hbm4b:s4+s13], $0x20, s1, s13, $0xb8;
	[tilespmem:$0x10000] =	vst v63  }
0x23: {  	s25 =	simm.s32 $0x1;
	s30 =	simm.s32 $0x2;
	s0 =	smul.u32 $0x6, s0  }
0x24: {  	p0 =	por $0x0, $0x0;
	s28 =	simm.s32 $0x200;
	s1 =	sshrl.u32 s16, $0xA  }
0x25: {  	p1 =	por @!p0 $0x1, $0x1;
	s1 =	sand.u32 $0x3F, s1;
	s0 =	ssub.s32 $0x3, s0  }
0x26: {  	p1 =	por p1, p0;
	s1 =	smul.u32 $0x6, s1;
	s0 =	sand.u32 $0xFF, s0  }
0x27: {  	s15 =	simm.s32 @!p0 $0x80;
	s14 =	simm.s32 $0x180;
	s29 =	sadd.s32 @!p1 $0x7, s0  }
0x28: {  	s31 =	sshll.u32 @!p0 s0, $0xC;
	s1 =	ssub.s32 $0x0, s1;
	_ =	swait.ge @!p1 [sflag:s29], $0x1000  }
0x29: {  	s0 =	sadd.s32 @!p0 $0x1, s0;
	s1 =	sand.u32 $0xFF, s1;
	[sflag:s29] =	ssyncset.done @!p1 $0x0  }
0x2a: {  	s16 =	sadd.s32 $0x1, s1;
	[sflag:s29] =	ssyncadd.s32 @!p1 $0xFFFFF000;
	s29 =	sadd.s32 @!p0 $0x5000, s31  }
0x2b: {  	[tilespmem:s29], [sflag:s0] =	stream.indirect.gather @!p0 [hbm4b:s4+s15], $0x20, s14, s15, $0xb8;
	[tilespmem:$0x10000] =	vst v63  }
0x2c: {  	s17 =	sshll.u32 s1, $0xC;
	s31 =	simm.s32 $0x4;
	_ =	swait.ge [sflag:s16], $0x1000  }
0x2d: {  	s29 =	simm.s32 $0x2880;
	s0 =	sadd.s32 $0x7, s1;
	[sflag:s16] =	ssyncset.done $0x0  }
0x2e: {  	s1 =	smul.u32 $0xAB, s31;
	s14 =	sadd.s32 $0x5000, s17;
	[sflag:s16] =	ssyncadd.s32 $0xFFFFF000  }
.LBB2_2:
0x2f: {  	[spmem:s2] =	stream.indirect.scatter.add.f32 [tilespmem:s14], [sflag:s0], $0x20, s26, s13, $0xb8;
	[tilespmem:$0x10000] =	vst v63  }
0x30: {  	s0 =	smov.u32 s25;
	s25 =	smov.u32 s30  }
0x31: {  	s14 =	smov.u32 s28;
	s30 =	sadd.s32 $0x1, s30;
	s1 =	sshrl.u32 s1, $0xA  }
0x32: {  	s26 =	smov.u32 s29;
	s15 =	smul.u32 $0xAB, s0;
	s1 =	sand.u32 $0x3F, s1  }
0x33: {  	p0 =	sne.s32 s30, $0x50;
	s1 =	smul.u32 $0x6, s1  }
0x34: {  	p1 =	sgt.u32 s0, $0x4C;
	s15 =	sshrl.u32 s15, $0xA  }
0x35: {  	p2 =	slt.u32 @!p1 s0, $0x3;
	s15 =	sand.u32 $0x3F, s15;
	s1 =	ssub.s32 s31, s1  }
0x36: {  	p2 =	por p2, p1;
	s15 =	smul.u32 $0x6, s15;
	s1 =	sand.u32 $0xFF, s1  }
0x37: {  	s16 =	sadd.s32 @!p2 $0x7, s1  }
0x38: {  	s31 =	sshll.u32 @!p1 s1, $0xC;
	s1 =	sadd.s32 @!p1 $0x1, s1;
	s0 =	ssub.s32 s0, s15  }
0x39: {  	s28 =	sadd.s32 $0x80, s28;
	_ =	swait.ge @!p2 [sflag:s16], $0x1000;
	s0 =	sand.u32 $0xFF, s0  }
0x3a: {  	s15 =	simm.s32 @!p1 $0x80;
	[sflag:s16] =	ssyncset.done @!p2 $0x0;
	s17 =	sadd.s32 $0x1, s0  }
.Ltmp0:
0x3b: {  	[sflag:s16] =	ssyncadd.s32 @!p2 $0xFFFFF000;
	s16 =	sadd.s32 @!p1 $0x5000, s31;
	(pc) =	sbr.rel @p0 .LBB2_2-.Ltmp0, $4  }
0x3c: {  	[tilespmem:s16], [sflag:s1] =	stream.indirect.gather @!p1 [hbm4b:s4+s15], $0x20, s14, s15, $0xb8;
	[tilespmem:$0x10000] =	vst v63  }
0x3d: {  	s29 =	sadd.s32 $0x80, s29;
	s14 =	sshll.u32 s0, $0xC;
	_ =	swait.ge [sflag:s17], $0x1000  }
0x3e: {  	s31 =	sadd.s32 $0x3, s25;
	s0 =	sadd.s32 $0x7, s0;
	[sflag:s17] =	ssyncset.done $0x0  }
0x3f: {  	s1 =	smul.u32 $0xAB, s31;
	s14 =	sadd.s32 $0x5000, s14;
	[sflag:s17] =	ssyncadd.s32 $0xFFFFF000  }
0x40: {  	[spmem:s2] =	stream.indirect.scatter.add.f32 [tilespmem:s14], [sflag:s0], $0x20, s26, s13, $0xb8;
	[tilespmem:$0x10000] =	vst v63  }
0x41: {  	s17 =	sshrl.u32 s1, $0xA  }
0x42: {  	s26 =	smul.u32 $0xAB, s25;
	s0 =	sand.u32 $0x3F, s17  }
0x43: {  	s0 =	smul.u32 $0x6, s0  }
0x44: {  	p0 =	sgt.u32 s25, $0x4C;
	s1 =	sshrl.u32 s26, $0xA  }
0x45: {  	p1 =	slt.u32 @!p0 s25, $0x3;
	s1 =	sand.u32 $0x3F, s1;
	s0 =	ssub.s32 s31, s0  }
0x46: {  	p1 =	por p1, p0;
	s1 =	smul.u32 $0x6, s1;
	s0 =	sand.u32 $0xFF, s0  }
0x47: {  	s16 =	simm.s32 @!p0 $0x80;
	s14 =	sadd.s32 @!p1 $0x7, s0  }
0x48: {  	s1 =	ssub.s32 s25, s1;
	s15 =	sshll.u32 @!p0 s0, $0xC;
	_ =	swait.ge @!p1 [sflag:s14], $0x1000  }
0x49: {  	s0 =	sadd.s32 @!p0 $0x1, s0;
	s1 =	sand.u32 $0xFF, s1;
	[sflag:s14] =	ssyncset.done @!p1 $0x0  }
0x4a: {  	s30 =	sadd.s32 $0x1, s1;
	[sflag:s14] =	ssyncadd.s32 @!p1 $0xFFFFF000;
	s14 =	sadd.s32 @!p0 $0x5000, s15  }
0x4b: {  	[tilespmem:s14], [sflag:s0] =	stream.indirect.gather @!p0 [hbm4b:s4+s16], $0x20, s28, s16, $0xb8;
	[tilespmem:$0x10000] =	vst v63  }
0x4c: {  	_ =	swait.ge [sflag:s30], $0x1000  }
0x4d: {  	s31 =	sshll.u32 s1, $0xC;
	[sflag:s30] =	ssyncset.done $0x0  }
0x4e: {  	s1 =	sadd.s32 $0x7, s1;
	s0 =	sadd.s32 $0x5000, s31;
	[sflag:s30] =	ssyncadd.s32 $0xFFFFF000  }
0x4f: {  	[spmem:s2] =	stream.indirect.scatter.add.f32 [tilespmem:s0], [sflag:s1], $0x20, s29, s13, $0xb8;
	[tilespmem:$0x10000] =	vst v63  }
0x50: {  	_ =	swait.ge [sflag:s18], $0x1000  }
0x51: {  	[sflag:s18] =	ssyncset.done $0x0  }
0x52: {  	[sflag:s18] =	ssyncadd.s32 $0xFFFFF000  }
0x53: {  	_ =	swait.ge [sflag:s19], $0x1000  }
0x54: {  	[sflag:s19] =	ssyncset.done $0x0  }
0x55: {  	[sflag:s19] =	ssyncadd.s32 $0xFFFFF000  }
0x56: {  	_ =	swait.ge [sflag:s20], $0x1000  }
0x57: {  	[sflag:s20] =	ssyncset.done $0x0  }
0x58: {  	[sflag:s20] =	ssyncadd.s32 $0xFFFFF000  }
0x59: {  	_ =	swait.ge [sflag:s21], $0x1000  }
0x5a: {  	[sflag:s21] =	ssyncset.done $0x0  }
0x5b: {  	[sflag:s21] =	ssyncadd.s32 $0xFFFFF000  }
0x5c: {  	_ =	swait.ge [sflag:s22], $0x1000  }
0x5d: {  	[sflag:s22] =	ssyncset.done $0x0  }
0x5e: {  	[sflag:s22] =	ssyncadd.s32 $0xFFFFF000  }
0x5f: {  	_ =	swait.ge [sflag:s23], $0x1000  }
0x60: {  	s24 =	sadd.s32 $0x1, s24;
	[sflag:s23] =	ssyncset.done $0x0  }
0x61: {  	p0 =	sne.s32 s24, s10;
	[sflag:s23] =	ssyncadd.s32 $0xFFFFF000  }
.Ltmp1:
0x62: {  	[bflag:$0x0] =	sbarrier.arrive $0xFFFF;
	(pc) =	sbr.rel @p0 .LBB2_1-.Ltmp1, $4  }
0x63: {  	[hbm:s9], [sflag:s6] =	dma.local [spmem:s11], $0xA00  }
0x64: {  	_ =	swait.ge [sflag:s12], $0xA00  }
0x65: {  	[sflag:s12] =	ssyncset.done $0x0  }
0x66: {  	[sflag:s12] =	ssyncadd.s32 $0xFFFFF600  }
0x67: {  	_ =	sfence.sel $0x180000  }
0x68: {  	[bflag:$0x0] =	sbarrier.arrive $0xFFFF  }
0x69: {  	_ =	strace $0x9000004D  }
0x6a: {  	s0 =	stileid.u32;
	[bflag:$0x2] =	sbarrier.arrive $0xFFFF  }
0x6b: {  	p0 =	sne.s32 s0, $0x0;
	s0 =	rddreg [dreg:$0x2]  }
0x6c: {  	s0 =	sadd.s32 @!p0 $0x100000, s0  }
0x6d: {  	[sflag:s0] =	ssyncadd.tile.s32 @!p0 $0x1;
	_ =	shalt  }
.Lfunc_end2:
_tile_overlayer_lowered:
.L_overlay_start_2:
0x6e: {  	(tag) =	ssettag $0x2  }
0x6f: {  	s0 =	rddreg [dreg:$0x0];
	s2 =	stileid.u32  }
0x70: {  	s1 =	rddreg [dreg:$0x1];
	p0 =	sne.s32 s2, $0x0  }
0x71: {  	s3 =	rddreg [dreg:$0x2];
	[bflag:$0x3] =	sbarrier.arrive $0xFFFF;
	s2 =	simm.s32 @!p0 $0x1C0D  }
0x72: {  	[timem:s3], [sflag:s2] =	dma.local @!p0 [hbm:s0], s1  }
0x73: {  	s0 =	simm.s32 @!p0 $0xD  }
0x74: {  	_ =	swait.ge @!p0 [sflag:s0], s1  }
0x75: {  	s1 =	ssub.s32 @!p0 $0x0, s1;
	[sflag:s0] =	ssyncset.done @!p0 $0x0  }
0x76: {  	[sflag:s0] =	ssyncadd.s32 @!p0 s1  }
0x77: {  	[bflag:$0x3] =	sbarrier.arrive $0xFFFF  }
0x78: {  	_ =	shalt  }

// kernel: kernel.19.cloned.1.call-start
scs
__scs_entry_jumppad:
0x0: {  	(pc) =	sbr.rel $0x88, $3  }
0x1: {  	(tag) =	ssettag $0x0;
	lr =	simm.s32 $0x1  }
0x2: {  	[smem:$0x3F99] =	sst lr;
	_ =	strace $0xD0000000  }
0x3: {  	_ = 	snop  }
0x4: {  	_ = 	snop  }
0x5: {  	_ = 	snop  }
0x6: {  	_ = 	snop  }
0x7: {  	_ = 	snop  }
__scs_overlays_trampoline_lowered:
0x8: {  	[smem:$0x3FA8] =	sst s0  }
0x9: {  	[smem:$0x3FA9] =	sst s1  }
0xa: {  	[smem:$0x3FAA] =	sst s2  }
0xb: {  	[smem:$0x3FAB] =	sst s3  }
0xc: {  	[smem:$0x3FAC] =	sst s4  }
0xd: {  	[smem:$0x3FAD] =	sst s5  }
0xe: {  	[smem:$0x3FAE] =	sst s6  }
0xf: {  	[smem:$0x3FAF] =	sst s7  }
0x10: {  	[smem:$0x3FB0] =	sst s8  }
0x11: {  	[smem:$0x3FB1] =	sst s9;
	s0 =	simm.s32 @!p0 $0x0  }
0x12: {  	s1 =	sld [smem:$0x3F97];
	s0 =	simm.s32 @p0 $0x1  }
0x13: {  	[smem:$0x3FB2] =	sst s0;
	s0 =	simm.s32 @!p1 $0x0  }
0x14: {  	s2 =	sld [smem:$0x3F96];
	s0 =	simm.s32 @p1 $0x1  }
0x15: {  	[smem:$0x3FB3] =	sst s0;
	s0 =	simm.s32 @!p2 $0x0  }
0x16: {  	s3 =	sld [smem:$0x3FDB];
	s0 =	simm.s32 @p2 $0x1  }
0x17: {  	s4 =	simm.s32 $0x1BF5;
	[smem:$0x3FB5] =	sst s0  }
0x18: {  	s0 =	sld [smem:$0x3F98];
	_ =	swait.ge [sflag:s4], $0x0  }
0x19: {  	s7 =	sld [smem:$0x3F99]  }
0x1a: {  	s8 =	sadd.s32 $0xFFFFE003, lr  }
0x1b: {  	s9 =	sadd.s32 $0xFFFFFEF7, lr;
	s5 =	simm.s32 $0xFFFFFFFF;
	p2 =	slt.u32 s8, $0xFFFFF086  }
0x1c: {  	p1 =	slt.u32 s9, $0xF7A;
	s5 =	simm.s32 @!p2 $0x0  }
0x1d: {  	s5 =	simm.s32 @p1 $0x1;
	p0 =	seq.s32 s7, s2  }
0x1e: {  	s7 =	smul.u32 @!p0 $0xF7A, s2;
	p2 =	seq.s32 @!p0 s5, $0x0  }
0x1f: {  	s9 =	smul.u32 $0xF7A, s1;
	s8 =	simm.s32 @!p0 $0x1BF5;
	p2 =	por !p2, p0  }
0x20: {  	[sflag:s8] =	ssyncset.s32 @!p0 $0xFFFFF086;
	s6 =	sadd.s32 @!p0 s3, s7;
	s7 =	simm.s32 @!p0 $0x108  }
0x21: {  	s3 =	sadd.s32 s3, s9;
	s6 =	sadd.s32 @!p0 $0x88, s6;
	s7 =	simm.s32 @p2 $0x1082  }
0x22: {  	[simem:s7], [sflag:s8] =	dma.local @!p0 [hbm:s6], $0xF7A  }
0x23: {  	s9 =	sor.u32 $0xD0000000, s2;
	s6 =	simm.s32 $0x108;
	_ =	swait.ge @!p0 [sflag:s8], $0x0  }
0x24: {  	s3 =	sadd.s32 $0x88, s3;
	s6 =	simm.s32 @!p1 $0x1082;
	[sflag:s4] =	ssyncset.s32 $0xFFFFF086  }
0x25: {  	[simem:s6], [sflag:s4] =	dma.local [hbm:s3], $0xF7A  }
0x26: {  	[smem:$0x3F99] =	sst s1;
	(tag) =	ssettag s2;
	_ =	strace s9  }
0x27: {  	s1 =	sld [smem:$0x3FA9]  }
0x28: {  	s2 =	sld [smem:$0x3FAA]  }
0x29: {  	s4 =	sld [smem:$0x3FAC]  }
0x2a: {  	p0 =	seq.s32 s5, $0x0;
	s5 =	sld [smem:$0x3FAD]  }
0x2b: {  	s6 =	sld [smem:$0x3FAE]  }
0x2c: {  	s7 =	sld [smem:$0x3FAF]  }
0x2d: {  	s3 =	simm.s32 $0x108;
	s8 =	sld [smem:$0x3FB0]  }
0x2e: {  	s3 =	simm.s32 @!p0 $0x1082;
	s9 =	sld [smem:$0x3FB1]  }
0x2f: {  	lr =	sadd.s32 s0, s3;
	s0 =	sld [smem:$0x3FA8]  }
0x30: {  	s3 =	sld [smem:$0x3FAB]  }
0x31: {  	[smem:$0x3FB4] =	sst s10  }
0x32: {  	s10 =	sld [smem:$0x3FB2];
	_ =	sdelay $0x3  }
0x33: {  	p0 =	seq.s32 s10, $0x1;
	s10 =	sld [smem:$0x3FB4];
	_ =	sdelay $0x3  }
0x34: {  	[smem:$0x3FB4] =	sst s10  }
0x35: {  	s10 =	sld [smem:$0x3FB3];
	_ =	sdelay $0x3  }
0x36: {  	p1 =	seq.s32 s10, $0x1;
	s10 =	sld [smem:$0x3FB4];
	_ =	sdelay $0x3  }
0x37: {  	[smem:$0x3FB4] =	sst s10  }
0x38: {  	s10 =	sld [smem:$0x3FB5]  }
0x39: {  	_ = 	snop;
	(pc) =	sbr.ind lr, $3  }
0x3a: {  	_ = 	snop  }
0x3b: {  	_ = 	snop  }
0x3c: {  	p2 =	seq.s32 s10, $0x1;
	s10 =	sld [smem:$0x3FB4]  }
0x3d: {  	_ =	shalt  }
0x3e: {  	_ =	shalt  }
0x3f: {  	_ =	shalt  }
0x40: {  	_ =	shalt  }
0x41: {  	_ =	shalt  }
0x42: {  	_ =	shalt  }
0x43: {  	_ =	shalt  }
0x44: {  	_ =	shalt  }
0x45: {  	_ =	shalt  }
0x46: {  	_ =	shalt  }
0x47: {  	_ =	shalt  }
0x48: {  	_ =	shalt  }
0x49: {  	_ =	shalt  }
0x4a: {  	_ =	shalt  }
0x4b: {  	_ =	shalt  }
0x4c: {  	_ =	shalt  }
0x4d: {  	_ =	shalt  }
0x4e: {  	_ =	shalt  }
0x4f: {  	_ =	shalt  }
0x50: {  	_ =	shalt  }
0x51: {  	_ =	shalt  }
0x52: {  	_ =	shalt  }
0x53: {  	_ =	shalt  }
0x54: {  	_ =	shalt  }
0x55: {  	_ =	shalt  }
0x56: {  	_ =	shalt  }
0x57: {  	_ =	shalt  }
0x58: {  	_ =	shalt  }
0x59: {  	_ =	shalt  }
0x5a: {  	_ =	shalt  }
0x5b: {  	_ =	shalt  }
0x5c: {  	_ =	shalt  }
0x5d: {  	_ =	shalt  }
0x5e: {  	_ =	shalt  }
0x5f: {  	_ =	shalt  }
0x60: {  	_ =	shalt  }
0x61: {  	_ =	shalt  }
0x62: {  	_ =	shalt  }
0x63: {  	_ =	shalt  }
0x64: {  	_ =	shalt  }
0x65: {  	_ =	shalt  }
0x66: {  	_ =	shalt  }
0x67: {  	_ =	shalt  }
0x68: {  	_ =	shalt  }
0x69: {  	_ =	shalt  }
0x6a: {  	_ =	shalt  }
0x6b: {  	_ =	shalt  }
0x6c: {  	_ =	shalt  }
0x6d: {  	_ =	shalt  }
0x6e: {  	_ =	shalt  }
0x6f: {  	_ =	shalt  }
0x70: {  	_ =	shalt  }
0x71: {  	_ =	shalt  }
0x72: {  	_ =	shalt  }
0x73: {  	_ =	shalt  }
0x74: {  	_ =	shalt  }
0x75: {  	_ =	shalt  }
0x76: {  	_ =	shalt  }
0x77: {  	_ =	shalt  }
0x78: {  	_ =	shalt  }
0x79: {  	_ =	shalt  }
0x7a: {  	_ =	shalt  }
0x7b: {  	_ =	shalt  }
0x7c: {  	_ =	shalt  }
0x7d: {  	_ =	shalt  }
0x7e: {  	_ =	shalt  }
0x7f: {  	_ =	shalt  }
0x80: {  	_ =	shalt  }
0x81: {  	_ =	shalt  }
0x82: {  	_ =	shalt  }
0x83: {  	_ =	shalt  }
0x84: {  	_ =	shalt  }
0x85: {  	_ =	shalt  }
0x86: {  	_ =	shalt  }
0x87: {  	_ =	shalt  }
.Lfunc_end0:
.L_simem_size_0:
called_computation.3_lowered:
.L_overlay_start_0:
0x88: {  	s2 =	sld [smem:$0x3FD9]  }
0x89: {  	s3 =	sld [smem:$0x3FFE];
	_ =	sdelay $0x1  }
0x8a: {  	s1 =	srdreg.scid  }
0x8b: {  	s0 =	sand.u32 $0x1, s1  }
0x8c: {  	s16 =	sshll.u32 s0, $0xA;
	s2 =	sadd.s32 s3, s2  }
0x8d: {  	s2 =	sadd.s32 s2, s16  }
0x8e: {  	[smem:$0x3FC0] =	sst s2  }
0x8f: {  	_ = 	snop  }
0x90: {  	(tm) =	ssettm $0x1  }
0x91: {  	s17 =	sld [smem:$0x3FFB];
	_ =	sdelay $0x3  }
0x92: {  	_ =	strace s17  }
0x93: {  	s2 =	sld [smem:$0x3FFC];
	_ =	sdelay $0x3  }
0x94: {  	_ =	strace s2  }
0x95: {  	s2 =	sld [smem:$0x3FFD];
	_ =	sdelay $0x3  }
0x96: {  	_ =	strace s2  }
0x97: {  	_ =	strace $0x8FFFFFFF  }
0x98: {  	s18 =	sld [smem:$0x3FDB];
	_ =	sdelay $0x1  }
0x99: {  	s19 =	simm.s32 $_scs_section_size  }
0x9a: {  	s4 =	simm.s32 $_size__tile_overlayer_lowered;
	s5 =	simm.s32 $_tile_overlayer_lowered  }
0x9b: {  	s22 =	simm.s32 $0x1BFF;
	s21 =	sshll.u32 s5, $0x1;
	s2 =	sadd.s32 s19, s18  }
0x9c: {  	s6 =	simm.s32 $0x0;
	s20 =	sshll.u32 s4, $0x1;
	s4 =	sadd.s32 s21, s2  }
0x9d: {  	[timem:s6], [sflag:s22] =	dma.local [hbm:s4], s20  }
0x9e: {  	_ =	swait.ge [sflag:s22], s20  }
0x9f: {  	s3 =	ssub.s32 $0x0, s20;
	[sflag:s22] =	ssyncset.done $0x0  }
0xa0: {  	[sflag:s22] =	ssyncadd.s32 s3;
	_ =	sdelay $0x1  }
0xa1: {  	s23 =	simm.s32 $0x1B8B  }
0xa2: {  	_ =	swait.ge [sflag:s23], $0x1  }
0xa3: {  	[sflag:s23] =	ssyncset.done $0x0  }
0xa4: {  	s25 =	simm.s32 $0x1B8E;
	s24 =	sld [smem:$0x3FFE];
	[sflag:s23] =	ssyncadd.s32 $0xFFFFFFFF  }
0xa5: {  	s26 =	simm.s32 $execute0_lowered;
	[smem:$0x3FD2] =	sst s25  }
0xa6: {  	s4 =	sshll.u32 s26, $0x1;
	_ =	strace $0x8000004F;
	[dreg:$0x1] =	wrdreg $0xFFFFFFFF  }
0xa7: {  	s28 =	simm.s32 $_size_execute0_lowered;
	s2 =	sadd.s32 s2, s4;
	[dreg:$0x0] =	wrdreg $0x0  }
0xa8: {  	s4 =	sshll.u32 s28, $0x1;
	[dreg:$0x2] =	wrdreg s2  }
0xa9: {  	[dreg:$0x3] =	wrdreg s4  }
0xaa: {  	[dreg:$0x4] =	wrdreg $0xC0  }
0xab: {  	_ =	task [dreg:s6], $0x5FFFF  }
0xac: {  	[dreg:$0x1] =	wrdreg $0xFFFFFFFF  }
0xad: {  	[dreg:$0x0] =	wrdreg $0x60  }
0xae: {  	[dreg:$0x2] =	wrdreg s24  }
0xaf: {  	[dreg:$0x3] =	wrdreg $0xB0000  }
0xb0: {  	[dreg:$0x4] =	wrdreg $0x9  }
0xb1: {  	_ =	task.clear_ibuf [dreg:s6], $0x5FFFF;
	_ =	strace $0x9000004F  }
0xb2: {  	s29 =	simm.s32 $0x9;
	_ =	strace $0x80000051  }
0xb3: {  	_ =	swait.ge [sflag:s29], $0x1  }
0xb4: {  	[sflag:s29] =	ssyncadd.s32 $0xFFFFFFFF  }
0xb5: {  	_ =	strace $0x90000051  }
0xb6: {  	_ =	sfence  }
0xb7: {  	s30 =	sld [smem:$0x0];
	_ =	sdelay $0x2  }
0xb8: {  	s31 =	sshll.u32 s1, $0xD;
	s1 =	sshrl.u32 s1, $0x2  }
0xb9: {  	s3 =	sand.u32 $0x4000, s31;
	s1 =	sadd.s32 s1, s30  }
0xba: {  	s0 =	sor.u32 s3, s0;
	s1 =	sshll.u32 s1, $0x11  }
0xbb: {  	s0 =	sor.u32 s1, s0  }
0xbc: {  	s0 =	sadd.s32 $0x8F2B, s0  }
0xbd: {  	[sflag:s0] =	ssyncadd.remote.s32 $0x1  }
0xbe: {  	_ =	sfence.sel $0xFFFF  }
0xbf: {  	[dreg:$0x0] =	wrdreg $0xFFFFFFFF;
	(pc) =	sbr.abs _section_cstart, $3  }
0xc0: {  	[dreg:$0x1] =	wrdreg $0xFFFFFFFF  }
0xc1: {  	_ =	task.clear_ibuf [dreg:s6], $0x2FFFF;
	_ =	strace $0x9FFFFFFF  }
0xc2: {  	(tm) =	ssettm $0x7FFFFFFF  }
0xc3: {  	_ =	shalt  }
tec
execute0_lowered:
.L_overlay_start_1:
0x0: {  	(tag) =	ssettag $0x1  }
0x1: {  	s0 =	srdreg.scid  }
0x2: {  	s11 =	stileid.u32;
	s5 =	rddreg [dreg:$0x0]  }
0x3: {  	s2 =	rddreg [dreg:$0x1];
	s3 =	simm.s32 $0x0;
	s12 =	simm.s32 $0xD  }
0x4: {  	s13 =	simm.s32 $0x80;
	s18 =	simm.s32 $0x7;
	s19 =	simm.s32 $0x8  }
0x5: {  	s20 =	simm.s32 $0x9;
	s21 =	simm.s32 $0xA;
	s22 =	simm.s32 $0xB  }
0x6: {  	s23 =	simm.s32 $0xC;
	s24 =	simm.s32 $0x0;
	s0 =	sand.u32 $0x1, s0  }
0x7: {  	s1 =	sshll.u32 s11, $0x1;
	s6 =	smul.u32 $0x5000, s11;
	[smem:$0x7FF] =	sst s3  }
0x8: {  	s4 =	sadd.s32 $0x17C00, s5;
	s30 =	sshll.u32 s11, $0x6;
	s1 =	sor.u32 s0, s1  }
0x9: {  	s7 =	smul.u32 $0x50000, s0;
	_ =	strace $0x80000050;
	s0 =	ssub.s32 $0x2, s0  }
0xa: {  	s1 =	smul.u32 $0x2800, s1;
	s8 =	sshrl.u32 s6, $0x3;
	s9 =	sshrl.u32 s0, $0x1  }
0xb: {  	s31 =	sadd.s32 s6, s2;
	s7 =	sadd.s32 s6, s7;
	s8 =	sadd.s32 s8, s5  }
0xc: {  	s0 =	ssub.s32 s0, s9;
	s6 =	sor.u32 $0x1C0D, s30;
	s1 =	sshrl.u32 s1, $0x3  }
0xd: {  	s11 =	sshrl.u32 s31, $0x3;
	s7 =	sshrl.u32 s7, $0x3;
	s1 =	sadd.s32 s1, s5  }
0xe: {  	s10 =	sadd.s32 s7, s5;
	s5 =	sadd.s32 $0x21C00, s8;
	s7 =	sadd.s32 $0x3C00, s1  }
0xf: {  	s8 =	sadd.s32 $0xDC00, s1;
	s9 =	sadd.s32 $0x2BC00, s10;
	s10 =	smax.u32 s0, $0x1  }
.LBB2_1:
0x10: {  	[spmem:s11], [sflag:s6] =	dma.local [hbm:s5], $0xA00  }
0x11: {  	_ =	swait.ge [sflag:s12], $0xA00  }
0x12: {  	[sflag:s12] =	ssyncset.done $0x0  }
0x13: {  	[sflag:s12] =	ssyncadd.s32 $0xFFFFF600  }
0x14: {  	[tilespmem:s3], [sflag:$0xD] =	stream.linear.gather [hbm4b:s7+s3], $0x2800, $0x38;
	[tilespmem:$0x10000] =	vst v63  }
0x15: {  	_ =	swait.ge [sflag:s12], $0x2800  }
0x16: {  	[sflag:s12] =	ssyncset.done $0x0  }
0x17: {  	s26 =	simm.s32 $0x2800;
	[sflag:s12] =	ssyncadd.s32 $0xFFFFD800  }
0x18: {  	[tilespmem:s26], [sflag:$0xD] =	stream.linear.gather [hbm4b:s8+s3], $0x2800, $0x38;
	[tilespmem:$0x10000] =	vst v63  }
0x19: {  	_ =	swait.ge [sflag:s12], $0x2800  }
0x1a: {  	[sflag:s12] =	ssyncset.done $0x0  }
0x1b: {  	[sflag:s12] =	ssyncadd.s32 $0xFFFFD800  }
0x1c: {  	s0 =	simm.s32 $0x5000;
	s15 =	simm.s32 $0x3;
	[bflag:$0x0] =	sbarrier.arrive $0xFFFF  }
0x1d: {  	[tilespmem:s0], [sflag:$0x1] =	stream.indirect.gather [hbm4b:s4+s13], $0x20, s3, s13, $0xb8;
	[tilespmem:$0x10000] =	vst v63  }
0x1e: {  	s14 =	simm.s32 $0x6000;
	s0 =	smul.u32 $0xAB, s15  }
0x1f: {  	[tilespmem:s14], [sflag:$0x2] =	stream.indirect.gather [hbm4b:s4+s13], $0x20, s13, s13, $0xb8;
	[tilespmem:$0x10000] =	vst v63  }
0x20: {  	s1 =	simm.s32 $0x100;
	s0 =	sshrl.u32 s0, $0xA  }
0x21: {  	s16 =	smul.u32 $0xAB, s3;
	s14 =	simm.s32 $0x7000;
	s0 =	sand.u32 $0x3F, s0  }
0x22: {  	[tilespmem:s14], [sflag:$0x3] =	stream.indirect.gather [hbm4b:s4+s13], $0x20, s1, s13, $0xb8;
	[tilespmem:$0x10000] =	vst v63  }
0x23: {  	s25 =	simm.s32 $0x1;
	s30 =	simm.s32 $0x2;
	s0 =	smul.u32 $0x6, s0  }
0x24: {  	p0 =	por $0x0, $0x0;
	s28 =	simm.s32 $0x200;
	s1 =	sshrl.u32 s16, $0xA  }
0x25: {  	p1 =	por @!p0 $0x1, $0x1;
	s1 =	sand.u32 $0x3F, s1;
	s0 =	ssub.s32 $0x3, s0  }
0x26: {  	p1 =	por p1, p0;
	s1 =	smul.u32 $0x6, s1;
	s0 =	sand.u32 $0xFF, s0  }
0x27: {  	s15 =	simm.s32 @!p0 $0x80;
	s14 =	simm.s32 $0x180;
	s29 =	sadd.s32 @!p1 $0x7, s0  }
0x28: {  	s31 =	sshll.u32 @!p0 s0, $0xC;
	s1 =	ssub.s32 $0x0, s1;
	_ =	swait.ge @!p1 [sflag:s29], $0x1000  }
0x29: {  	s0 =	sadd.s32 @!p0 $0x1, s0;
	s1 =	sand.u32 $0xFF, s1;
	[sflag:s29] =	ssyncset.done @!p1 $0x0  }
0x2a: {  	s16 =	sadd.s32 $0x1, s1;
	[sflag:s29] =	ssyncadd.s32 @!p1 $0xFFFFF000;
	s29 =	sadd.s32 @!p0 $0x5000, s31  }
0x2b: {  	[tilespmem:s29], [sflag:s0] =	stream.indirect.gather @!p0 [hbm4b:s4+s15], $0x20, s14, s15, $0xb8;
	[tilespmem:$0x10000] =	vst v63  }
0x2c: {  	s17 =	sshll.u32 s1, $0xC;
	s31 =	simm.s32 $0x4;
	_ =	swait.ge [sflag:s16], $0x1000  }
0x2d: {  	s29 =	simm.s32 $0x2880;
	s0 =	sadd.s32 $0x7, s1;
	[sflag:s16] =	ssyncset.done $0x0  }
0x2e: {  	s1 =	smul.u32 $0xAB, s31;
	s14 =	sadd.s32 $0x5000, s17;
	[sflag:s16] =	ssyncadd.s32 $0xFFFFF000  }
.LBB2_2:
0x2f: {  	[spmem:s2] =	stream.indirect.scatter.add.f32 [tilespmem:s14], [sflag:s0], $0x20, s26, s13, $0xb8;
	[tilespmem:$0x10000] =	vst v63  }
0x30: {  	s0 =	smov.u32 s25;
	s25 =	smov.u32 s30  }
0x31: {  	s14 =	smov.u32 s28;
	s30 =	sadd.s32 $0x1, s30;
	s1 =	sshrl.u32 s1, $0xA  }
0x32: {  	s26 =	smov.u32 s29;
	s15 =	smul.u32 $0xAB, s0;
	s1 =	sand.u32 $0x3F, s1  }
0x33: {  	p0 =	sne.s32 s30, $0x50;
	s1 =	smul.u32 $0x6, s1  }
0x34: {  	p1 =	sgt.u32 s0, $0x4C;
	s15 =	sshrl.u32 s15, $0xA  }
0x35: {  	p2 =	slt.u32 @!p1 s0, $0x3;
	s15 =	sand.u32 $0x3F, s15;
	s1 =	ssub.s32 s31, s1  }
0x36: {  	p2 =	por p2, p1;
	s15 =	smul.u32 $0x6, s15;
	s1 =	sand.u32 $0xFF, s1  }
0x37: {  	s16 =	sadd.s32 @!p2 $0x7, s1  }
0x38: {  	s31 =	sshll.u32 @!p1 s1, $0xC;
	s1 =	sadd.s32 @!p1 $0x1, s1;
	s0 =	ssub.s32 s0, s15  }
0x39: {  	s28 =	sadd.s32 $0x80, s28;
	_ =	swait.ge @!p2 [sflag:s16], $0x1000;
	s0 =	sand.u32 $0xFF, s0  }
0x3a: {  	s15 =	simm.s32 @!p1 $0x80;
	[sflag:s16] =	ssyncset.done @!p2 $0x0;
	s17 =	sadd.s32 $0x1, s0  }
.Ltmp0:
0x3b: {  	[sflag:s16] =	ssyncadd.s32 @!p2 $0xFFFFF000;
	s16 =	sadd.s32 @!p1 $0x5000, s31;
	(pc) =	sbr.rel @p0 .LBB2_2-.Ltmp0, $4  }
0x3c: {  	[tilespmem:s16], [sflag:s1] =	stream.indirect.gather @!p1 [hbm4b:s4+s15], $0x20, s14, s15, $0xb8;
	[tilespmem:$0x10000] =	vst v63  }
0x3d: {  	s29 =	sadd.s32 $0x80, s29;
	s14 =	sshll.u32 s0, $0xC;
	_ =	swait.ge [sflag:s17], $0x1000  }
0x3e: {  	s31 =	sadd.s32 $0x3, s25;
	s0 =	sadd.s32 $0x7, s0;
	[sflag:s17] =	ssyncset.done $0x0  }
0x3f: {  	s1 =	smul.u32 $0xAB, s31;
	s14 =	sadd.s32 $0x5000, s14;
	[sflag:s17] =	ssyncadd.s32 $0xFFFFF000  }
0x40: {  	[spmem:s2] =	stream.indirect.scatter.add.f32 [tilespmem:s14], [sflag:s0], $0x20, s26, s13, $0xb8;
	[tilespmem:$0x10000] =	vst v63  }
0x41: {  	s17 =	sshrl.u32 s1, $0xA  }
0x42: {  	s26 =	smul.u32 $0xAB, s25;
	s0 =	sand.u32 $0x3F, s17  }
0x43: {  	s0 =	smul.u32 $0x6, s0  }
0x44: {  	p0 =	sgt.u32 s25, $0x4C;
	s1 =	sshrl.u32 s26, $0xA  }
0x45: {  	p1 =	slt.u32 @!p0 s25, $0x3;
	s1 =	sand.u32 $0x3F, s1;
	s0 =	ssub.s32 s31, s0  }
0x46: {  	p1 =	por p1, p0;
	s1 =	smul.u32 $0x6, s1;
	s0 =	sand.u32 $0xFF, s0  }
0x47: {  	s16 =	simm.s32 @!p0 $0x80;
	s14 =	sadd.s32 @!p1 $0x7, s0  }
0x48: {  	s1 =	ssub.s32 s25, s1;
	s15 =	sshll.u32 @!p0 s0, $0xC;
	_ =	swait.ge @!p1 [sflag:s14], $0x1000  }
0x49: {  	s0 =	sadd.s32 @!p0 $0x1, s0;
	s1 =	sand.u32 $0xFF, s1;
	[sflag:s14] =	ssyncset.done @!p1 $0x0  }
0x4a: {  	s30 =	sadd.s32 $0x1, s1;
	[sflag:s14] =	ssyncadd.s32 @!p1 $0xFFFFF000;
	s14 =	sadd.s32 @!p0 $0x5000, s15  }
0x4b: {  	[tilespmem:s14], [sflag:s0] =	stream.indirect.gather @!p0 [hbm4b:s4+s16], $0x20, s28, s16, $0xb8;
	[tilespmem:$0x10000] =	vst v63  }
0x4c: {  	_ =	swait.ge [sflag:s30], $0x1000  }
0x4d: {  	s31 =	sshll.u32 s1, $0xC;
	[sflag:s30] =	ssyncset.done $0x0  }
0x4e: {  	s1 =	sadd.s32 $0x7, s1;
	s0 =	sadd.s32 $0x5000, s31;
	[sflag:s30] =	ssyncadd.s32 $0xFFFFF000  }
0x4f: {  	[spmem:s2] =	stream.indirect.scatter.add.f32 [tilespmem:s0], [sflag:s1], $0x20, s29, s13, $0xb8;
	[tilespmem:$0x10000] =	vst v63  }
0x50: {  	_ =	swait.ge [sflag:s18], $0x1000  }
0x51: {  	[sflag:s18] =	ssyncset.done $0x0  }
0x52: {  	[sflag:s18] =	ssyncadd.s32 $0xFFFFF000  }
0x53: {  	_ =	swait.ge [sflag:s19], $0x1000  }
0x54: {  	[sflag:s19] =	ssyncset.done $0x0  }
0x55: {  	[sflag:s19] =	ssyncadd.s32 $0xFFFFF000  }
0x56: {  	_ =	swait.ge [sflag:s20], $0x1000  }
0x57: {  	[sflag:s20] =	ssyncset.done $0x0  }
0x58: {  	[sflag:s20] =	ssyncadd.s32 $0xFFFFF000  }
0x59: {  	_ =	swait.ge [sflag:s21], $0x1000  }
0x5a: {  	[sflag:s21] =	ssyncset.done $0x0  }
0x5b: {  	[sflag:s21] =	ssyncadd.s32 $0xFFFFF000  }
0x5c: {  	_ =	swait.ge [sflag:s22], $0x1000  }
0x5d: {  	[sflag:s22] =	ssyncset.done $0x0  }
0x5e: {  	[sflag:s22] =	ssyncadd.s32 $0xFFFFF000  }
0x5f: {  	_ =	swait.ge [sflag:s23], $0x1000  }
0x60: {  	s24 =	sadd.s32 $0x1, s24;
	[sflag:s23] =	ssyncset.done $0x0  }
0x61: {  	p0 =	sne.s32 s24, s10;
	[sflag:s23] =	ssyncadd.s32 $0xFFFFF000  }
.Ltmp1:
0x62: {  	[bflag:$0x0] =	sbarrier.arrive $0xFFFF;
	(pc) =	sbr.rel @p0 .LBB2_1-.Ltmp1, $4  }
0x63: {  	[hbm:s9], [sflag:s6] =	dma.local [spmem:s11], $0xA00  }
0x64: {  	_ =	swait.ge [sflag:s12], $0xA00  }
0x65: {  	[sflag:s12] =	ssyncset.done $0x0  }
0x66: {  	[sflag:s12] =	ssyncadd.s32 $0xFFFFF600  }
0x67: {  	_ =	sfence.sel $0x180000  }
0x68: {  	[bflag:$0x0] =	sbarrier.arrive $0xFFFF  }
0x69: {  	_ =	strace $0x90000050  }
0x6a: {  	s0 =	stileid.u32;
	[bflag:$0x2] =	sbarrier.arrive $0xFFFF  }
0x6b: {  	p0 =	sne.s32 s0, $0x0;
	s0 =	rddreg [dreg:$0x2]  }
0x6c: {  	s0 =	sadd.s32 @!p0 $0x100000, s0  }
0x6d: {  	[sflag:s0] =	ssyncadd.tile.s32 @!p0 $0x1;
	_ =	shalt  }
.Lfunc_end2:
_tile_overlayer_lowered:
.L_overlay_start_2:
0x6e: {  	(tag) =	ssettag $0x2  }
0x6f: {  	s0 =	rddreg [dreg:$0x0];
	s2 =	stileid.u32  }
0x70: {  	s1 =	rddreg [dreg:$0x1];
	p0 =	sne.s32 s2, $0x0  }
0x71: {  	s3 =	rddreg [dreg:$0x2];
	[bflag:$0x3] =	sbarrier.arrive $0xFFFF;
	s2 =	simm.s32 @!p0 $0x1C0D  }
0x72: {  	[timem:s3], [sflag:s2] =	dma.local @!p0 [hbm:s0], s1  }
0x73: {  	s0 =	simm.s32 @!p0 $0xD  }
0x74: {  	_ =	swait.ge @!p0 [sflag:s0], s1  }
0x75: {  	s1 =	ssub.s32 @!p0 $0x0, s1;
	[sflag:s0] =	ssyncset.done @!p0 $0x0  }
0x76: {  	[sflag:s0] =	ssyncadd.s32 @!p0 s1  }
0x77: {  	[bflag:$0x3] =	sbarrier.arrive $0xFFFF  }
0x78: {  	_ =	shalt  }

</sc_bundles>
